<compile_context>
chip_gen: v7x
topology: tpu7x:2x2x1
jax: 0.10.2.dev20260603
libtpu: 0.0.44.dev20260713+nightly
codegen_flags: <defaults>
</compile_context>

<pallas_src>
import functools

import jax
import jax.numpy as jnp
from jax import lax
from jax.experimental import pallas as pl
from jax.experimental.pallas import tpu as pltpu
from jax.experimental.pallas import tpu_sc as plsc

SEP_ID = 102
SEQ_LEN = 8192
EMBED_DIM = 128
NUM_CORES = 2
NUM_SUBCORES = 16
LANES = 16
NUM_WORKERS = NUM_CORES * NUM_SUBCORES
ROWS_PER_W = SEQ_LEN // NUM_WORKERS
SCAN_PER_SUB = SEQ_LEN // NUM_SUBCORES
SCAN_CHUNKS = SCAN_PER_SUB // LANES
SCAN_UNROLL = 8
NCOL = EMBED_DIM // LANES
FILL_UNROLL = 4

_mesh = plsc.VectorSubcoreMesh(core_axis_name="c", subcore_axis_name="s")


@functools.partial(
    pl.kernel,
    mesh=_mesh,
    out_type=(jax.ShapeDtypeStruct((SEQ_LEN, EMBED_DIM), jnp.float32),
              jax.ShapeDtypeStruct((NUM_WORKERS, LANES), jnp.int32)),
    scratch_types=[
        pltpu.VMEM((SCAN_PER_SUB,), jnp.int32),
        pltpu.VMEM((2, EMBED_DIM), jnp.float32),
        pltpu.VMEM((1, LANES), jnp.int32),
        pltpu.VMEM((NUM_SUBCORES, LANES), jnp.int32),
        pltpu.VMEM((ROWS_PER_W, EMBED_DIM), jnp.float32),
        pltpu.VMEM_SHARED((NUM_SUBCORES, LANES), jnp.int32),
        pltpu.SemaphoreType.DMA,
    ],
)
def _seg_embed(x_hbm, table_hbm, out_hbm, stage_hbm, xv, tablev, accv,
               stagev, rowsv, shared, semx):
    cid = lax.axis_index("c")
    sid = lax.axis_index("s")
    wid = sid * NUM_CORES + cid
    out_base = wid * ROWS_PER_W
    scan_base = sid * SCAN_PER_SUB

    xcopy = pltpu.async_copy(x_hbm.at[pl.ds(scan_base, SCAN_PER_SUB)], xv,
                             semx)
    pltpu.sync_copy(table_hbm, tablev)

    lane = lax.iota(jnp.int32, LANES)
    xcopy.wait()

    def scan_body(j, carry):
        acc, gidx = carry
        for u in range(SCAN_UNROLL):
            v = xv[pl.ds((j * SCAN_UNROLL + u) * LANES, LANES)]
            acc = jnp.maximum(acc, jnp.where(v == SEP_ID, gidx, -1))
            gidx = gidx + LANES
        return acc, gidx

    acc, _ = lax.fori_loop(0, SCAN_CHUNKS // SCAN_UNROLL, scan_body,
                           (jnp.full((LANES,), -1, jnp.int32),
                            scan_base + lane))
    accv[0, pl.ds(0, LANES)] = acc

    widc = cid * NUM_SUBCORES + sid
    pltpu.sync_copy(accv, stage_hbm.at[pl.ds(widc, 1)])
    plsc.subcore_barrier()

    @pl.when(cid == 0)
    def _():
        pltpu.sync_copy(stage_hbm.at[pl.ds(0, NUM_SUBCORES)], stagev)

    @pl.when(cid == 1)
    def _():
        pltpu.sync_copy(stage_hbm.at[pl.ds(NUM_SUBCORES, NUM_SUBCORES)],
                        stagev)

    mvec = stagev[0, pl.ds(0, LANES)]
    for r in range(1, NUM_SUBCORES):
        mvec = jnp.maximum(mvec, stagev[r, pl.ds(0, LANES)])

    last = mvec[0]
    for i in range(1, LANES):
        last = jnp.maximum(last, mvec[i])
    input_len = jnp.where(last >= 0, last, SEQ_LEN)

    row0 = [tablev[0, pl.ds(c * LANES, LANES)] for c in range(NCOL)]
    row1 = [tablev[1, pl.ds(c * LANES, LANES)] for c in range(NCOL)]
    diff = [row1[c] - row0[c] for c in range(NCOL)]

    n0 = jnp.clip(input_len - out_base, 0, ROWS_PER_W)
    zero = lane * 0

    copies = []
    for q in range(4):
        qbase = q * 64

        def fill_body(j, _, qbase=qbase):
            for u in range(FILL_UNROLL):
                r = qbase + j * FILL_UNROLL + u
                m = jnp.where((zero + r) >= n0, 1, 0).astype(jnp.float32)
                for c in range(NCOL):
                    rowsv[r, pl.ds(c * LANES, LANES)] = (
                        row0[c] + m * diff[c])
            return 0

        lax.fori_loop(0, 64 // FILL_UNROLL, fill_body, 0)
        copies.append(pltpu.async_copy(
            rowsv.at[pl.ds(qbase, 64)],
            out_hbm.at[pl.ds(out_base + qbase, 64)], semx))
    for cp in copies:
        cp.wait()


def kernel(x, table):
    return _seg_embed(x, table)[0]

# --- scband reference (transcript-rebuilt; emitter-appended) ---
"""Pipeline reference for scband-segment-embedding-17669495455987 (READ-ONLY COPY).

The authoritative reference and input builder live on the scoring server;
editing this copy changes nothing except your own understanding.
"""

import jax, jax.numpy as jnp
import numpy as np

SEP_ID = 102
SEQ_LEN = 8192
EMBED_DIM = 128


def setup_inputs(seed: int = 0) -> dict:
    key = jax.random.key(seed)
    k1, k2 = jax.random.split(key)
    x = jax.random.randint(k1, (SEQ_LEN,), 0, 1000, dtype=jnp.int32)
    # guarantee a SEP token exists mid-sequence (BERT-style segment split)
    x = x.at[SEQ_LEN // 2].set(SEP_ID)
    # nn.Embedding(2, embedding_dimension) weight
    table = jax.random.normal(k2, (2, EMBED_DIM), dtype=jnp.float32)
    return {"x": x, "table": table}


def reference(x, table):
    # Original torch forward scans the whole sequence and keeps overwriting
    # input_length on every SEP hit -> effectively the LAST occurrence of SEP;
    # if no SEP is present, input_length = len(x).
    L = x.shape[0]
    matches = (x == SEP_ID)
    last_idx = L - 1 - jnp.argmax(matches[::-1])
    input_length = jnp.where(matches.any(), last_idx, L)
    # rows [:input_length] <- embeddings row 0, rows [input_length:] <- row 1
    seg_ids = (jnp.arange(L) >= input_length).astype(jnp.int32)
    out = jnp.take(table, seg_ids, axis=0)
    return out

if __name__ == "__main__":
    import jax
    _d = setup_inputs()
    print(jax.jit(kernel)(*tuple(_d.values())))

</pallas_src>

<mosaic_0001>
#map = affine_map<(d0, d1) -> (0)>
#map1 = affine_map<(d0, d1) -> (0, 0)>
module attributes {stable_mosaic.version = 14 : i64} {
  func.func @_seg_embed(%arg0: i32, %arg1: i32, %arg2: memref<8192xi32, #tpu.memory_space<hbm>>, %arg3: memref<2x128xf32, #tpu.memory_space<hbm>>, %arg4: memref<8192x128xf32, #tpu.memory_space<hbm>>, %arg5: memref<32x16xi32, #tpu.memory_space<hbm>>, %arg6: memref<512xi32, #tpu.memory_space<vmem>>, %arg7: memref<2x128xf32, #tpu.memory_space<vmem>>, %arg8: memref<1x16xi32, #tpu.memory_space<vmem>>, %arg9: memref<16x16xi32, #tpu.memory_space<vmem>>, %arg10: memref<256x128xf32, #tpu.memory_space<vmem>>, %arg11: memref<16x16xi32, #tpu.memory_space<vmem_shared>>, %arg12: memref<!tpu.dma_semaphore, #tpu.memory_space<semaphore_mem>>) attributes {dimension_semantics = [#tpu.dimension_semantics<core_parallel>, #tpu.dimension_semantics<subcore_parallel>], iteration_bounds = array<i64: 2, 16>, scalar_prefetch = 0 : i64, scratch_operands = 7 : i64, tpu.core_type = #tpu.core_type<sc_vector_subcore>, window_params = [{transform_indices = #map}, {transform_indices = #map1}, {transform_indices = #map1}, {transform_indices = #map1}]} {
    %mul3A = arith.constant 2 : i32
    %mul3A_0 = arith.muli %arg1, %mul3A : i32
    %add3A = arith.addi %mul3A_0, %arg0 : i32
    %mul3A_1 = arith.constant 256 : i32
    %mul3A_2 = arith.muli %add3A, %mul3A_1 : i32
    %mul3A_3 = arith.constant 512 : i32
    %mul3A_4 = arith.muli %arg1, %mul3A_3 : i32
    %dma_start3A = tpu.memref_slice %arg2[%mul3A_4] : memref<8192xi32, #tpu.memory_space<hbm>> -> memref<512xi32, #tpu.memory_space<hbm>>
    %dma_start3A_5 = tpu.memref_slice %arg2[%mul3A_4] : memref<8192xi32, #tpu.memory_space<hbm>> -> memref<512xi32, #tpu.memory_space<hbm>>
    tpu.enqueue_dma source(%dma_start3A_5 : memref<512xi32, #tpu.memory_space<hbm>>) target(%arg6 : memref<512xi32, #tpu.memory_space<vmem>>) target_semaphore(%arg12 : memref<!tpu.dma_semaphore, #tpu.memory_space<semaphore_mem>>)
    "tpu.region"() ({
      %run_scoped3A = tpu.sem_alloc : memref<!tpu.dma_semaphore, #tpu.memory_space<semaphore_mem>>
      tpu.enqueue_dma source(%arg3 : memref<2x128xf32, #tpu.memory_space<hbm>>) target(%arg7 : memref<2x128xf32, #tpu.memory_space<vmem>>) target_semaphore(%run_scoped3A : memref<!tpu.dma_semaphore, #tpu.memory_space<semaphore_mem>>)
      tpu.wait_dma2 semaphore(%run_scoped3A : memref<!tpu.dma_semaphore, #tpu.memory_space<semaphore_mem>>) src(%arg3 : memref<2x128xf32, #tpu.memory_space<hbm>>) dst(%arg7 : memref<2x128xf32, #tpu.memory_space<vmem>>)
      tpu.yield
    }) : () -> ()
    %iota3A = tpu.iota {dimensions = array<i32: 0>} : vector<16xi32>
    %dma_wait3A = tpu.memref_slice %arg2[%mul3A_4] : memref<8192xi32, #tpu.memory_space<hbm>> -> memref<512xi32, #tpu.memory_space<hbm>>
    %dma_wait3A_6 = tpu.memref_slice %arg2[%mul3A_4] : memref<8192xi32, #tpu.memory_space<hbm>> -> memref<512xi32, #tpu.memory_space<hbm>>
    tpu.wait_dma2 semaphore(%arg12 : memref<!tpu.dma_semaphore, #tpu.memory_space<semaphore_mem>>) src(%dma_wait3A_6 : memref<512xi32, #tpu.memory_space<hbm>>) dst(%arg6 : memref<512xi32, #tpu.memory_space<vmem>>)
    %broadcast_in_dim3A = arith.constant -1 : i32
    %broadcast_in_dim3A_7 = vector.broadcast %broadcast_in_dim3A : i32 to vector<16xi32>
    %add3A_8 = vector.broadcast %mul3A_4 : i32 to vector<16xi32>
    %add3A_9 = arith.addi %add3A_8, %iota3A : vector<16xi32>
    %scan3A = arith.constant 0 : i32
    %scan3A_10 = arith.constant 4 : i32
    %scan3A_11 = arith.addi %scan3A, %scan3A_10 : i32
    %scan3A_12 = arith.constant 1 : i32
    %scan3A_13:2 = scf.for %scan3A_379 = %scan3A to %scan3A_11 step %scan3A_12 iter_args(%scan3A_380 = %broadcast_in_dim3A_7, %scan3A_381 = %add3A_9) -> (vector<16xi32>, vector<16xi32>)  : i32 {
      %mul3A_382 = arith.constant 8 : i32
      %mul3A_383 = arith.muli %scan3A_379, %mul3A_382 : i32
      %add3A_384 = arith.constant 0 : i32
      %add3A_385 = arith.addi %mul3A_383, %add3A_384 : i32
      %mul3A_386 = arith.constant 16 : i32
      %mul3A_387 = arith.muli %add3A_385, %mul3A_386 : i32
      %get3A_388 = arith.index_cast %mul3A_387 : i32 to index
      %get3A_389 = tpu.vector_load %arg6[%get3A_388] {strides = array<i32>} : memref<512xi32, #tpu.memory_space<vmem>>, vector<16xi32>,
      %get3A_390 = vector.shape_cast %get3A_389 : vector<16xi32> to vector<16xi32>
      %eq3A_391 = arith.constant 102 : i32
      %eq3A_392 = vector.broadcast %eq3A_391 : i32 to vector<16xi32>
      %eq3A_393 = arith.cmpi eq, %get3A_390, %eq3A_392 : vector<16xi32>
      %jit3A_394 = arith.constant -1 : i32
      %broadcast_in_dim3A_395 = vector.broadcast %jit3A_394 : i32 to vector<16xi32>
      %select_n3A_396 = arith.select %eq3A_393, %scan3A_381, %broadcast_in_dim3A_395 : vector<16xi1>, vector<16xi32>
      %max3A_397 = arith.maxsi %scan3A_380, %select_n3A_396 : vector<16xi32>
      %add3A_398 = arith.constant 16 : i32
      %add3A_399 = vector.broadcast %add3A_398 : i32 to vector<16xi32>
      %add3A_400 = arith.addi %scan3A_381, %add3A_399 : vector<16xi32>
      %mul3A_401 = arith.constant 8 : i32
      %mul3A_402 = arith.muli %scan3A_379, %mul3A_401 : i32
      %add3A_403 = arith.constant 1 : i32
      %add3A_404 = arith.addi %mul3A_402, %add3A_403 : i32
      %mul3A_405 = arith.constant 16 : i32
      %mul3A_406 = arith.muli %add3A_404, %mul3A_405 : i32
      %get3A_407 = arith.index_cast %mul3A_406 : i32 to index
      %get3A_408 = tpu.vector_load %arg6[%get3A_407] {strides = array<i32>} : memref<512xi32, #tpu.memory_space<vmem>>, vector<16xi32>,
      %get3A_409 = vector.shape_cast %get3A_408 : vector<16xi32> to vector<16xi32>
      %eq3A_410 = arith.constant 102 : i32
      %eq3A_411 = vector.broadcast %eq3A_410 : i32 to vector<16xi32>
      %eq3A_412 = arith.cmpi eq, %get3A_409, %eq3A_411 : vector<16xi32>
      %jit3A_413 = arith.constant -1 : i32
      %broadcast_in_dim3A_414 = vector.broadcast %jit3A_413 : i32 to vector<16xi32>
      %select_n3A_415 = arith.select %eq3A_412, %add3A_400, %broadcast_in_dim3A_414 : vector<16xi1>, vector<16xi32>
      %max3A_416 = arith.maxsi %max3A_397, %select_n3A_415 : vector<16xi32>
      %add3A_417 = arith.constant 16 : i32
      %add3A_418 = vector.broadcast %add3A_417 : i32 to vector<16xi32>
      %add3A_419 = arith.addi %add3A_400, %add3A_418 : vector<16xi32>
      %mul3A_420 = arith.constant 8 : i32
      %mul3A_421 = arith.muli %scan3A_379, %mul3A_420 : i32
      %add3A_422 = arith.constant 2 : i32
      %add3A_423 = arith.addi %mul3A_421, %add3A_422 : i32
      %mul3A_424 = arith.constant 16 : i32
      %mul3A_425 = arith.muli %add3A_423, %mul3A_424 : i32
      %get3A_426 = arith.index_cast %mul3A_425 : i32 to index
      %get3A_427 = tpu.vector_load %arg6[%get3A_426] {strides = array<i32>} : memref<512xi32, #tpu.memory_space<vmem>>, vector<16xi32>,
      %get3A_428 = vector.shape_cast %get3A_427 : vector<16xi32> to vector<16xi32>
      %eq3A_429 = arith.constant 102 : i32
      %eq3A_430 = vector.broadcast %eq3A_429 : i32 to vector<16xi32>
      %eq3A_431 = arith.cmpi eq, %get3A_428, %eq3A_430 : vector<16xi32>
      %jit3A_432 = arith.constant -1 : i32
      %broadcast_in_dim3A_433 = vector.broadcast %jit3A_432 : i32 to vector<16xi32>
      %select_n3A_434 = arith.select %eq3A_431, %add3A_419, %broadcast_in_dim3A_433 : vector<16xi1>, vector<16xi32>
      %max3A_435 = arith.maxsi %max3A_416, %select_n3A_434 : vector<16xi32>
      %add3A_436 = arith.constant 16 : i32
      %add3A_437 = vector.broadcast %add3A_436 : i32 to vector<16xi32>
      %add3A_438 = arith.addi %add3A_419, %add3A_437 : vector<16xi32>
      %mul3A_439 = arith.constant 8 : i32
      %mul3A_440 = arith.muli %scan3A_379, %mul3A_439 : i32
      %add3A_441 = arith.constant 3 : i32
      %add3A_442 = arith.addi %mul3A_440, %add3A_441 : i32
      %mul3A_443 = arith.constant 16 : i32
      %mul3A_444 = arith.muli %add3A_442, %mul3A_443 : i32
      %get3A_445 = arith.index_cast %mul3A_444 : i32 to index
      %get3A_446 = tpu.vector_load %arg6[%get3A_445] {strides = array<i32>} : memref<512xi32, #tpu.memory_space<vmem>>, vector<16xi32>,
      %get3A_447 = vector.shape_cast %get3A_446 : vector<16xi32> to vector<16xi32>
      %eq3A_448 = arith.constant 102 : i32
      %eq3A_449 = vector.broadcast %eq3A_448 : i32 to vector<16xi32>
      %eq3A_450 = arith.cmpi eq, %get3A_447, %eq3A_449 : vector<16xi32>
      %jit3A_451 = arith.constant -1 : i32
      %broadcast_in_dim3A_452 = vector.broadcast %jit3A_451 : i32 to vector<16xi32>
      %select_n3A_453 = arith.select %eq3A_450, %add3A_438, %broadcast_in_dim3A_452 : vector<16xi1>, vector<16xi32>
      %max3A_454 = arith.maxsi %max3A_435, %select_n3A_453 : vector<16xi32>
      %add3A_455 = arith.constant 16 : i32
      %add3A_456 = vector.broadcast %add3A_455 : i32 to vector<16xi32>
      %add3A_457 = arith.addi %add3A_438, %add3A_456 : vector<16xi32>
      %mul3A_458 = arith.constant 8 : i32
      %mul3A_459 = arith.muli %scan3A_379, %mul3A_458 : i32
      %add3A_460 = arith.constant 4 : i32
      %add3A_461 = arith.addi %mul3A_459, %add3A_460 : i32
      %mul3A_462 = arith.constant 16 : i32
      %mul3A_463 = arith.muli %add3A_461, %mul3A_462 : i32
      %get3A_464 = arith.index_cast %mul3A_463 : i32 to index
      %get3A_465 = tpu.vector_load %arg6[%get3A_464] {strides = array<i32>} : memref<512xi32, #tpu.memory_space<vmem>>, vector<16xi32>,
      %get3A_466 = vector.shape_cast %get3A_465 : vector<16xi32> to vector<16xi32>
      %eq3A_467 = arith.constant 102 : i32
      %eq3A_468 = vector.broadcast %eq3A_467 : i32 to vector<16xi32>
      %eq3A_469 = arith.cmpi eq, %get3A_466, %eq3A_468 : vector<16xi32>
      %jit3A_470 = arith.constant -1 : i32
      %broadcast_in_dim3A_471 = vector.broadcast %jit3A_470 : i32 to vector<16xi32>
      %select_n3A_472 = arith.select %eq3A_469, %add3A_457, %broadcast_in_dim3A_471 : vector<16xi1>, vector<16xi32>
      %max3A_473 = arith.maxsi %max3A_454, %select_n3A_472 : vector<16xi32>
      %add3A_474 = arith.constant 16 : i32
      %add3A_475 = vector.broadcast %add3A_474 : i32 to vector<16xi32>
      %add3A_476 = arith.addi %add3A_457, %add3A_475 : vector<16xi32>
      %mul3A_477 = arith.constant 8 : i32
      %mul3A_478 = arith.muli %scan3A_379, %mul3A_477 : i32
      %add3A_479 = arith.constant 5 : i32
      %add3A_480 = arith.addi %mul3A_478, %add3A_479 : i32
      %mul3A_481 = arith.constant 16 : i32
      %mul3A_482 = arith.muli %add3A_480, %mul3A_481 : i32
      %get3A_483 = arith.index_cast %mul3A_482 : i32 to index
      %get3A_484 = tpu.vector_load %arg6[%get3A_483] {strides = array<i32>} : memref<512xi32, #tpu.memory_space<vmem>>, vector<16xi32>,
      %get3A_485 = vector.shape_cast %get3A_484 : vector<16xi32> to vector<16xi32>
      %eq3A_486 = arith.constant 102 : i32
      %eq3A_487 = vector.broadcast %eq3A_486 : i32 to vector<16xi32>
      %eq3A_488 = arith.cmpi eq, %get3A_485, %eq3A_487 : vector<16xi32>
      %jit3A_489 = arith.constant -1 : i32
      %broadcast_in_dim3A_490 = vector.broadcast %jit3A_489 : i32 to vector<16xi32>
      %select_n3A_491 = arith.select %eq3A_488, %add3A_476, %broadcast_in_dim3A_490 : vector<16xi1>, vector<16xi32>
      %max3A_492 = arith.maxsi %max3A_473, %select_n3A_491 : vector<16xi32>
      %add3A_493 = arith.constant 16 : i32
      %add3A_494 = vector.broadcast %add3A_493 : i32 to vector<16xi32>
      %add3A_495 = arith.addi %add3A_476, %add3A_494 : vector<16xi32>
      %mul3A_496 = arith.constant 8 : i32
      %mul3A_497 = arith.muli %scan3A_379, %mul3A_496 : i32
      %add3A_498 = arith.constant 6 : i32
      %add3A_499 = arith.addi %mul3A_497, %add3A_498 : i32
      %mul3A_500 = arith.constant 16 : i32
      %mul3A_501 = arith.muli %add3A_499, %mul3A_500 : i32
      %get3A_502 = arith.index_cast %mul3A_501 : i32 to index
      %get3A_503 = tpu.vector_load %arg6[%get3A_502] {strides = array<i32>} : memref<512xi32, #tpu.memory_space<vmem>>, vector<16xi32>,
      %get3A_504 = vector.shape_cast %get3A_503 : vector<16xi32> to vector<16xi32>
      %eq3A_505 = arith.constant 102 : i32
      %eq3A_506 = vector.broadcast %eq3A_505 : i32 to vector<16xi32>
      %eq3A_507 = arith.cmpi eq, %get3A_504, %eq3A_506 : vector<16xi32>
      %jit3A_508 = arith.constant -1 : i32
      %broadcast_in_dim3A_509 = vector.broadcast %jit3A_508 : i32 to vector<16xi32>
      %select_n3A_510 = arith.select %eq3A_507, %add3A_495, %broadcast_in_dim3A_509 : vector<16xi1>, vector<16xi32>
      %max3A_511 = arith.maxsi %max3A_492, %select_n3A_510 : vector<16xi32>
      %add3A_512 = arith.constant 16 : i32
      %add3A_513 = vector.broadcast %add3A_512 : i32 to vector<16xi32>
      %add3A_514 = arith.addi %add3A_495, %add3A_513 : vector<16xi32>
      %mul3A_515 = arith.constant 8 : i32
      %mul3A_516 = arith.muli %scan3A_379, %mul3A_515 : i32
      %add3A_517 = arith.constant 7 : i32
      %add3A_518 = arith.addi %mul3A_516, %add3A_517 : i32
      %mul3A_519 = arith.constant 16 : i32
      %mul3A_520 = arith.muli %add3A_518, %mul3A_519 : i32
      %get3A_521 = arith.index_cast %mul3A_520 : i32 to index
      %get3A_522 = tpu.vector_load %arg6[%get3A_521] {strides = array<i32>} : memref<512xi32, #tpu.memory_space<vmem>>, vector<16xi32>,
      %get3A_523 = vector.shape_cast %get3A_522 : vector<16xi32> to vector<16xi32>
      %eq3A_524 = arith.constant 102 : i32
      %eq3A_525 = vector.broadcast %eq3A_524 : i32 to vector<16xi32>
      %eq3A_526 = arith.cmpi eq, %get3A_523, %eq3A_525 : vector<16xi32>
      %jit3A_527 = arith.constant -1 : i32
      %broadcast_in_dim3A_528 = vector.broadcast %jit3A_527 : i32 to vector<16xi32>
      %select_n3A_529 = arith.select %eq3A_526, %add3A_514, %broadcast_in_dim3A_528 : vector<16xi1>, vector<16xi32>
      %max3A_530 = arith.maxsi %max3A_511, %select_n3A_529 : vector<16xi32>
      %add3A_531 = arith.constant 16 : i32
      %add3A_532 = vector.broadcast %add3A_531 : i32 to vector<16xi32>
      %add3A_533 = arith.addi %add3A_514, %add3A_532 : vector<16xi32>
      scf.yield %max3A_530, %add3A_533 : vector<16xi32>, vector<16xi32>
    }
    %scan3A_14 = arith.constant 4 : i32
    %swap3A = arith.constant 0 : i32
    %swap3A_15 = arith.index_cast %swap3A : i32 to index
    %swap3A_16 = arith.constant 0 : index
    %swap3A_17 = tpu.vector_load %arg8[%swap3A_15, %swap3A_16] {strides = array<i32>} : memref<1x16xi32, #tpu.memory_space<vmem>>, vector<1x16xi32>,
    %swap3A_18 = vector.shape_cast %swap3A_17 : vector<1x16xi32> to vector<16xi32>
    %swap3A_19 = vector.shape_cast %scan3A_13#0 : vector<16xi32> to vector<1x16xi32>
    tpu.vector_store %arg8[%swap3A_15, %swap3A_16], %swap3A_19 {strides = array<i32>} : memref<1x16xi32, #tpu.memory_space<vmem>>, vector<1x16xi32>,
    %mul3A_20 = arith.constant 16 : i32
    %mul3A_21 = arith.muli %arg0, %mul3A_20 : i32
    %add3A_22 = arith.addi %mul3A_21, %arg1 : i32
    "tpu.region"() ({
      %run_scoped3A = tpu.sem_alloc : memref<!tpu.dma_semaphore, #tpu.memory_space<semaphore_mem>>
      %dma_start3A_379 = arith.constant 0 : i32
      %dma_start3A_380 = tpu.memref_slice %arg5[%add3A_22, %dma_start3A_379] : memref<32x16xi32, #tpu.memory_space<hbm>> -> memref<1x16xi32, #tpu.memory_space<hbm>>
      %dma_start3A_381 = arith.constant 0 : i32
      %dma_start3A_382 = tpu.memref_slice %arg5[%add3A_22, %dma_start3A_381] : memref<32x16xi32, #tpu.memory_space<hbm>> -> memref<1x16xi32, #tpu.memory_space<hbm>>
      tpu.enqueue_dma source(%arg8 : memref<1x16xi32, #tpu.memory_space<vmem>>) target(%dma_start3A_382 : memref<1x16xi32, #tpu.memory_space<hbm>>) target_semaphore(%run_scoped3A : memref<!tpu.dma_semaphore, #tpu.memory_space<semaphore_mem>>)
      %dma_wait3A_383 = arith.constant 0 : i32
      %dma_wait3A_384 = tpu.memref_slice %arg5[%add3A_22, %dma_wait3A_383] : memref<32x16xi32, #tpu.memory_space<hbm>> -> memref<1x16xi32, #tpu.memory_space<hbm>>
      %dma_wait3A_385 = arith.constant 0 : i32
      %dma_wait3A_386 = tpu.memref_slice %arg5[%add3A_22, %dma_wait3A_385] : memref<32x16xi32, #tpu.memory_space<hbm>> -> memref<1x16xi32, #tpu.memory_space<hbm>>
      tpu.wait_dma2 semaphore(%run_scoped3A : memref<!tpu.dma_semaphore, #tpu.memory_space<semaphore_mem>>) src(%arg8 : memref<1x16xi32, #tpu.memory_space<vmem>>) dst(%dma_wait3A_386 : memref<1x16xi32, #tpu.memory_space<hbm>>)
      tpu.yield
    }) : () -> ()
    %barrier3A = arith.constant 0 : index
    tpu.barrier barrier_id(%barrier3A)
    %eq3A = arith.constant 0 : i32
    %eq3A_23 = arith.cmpi eq, %arg0, %eq3A : i32
    %convert_element_type3A = arith.extui %eq3A_23 : i1 to i32
    %cond3A = arith.constant 0 : i32
    %cond3A_24 = arith.cmpi ne, %convert_element_type3A, %cond3A : i32
    scf.if %cond3A_24 {
      "tpu.region"() ({
        %run_scoped3A = tpu.sem_alloc : memref<!tpu.dma_semaphore, #tpu.memory_space<semaphore_mem>>
        %dma_start3A_379 = arith.constant 0 : i32
        %dma_start3A_380 = arith.constant 0 : i32
        %dma_start3A_381 = tpu.memref_slice %arg5[%dma_start3A_379, %dma_start3A_380] : memref<32x16xi32, #tpu.memory_space<hbm>> -> memref<16x16xi32, #tpu.memory_space<hbm>>
        %dma_start3A_382 = arith.constant 0 : i32
        %dma_start3A_383 = arith.constant 0 : i32
        %dma_start3A_384 = tpu.memref_slice %arg5[%dma_start3A_382, %dma_start3A_383] : memref<32x16xi32, #tpu.memory_space<hbm>> -> memref<16x16xi32, #tpu.memory_space<hbm>>
        tpu.enqueue_dma source(%dma_start3A_384 : memref<16x16xi32, #tpu.memory_space<hbm>>) target(%arg9 : memref<16x16xi32, #tpu.memory_space<vmem>>) target_semaphore(%run_scoped3A : memref<!tpu.dma_semaphore, #tpu.memory_space<semaphore_mem>>)
        %dma_wait3A_385 = arith.constant 0 : i32
        %dma_wait3A_386 = arith.constant 0 : i32
        %dma_wait3A_387 = tpu.memref_slice %arg5[%dma_wait3A_385, %dma_wait3A_386] : memref<32x16xi32, #tpu.memory_space<hbm>> -> memref<16x16xi32, #tpu.memory_space<hbm>>
        %dma_wait3A_388 = arith.constant 0 : i32
        %dma_wait3A_389 = arith.constant 0 : i32
        %dma_wait3A_390 = tpu.memref_slice %arg5[%dma_wait3A_388, %dma_wait3A_389] : memref<32x16xi32, #tpu.memory_space<hbm>> -> memref<16x16xi32, #tpu.memory_space<hbm>>
        tpu.wait_dma2 semaphore(%run_scoped3A : memref<!tpu.dma_semaphore, #tpu.memory_space<semaphore_mem>>) src(%dma_wait3A_390 : memref<16x16xi32, #tpu.memory_space<hbm>>) dst(%arg9 : memref<16x16xi32, #tpu.memory_space<vmem>>)
        tpu.yield
      }) : () -> ()
    } else {
    }
    %eq3A_25 = arith.constant 1 : i32
    %eq3A_26 = arith.cmpi eq, %arg0, %eq3A_25 : i32
    %convert_element_type3A_27 = arith.extui %eq3A_26 : i1 to i32
    %cond3A_28 = arith.constant 0 : i32
    %cond3A_29 = arith.cmpi ne, %convert_element_type3A_27, %cond3A_28 : i32
    scf.if %cond3A_29 {
      "tpu.region"() ({
        %run_scoped3A = tpu.sem_alloc : memref<!tpu.dma_semaphore, #tpu.memory_space<semaphore_mem>>
        %dma_start3A_379 = arith.constant 16 : i32
        %dma_start3A_380 = arith.constant 0 : i32
        %dma_start3A_381 = tpu.memref_slice %arg5[%dma_start3A_379, %dma_start3A_380] : memref<32x16xi32, #tpu.memory_space<hbm>> -> memref<16x16xi32, #tpu.memory_space<hbm>>
        %dma_start3A_382 = arith.constant 16 : i32
        %dma_start3A_383 = arith.constant 0 : i32
        %dma_start3A_384 = tpu.memref_slice %arg5[%dma_start3A_382, %dma_start3A_383] : memref<32x16xi32, #tpu.memory_space<hbm>> -> memref<16x16xi32, #tpu.memory_space<hbm>>
        tpu.enqueue_dma source(%dma_start3A_384 : memref<16x16xi32, #tpu.memory_space<hbm>>) target(%arg9 : memref<16x16xi32, #tpu.memory_space<vmem>>) target_semaphore(%run_scoped3A : memref<!tpu.dma_semaphore, #tpu.memory_space<semaphore_mem>>)
        %dma_wait3A_385 = arith.constant 16 : i32
        %dma_wait3A_386 = arith.constant 0 : i32
        %dma_wait3A_387 = tpu.memref_slice %arg5[%dma_wait3A_385, %dma_wait3A_386] : memref<32x16xi32, #tpu.memory_space<hbm>> -> memref<16x16xi32, #tpu.memory_space<hbm>>
        %dma_wait3A_388 = arith.constant 16 : i32
        %dma_wait3A_389 = arith.constant 0 : i32
        %dma_wait3A_390 = tpu.memref_slice %arg5[%dma_wait3A_388, %dma_wait3A_389] : memref<32x16xi32, #tpu.memory_space<hbm>> -> memref<16x16xi32, #tpu.memory_space<hbm>>
        tpu.wait_dma2 semaphore(%run_scoped3A : memref<!tpu.dma_semaphore, #tpu.memory_space<semaphore_mem>>) src(%dma_wait3A_390 : memref<16x16xi32, #tpu.memory_space<hbm>>) dst(%arg9 : memref<16x16xi32, #tpu.memory_space<vmem>>)
        tpu.yield
      }) : () -> ()
    } else {
    }
    %get3A = arith.constant 0 : i32
    %get3A_30 = arith.index_cast %get3A : i32 to index
    %get3A_31 = arith.constant 0 : index
    %get3A_32 = tpu.vector_load %arg9[%get3A_30, %get3A_31] {strides = array<i32>} : memref<16x16xi32, #tpu.memory_space<vmem>>, vector<1x16xi32>,
    %get3A_33 = vector.shape_cast %get3A_32 : vector<1x16xi32> to vector<16xi32>
    %get3A_34 = arith.constant 1 : i32
    %get3A_35 = arith.index_cast %get3A_34 : i32 to index
    %get3A_36 = arith.constant 0 : index
    %get3A_37 = tpu.vector_load %arg9[%get3A_35, %get3A_36] {strides = array<i32>} : memref<16x16xi32, #tpu.memory_space<vmem>>, vector<1x16xi32>,
    %get3A_38 = vector.shape_cast %get3A_37 : vector<1x16xi32> to vector<16xi32>
    %max3A = arith.maxsi %get3A_33, %get3A_38 : vector<16xi32>
    %get3A_39 = arith.constant 2 : i32
    %get3A_40 = arith.index_cast %get3A_39 : i32 to index
    %get3A_41 = arith.constant 0 : index
    %get3A_42 = tpu.vector_load %arg9[%get3A_40, %get3A_41] {strides = array<i32>} : memref<16x16xi32, #tpu.memory_space<vmem>>, vector<1x16xi32>,
    %get3A_43 = vector.shape_cast %get3A_42 : vector<1x16xi32> to vector<16xi32>
    %max3A_44 = arith.maxsi %max3A, %get3A_43 : vector<16xi32>
    %get3A_45 = arith.constant 3 : i32
    %get3A_46 = arith.index_cast %get3A_45 : i32 to index
    %get3A_47 = arith.constant 0 : index
    %get3A_48 = tpu.vector_load %arg9[%get3A_46, %get3A_47] {strides = array<i32>} : memref<16x16xi32, #tpu.memory_space<vmem>>, vector<1x16xi32>,
    %get3A_49 = vector.shape_cast %get3A_48 : vector<1x16xi32> to vector<16xi32>
    %max3A_50 = arith.maxsi %max3A_44, %get3A_49 : vector<16xi32>
    %get3A_51 = arith.constant 4 : i32
    %get3A_52 = arith.index_cast %get3A_51 : i32 to index
    %get3A_53 = arith.constant 0 : index
    %get3A_54 = tpu.vector_load %arg9[%get3A_52, %get3A_53] {strides = array<i32>} : memref<16x16xi32, #tpu.memory_space<vmem>>, vector<1x16xi32>,
    %get3A_55 = vector.shape_cast %get3A_54 : vector<1x16xi32> to vector<16xi32>
    %max3A_56 = arith.maxsi %max3A_50, %get3A_55 : vector<16xi32>
    %get3A_57 = arith.constant 5 : i32
    %get3A_58 = arith.index_cast %get3A_57 : i32 to index
    %get3A_59 = arith.constant 0 : index
    %get3A_60 = tpu.vector_load %arg9[%get3A_58, %get3A_59] {strides = array<i32>} : memref<16x16xi32, #tpu.memory_space<vmem>>, vector<1x16xi32>,
    %get3A_61 = vector.shape_cast %get3A_60 : vector<1x16xi32> to vector<16xi32>
    %max3A_62 = arith.maxsi %max3A_56, %get3A_61 : vector<16xi32>
    %get3A_63 = arith.constant 6 : i32
    %get3A_64 = arith.index_cast %get3A_63 : i32 to index
    %get3A_65 = arith.constant 0 : index
    %get3A_66 = tpu.vector_load %arg9[%get3A_64, %get3A_65] {strides = array<i32>} : memref<16x16xi32, #tpu.memory_space<vmem>>, vector<1x16xi32>,
    %get3A_67 = vector.shape_cast %get3A_66 : vector<1x16xi32> to vector<16xi32>
    %max3A_68 = arith.maxsi %max3A_62, %get3A_67 : vector<16xi32>
    %get3A_69 = arith.constant 7 : i32
    %get3A_70 = arith.index_cast %get3A_69 : i32 to index
    %get3A_71 = arith.constant 0 : index
    %get3A_72 = tpu.vector_load %arg9[%get3A_70, %get3A_71] {strides = array<i32>} : memref<16x16xi32, #tpu.memory_space<vmem>>, vector<1x16xi32>,
    %get3A_73 = vector.shape_cast %get3A_72 : vector<1x16xi32> to vector<16xi32>
    %max3A_74 = arith.maxsi %max3A_68, %get3A_73 : vector<16xi32>
    %get3A_75 = arith.constant 8 : i32
    %get3A_76 = arith.index_cast %get3A_75 : i32 to index
    %get3A_77 = arith.constant 0 : index
    %get3A_78 = tpu.vector_load %arg9[%get3A_76, %get3A_77] {strides = array<i32>} : memref<16x16xi32, #tpu.memory_space<vmem>>, vector<1x16xi32>,
    %get3A_79 = vector.shape_cast %get3A_78 : vector<1x16xi32> to vector<16xi32>
    %max3A_80 = arith.maxsi %max3A_74, %get3A_79 : vector<16xi32>
    %get3A_81 = arith.constant 9 : i32
    %get3A_82 = arith.index_cast %get3A_81 : i32 to index
    %get3A_83 = arith.constant 0 : index
    %get3A_84 = tpu.vector_load %arg9[%get3A_82, %get3A_83] {strides = array<i32>} : memref<16x16xi32, #tpu.memory_space<vmem>>, vector<1x16xi32>,
    %get3A_85 = vector.shape_cast %get3A_84 : vector<1x16xi32> to vector<16xi32>
    %max3A_86 = arith.maxsi %max3A_80, %get3A_85 : vector<16xi32>
    %get3A_87 = arith.constant 10 : i32
    %get3A_88 = arith.index_cast %get3A_87 : i32 to index
    %get3A_89 = arith.constant 0 : index
    %get3A_90 = tpu.vector_load %arg9[%get3A_88, %get3A_89] {strides = array<i32>} : memref<16x16xi32, #tpu.memory_space<vmem>>, vector<1x16xi32>,
    %get3A_91 = vector.shape_cast %get3A_90 : vector<1x16xi32> to vector<16xi32>
    %max3A_92 = arith.maxsi %max3A_86, %get3A_91 : vector<16xi32>
    %get3A_93 = arith.constant 11 : i32
    %get3A_94 = arith.index_cast %get3A_93 : i32 to index
    %get3A_95 = arith.constant 0 : index
    %get3A_96 = tpu.vector_load %arg9[%get3A_94, %get3A_95] {strides = array<i32>} : memref<16x16xi32, #tpu.memory_space<vmem>>, vector<1x16xi32>,
    %get3A_97 = vector.shape_cast %get3A_96 : vector<1x16xi32> to vector<16xi32>
    %max3A_98 = arith.maxsi %max3A_92, %get3A_97 : vector<16xi32>
    %get3A_99 = arith.constant 12 : i32
    %get3A_100 = arith.index_cast %get3A_99 : i32 to index
    %get3A_101 = arith.constant 0 : index
    %get3A_102 = tpu.vector_load %arg9[%get3A_100, %get3A_101] {strides = array<i32>} : memref<16x16xi32, #tpu.memory_space<vmem>>, vector<1x16xi32>,
    %get3A_103 = vector.shape_cast %get3A_102 : vector<1x16xi32> to vector<16xi32>
    %max3A_104 = arith.maxsi %max3A_98, %get3A_103 : vector<16xi32>
    %get3A_105 = arith.constant 13 : i32
    %get3A_106 = arith.index_cast %get3A_105 : i32 to index
    %get3A_107 = arith.constant 0 : index
    %get3A_108 = tpu.vector_load %arg9[%get3A_106, %get3A_107] {strides = array<i32>} : memref<16x16xi32, #tpu.memory_space<vmem>>, vector<1x16xi32>,
    %get3A_109 = vector.shape_cast %get3A_108 : vector<1x16xi32> to vector<16xi32>
    %max3A_110 = arith.maxsi %max3A_104, %get3A_109 : vector<16xi32>
    %get3A_111 = arith.constant 14 : i32
    %get3A_112 = arith.index_cast %get3A_111 : i32 to index
    %get3A_113 = arith.constant 0 : index
    %get3A_114 = tpu.vector_load %arg9[%get3A_112, %get3A_113] {strides = array<i32>} : memref<16x16xi32, #tpu.memory_space<vmem>>, vector<1x16xi32>,
    %get3A_115 = vector.shape_cast %get3A_114 : vector<1x16xi32> to vector<16xi32>
    %max3A_116 = arith.maxsi %max3A_110, %get3A_115 : vector<16xi32>
    %get3A_117 = arith.constant 15 : i32
    %get3A_118 = arith.index_cast %get3A_117 : i32 to index
    %get3A_119 = arith.constant 0 : index
    %get3A_120 = tpu.vector_load %arg9[%get3A_118, %get3A_119] {strides = array<i32>} : memref<16x16xi32, #tpu.memory_space<vmem>>, vector<1x16xi32>,
    %get3A_121 = vector.shape_cast %get3A_120 : vector<1x16xi32> to vector<16xi32>
    %max3A_122 = arith.maxsi %max3A_116, %get3A_121 : vector<16xi32>
    %slice3A = vector.extract_strided_slice %max3A_122 {offsets = [0], sizes = [1], strides = [1]} : vector<16xi32> to vector<1xi32>
    %squeeze3A = vector.extract %slice3A[0] : i32 from vector<1xi32>
    %slice3A_123 = vector.extract_strided_slice %max3A_122 {offsets = [1], sizes = [1], strides = [1]} : vector<16xi32> to vector<1xi32>
    %squeeze3A_124 = vector.extract %slice3A_123[0] : i32 from vector<1xi32>
    %max3A_125 = arith.maxsi %squeeze3A, %squeeze3A_124 : i32
    %slice3A_126 = vector.extract_strided_slice %max3A_122 {offsets = [2], sizes = [1], strides = [1]} : vector<16xi32> to vector<1xi32>
    %squeeze3A_127 = vector.extract %slice3A_126[0] : i32 from vector<1xi32>
    %max3A_128 = arith.maxsi %max3A_125, %squeeze3A_127 : i32
    %slice3A_129 = vector.extract_strided_slice %max3A_122 {offsets = [3], sizes = [1], strides = [1]} : vector<16xi32> to vector<1xi32>
    %squeeze3A_130 = vector.extract %slice3A_129[0] : i32 from vector<1xi32>
    %max3A_131 = arith.maxsi %max3A_128, %squeeze3A_130 : i32
    %slice3A_132 = vector.extract_strided_slice %max3A_122 {offsets = [4], sizes = [1], strides = [1]} : vector<16xi32> to vector<1xi32>
    %squeeze3A_133 = vector.extract %slice3A_132[0] : i32 from vector<1xi32>
    %max3A_134 = arith.maxsi %max3A_131, %squeeze3A_133 : i32
    %slice3A_135 = vector.extract_strided_slice %max3A_122 {offsets = [5], sizes = [1], strides = [1]} : vector<16xi32> to vector<1xi32>
    %squeeze3A_136 = vector.extract %slice3A_135[0] : i32 from vector<1xi32>
    %max3A_137 = arith.maxsi %max3A_134, %squeeze3A_136 : i32
    %slice3A_138 = vector.extract_strided_slice %max3A_122 {offsets = [6], sizes = [1], strides = [1]} : vector<16xi32> to vector<1xi32>
    %squeeze3A_139 = vector.extract %slice3A_138[0] : i32 from vector<1xi32>
    %max3A_140 = arith.maxsi %max3A_137, %squeeze3A_139 : i32
    %slice3A_141 = vector.extract_strided_slice %max3A_122 {offsets = [7], sizes = [1], strides = [1]} : vector<16xi32> to vector<1xi32>
    %squeeze3A_142 = vector.extract %slice3A_141[0] : i32 from vector<1xi32>
    %max3A_143 = arith.maxsi %max3A_140, %squeeze3A_142 : i32
    %slice3A_144 = vector.extract_strided_slice %max3A_122 {offsets = [8], sizes = [1], strides = [1]} : vector<16xi32> to vector<1xi32>
    %squeeze3A_145 = vector.extract %slice3A_144[0] : i32 from vector<1xi32>
    %max3A_146 = arith.maxsi %max3A_143, %squeeze3A_145 : i32
    %slice3A_147 = vector.extract_strided_slice %max3A_122 {offsets = [9], sizes = [1], strides = [1]} : vector<16xi32> to vector<1xi32>
    %squeeze3A_148 = vector.extract %slice3A_147[0] : i32 from vector<1xi32>
    %max3A_149 = arith.maxsi %max3A_146, %squeeze3A_148 : i32
    %slice3A_150 = vector.extract_strided_slice %max3A_122 {offsets = [10], sizes = [1], strides = [1]} : vector<16xi32> to vector<1xi32>
    %squeeze3A_151 = vector.extract %slice3A_150[0] : i32 from vector<1xi32>
    %max3A_152 = arith.maxsi %max3A_149, %squeeze3A_151 : i32
    %slice3A_153 = vector.extract_strided_slice %max3A_122 {offsets = [11], sizes = [1], strides = [1]} : vector<16xi32> to vector<1xi32>
    %squeeze3A_154 = vector.extract %slice3A_153[0] : i32 from vector<1xi32>
    %max3A_155 = arith.maxsi %max3A_152, %squeeze3A_154 : i32
    %slice3A_156 = vector.extract_strided_slice %max3A_122 {offsets = [12], sizes = [1], strides = [1]} : vector<16xi32> to vector<1xi32>
    %squeeze3A_157 = vector.extract %slice3A_156[0] : i32 from vector<1xi32>
    %max3A_158 = arith.maxsi %max3A_155, %squeeze3A_157 : i32
    %slice3A_159 = vector.extract_strided_slice %max3A_122 {offsets = [13], sizes = [1], strides = [1]} : vector<16xi32> to vector<1xi32>
    %squeeze3A_160 = vector.extract %slice3A_159[0] : i32 from vector<1xi32>
    %max3A_161 = arith.maxsi %max3A_158, %squeeze3A_160 : i32
    %slice3A_162 = vector.extract_strided_slice %max3A_122 {offsets = [14], sizes = [1], strides = [1]} : vector<16xi32> to vector<1xi32>
    %squeeze3A_163 = vector.extract %slice3A_162[0] : i32 from vector<1xi32>
    %max3A_164 = arith.maxsi %max3A_161, %squeeze3A_163 : i32
    %slice3A_165 = vector.extract_strided_slice %max3A_122 {offsets = [15], sizes = [1], strides = [1]} : vector<16xi32> to vector<1xi32>
    %squeeze3A_166 = vector.extract %slice3A_165[0] : i32 from vector<1xi32>
    %max3A_167 = arith.maxsi %max3A_164, %squeeze3A_166 : i32
    %ge3A = arith.constant 0 : i32
    %ge3A_168 = arith.cmpi sge, %max3A_167, %ge3A : i32
    %jit3A = arith.constant 8192 : i32
    %select_n3A = arith.select %ge3A_168, %max3A_167, %jit3A : i32
    %get3A_169 = arith.constant 0 : i32
    %get3A_170 = arith.index_cast %get3A_169 : i32 to index
    %get3A_171 = arith.constant 0 : index
    %get3A_172 = tpu.vector_load %arg7[%get3A_170, %get3A_171] {strides = array<i32>} : memref<2x128xf32, #tpu.memory_space<vmem>>, vector<1x16xf32>,
    %get3A_173 = vector.shape_cast %get3A_172 : vector<1x16xf32> to vector<16xf32>
    %get3A_174 = arith.constant 0 : i32
    %get3A_175 = arith.index_cast %get3A_174 : i32 to index
    %get3A_176 = arith.constant 16 : index
    %get3A_177 = tpu.vector_load %arg7[%get3A_175, %get3A_176] {strides = array<i32>} : memref<2x128xf32, #tpu.memory_space<vmem>>, vector<1x16xf32>,
    %get3A_178 = vector.shape_cast %get3A_177 : vector<1x16xf32> to vector<16xf32>
    %get3A_179 = arith.constant 0 : i32
    %get3A_180 = arith.index_cast %get3A_179 : i32 to index
    %get3A_181 = arith.constant 32 : index
    %get3A_182 = tpu.vector_load %arg7[%get3A_180, %get3A_181] {strides = array<i32>} : memref<2x128xf32, #tpu.memory_space<vmem>>, vector<1x16xf32>,
    %get3A_183 = vector.shape_cast %get3A_182 : vector<1x16xf32> to vector<16xf32>
    %get3A_184 = arith.constant 0 : i32
    %get3A_185 = arith.index_cast %get3A_184 : i32 to index
    %get3A_186 = arith.constant 48 : index
    %get3A_187 = tpu.vector_load %arg7[%get3A_185, %get3A_186] {strides = array<i32>} : memref<2x128xf32, #tpu.memory_space<vmem>>, vector<1x16xf32>,
    %get3A_188 = vector.shape_cast %get3A_187 : vector<1x16xf32> to vector<16xf32>
    %get3A_189 = arith.constant 0 : i32
    %get3A_190 = arith.index_cast %get3A_189 : i32 to index
    %get3A_191 = arith.constant 64 : index
    %get3A_192 = tpu.vector_load %arg7[%get3A_190, %get3A_191] {strides = array<i32>} : memref<2x128xf32, #tpu.memory_space<vmem>>, vector<1x16xf32>,
    %get3A_193 = vector.shape_cast %get3A_192 : vector<1x16xf32> to vector<16xf32>
    %get3A_194 = arith.constant 0 : i32
    %get3A_195 = arith.index_cast %get3A_194 : i32 to index
    %get3A_196 = arith.constant 80 : index
    %get3A_197 = tpu.vector_load %arg7[%get3A_195, %get3A_196] {strides = array<i32>} : memref<2x128xf32, #tpu.memory_space<vmem>>, vector<1x16xf32>,
    %get3A_198 = vector.shape_cast %get3A_197 : vector<1x16xf32> to vector<16xf32>
    %get3A_199 = arith.constant 0 : i32
    %get3A_200 = arith.index_cast %get3A_199 : i32 to index
    %get3A_201 = arith.constant 96 : index
    %get3A_202 = tpu.vector_load %arg7[%get3A_200, %get3A_201] {strides = array<i32>} : memref<2x128xf32, #tpu.memory_space<vmem>>, vector<1x16xf32>,
    %get3A_203 = vector.shape_cast %get3A_202 : vector<1x16xf32> to vector<16xf32>
    %get3A_204 = arith.constant 0 : i32
    %get3A_205 = arith.index_cast %get3A_204 : i32 to index
    %get3A_206 = arith.constant 112 : index
    %get3A_207 = tpu.vector_load %arg7[%get3A_205, %get3A_206] {strides = array<i32>} : memref<2x128xf32, #tpu.memory_space<vmem>>, vector<1x16xf32>,
    %get3A_208 = vector.shape_cast %get3A_207 : vector<1x16xf32> to vector<16xf32>
    %get3A_209 = arith.constant 1 : i32
    %get3A_210 = arith.index_cast %get3A_209 : i32 to index
    %get3A_211 = arith.constant 0 : index
    %get3A_212 = tpu.vector_load %arg7[%get3A_210, %get3A_211] {strides = array<i32>} : memref<2x128xf32, #tpu.memory_space<vmem>>, vector<1x16xf32>,
    %get3A_213 = vector.shape_cast %get3A_212 : vector<1x16xf32> to vector<16xf32>
    %get3A_214 = arith.constant 1 : i32
    %get3A_215 = arith.index_cast %get3A_214 : i32 to index
    %get3A_216 = arith.constant 16 : index
    %get3A_217 = tpu.vector_load %arg7[%get3A_215, %get3A_216] {strides = array<i32>} : memref<2x128xf32, #tpu.memory_space<vmem>>, vector<1x16xf32>,
    %get3A_218 = vector.shape_cast %get3A_217 : vector<1x16xf32> to vector<16xf32>
    %get3A_219 = arith.constant 1 : i32
    %get3A_220 = arith.index_cast %get3A_219 : i32 to index
    %get3A_221 = arith.constant 32 : index
    %get3A_222 = tpu.vector_load %arg7[%get3A_220, %get3A_221] {strides = array<i32>} : memref<2x128xf32, #tpu.memory_space<vmem>>, vector<1x16xf32>,
    %get3A_223 = vector.shape_cast %get3A_222 : vector<1x16xf32> to vector<16xf32>
    %get3A_224 = arith.constant 1 : i32
    %get3A_225 = arith.index_cast %get3A_224 : i32 to index
    %get3A_226 = arith.constant 48 : index
    %get3A_227 = tpu.vector_load %arg7[%get3A_225, %get3A_226] {strides = array<i32>} : memref<2x128xf32, #tpu.memory_space<vmem>>, vector<1x16xf32>,
    %get3A_228 = vector.shape_cast %get3A_227 : vector<1x16xf32> to vector<16xf32>
    %get3A_229 = arith.constant 1 : i32
    %get3A_230 = arith.index_cast %get3A_229 : i32 to index
    %get3A_231 = arith.constant 64 : index
    %get3A_232 = tpu.vector_load %arg7[%get3A_230, %get3A_231] {strides = array<i32>} : memref<2x128xf32, #tpu.memory_space<vmem>>, vector<1x16xf32>,
    %get3A_233 = vector.shape_cast %get3A_232 : vector<1x16xf32> to vector<16xf32>
    %get3A_234 = arith.constant 1 : i32
    %get3A_235 = arith.index_cast %get3A_234 : i32 to index
    %get3A_236 = arith.constant 80 : index
    %get3A_237 = tpu.vector_load %arg7[%get3A_235, %get3A_236] {strides = array<i32>} : memref<2x128xf32, #tpu.memory_space<vmem>>, vector<1x16xf32>,
    %get3A_238 = vector.shape_cast %get3A_237 : vector<1x16xf32> to vector<16xf32>
    %get3A_239 = arith.constant 1 : i32
    %get3A_240 = arith.index_cast %get3A_239 : i32 to index
    %get3A_241 = arith.constant 96 : index
    %get3A_242 = tpu.vector_load %arg7[%get3A_240, %get3A_241] {strides = array<i32>} : memref<2x128xf32, #tpu.memory_space<vmem>>, vector<1x16xf32>,
    %get3A_243 = vector.shape_cast %get3A_242 : vector<1x16xf32> to vector<16xf32>
    %get3A_244 = arith.constant 1 : i32
    %get3A_245 = arith.index_cast %get3A_244 : i32 to index
    %get3A_246 = arith.constant 112 : index
    %get3A_247 = tpu.vector_load %arg7[%get3A_245, %get3A_246] {strides = array<i32>} : memref<2x128xf32, #tpu.memory_space<vmem>>, vector<1x16xf32>,
    %get3A_248 = vector.shape_cast %get3A_247 : vector<1x16xf32> to vector<16xf32>
    %sub3A = arith.subf %get3A_213, %get3A_173 : vector<16xf32>
    %sub3A_249 = arith.subf %get3A_218, %get3A_178 : vector<16xf32>
    %sub3A_250 = arith.subf %get3A_223, %get3A_183 : vector<16xf32>
    %sub3A_251 = arith.subf %get3A_228, %get3A_188 : vector<16xf32>
    %sub3A_252 = arith.subf %get3A_233, %get3A_193 : vector<16xf32>
    %sub3A_253 = arith.subf %get3A_238, %get3A_198 : vector<16xf32>
    %sub3A_254 = arith.subf %get3A_243, %get3A_203 : vector<16xf32>
    %sub3A_255 = arith.subf %get3A_248, %get3A_208 : vector<16xf32>
    %sub3A_256 = arith.subi %select_n3A, %mul3A_2 : i32
    %jit3A_257 = arith.constant 0 : i32
    %jit3A_258 = arith.constant 256 : i32
    %max3A_259 = arith.maxsi %jit3A_257, %sub3A_256 : i32
    %min3A = arith.minsi %jit3A_258, %max3A_259 : i32
    %mul3A_260 = arith.constant 0 : i32
    %mul3A_261 = vector.broadcast %mul3A_260 : i32 to vector<16xi32>
    %mul3A_262 = arith.muli %iota3A, %mul3A_261 : vector<16xi32>
    %scan3A_263 = arith.constant 0 : i32
    %scan3A_264 = arith.constant 0 : i32
    %scan3A_265 = arith.constant 16 : i32
    %scan3A_266 = arith.addi %scan3A_264, %scan3A_265 : i32
    %scan3A_267 = arith.constant 1 : i32
    %scan3A_268 = scf.for %scan3A_379 = %scan3A_264 to %scan3A_266 step %scan3A_267 iter_args(%scan3A_380 = %scan3A_263) -> (i32)  : i32 {
      %mul3A_381 = arith.constant 4 : i32
      %mul3A_382 = arith.muli %scan3A_379, %mul3A_381 : i32
      %add3A_383 = arith.constant 0 : i32
      %add3A_384 = arith.addi %add3A_383, %mul3A_382 : i32
      %add3A_385 = arith.constant 0 : i32
      %add3A_386 = arith.addi %add3A_384, %add3A_385 : i32
      %add3A_387 = vector.broadcast %add3A_386 : i32 to vector<16xi32>
      %add3A_388 = arith.addi %mul3A_262, %add3A_387 : vector<16xi32>
      %ge3A_389 = vector.broadcast %min3A : i32 to vector<16xi32>
      %ge3A_390 = arith.cmpi sge, %add3A_388, %ge3A_389 : vector<16xi32>
      %jit3A_391 = arith.constant 1 : i32
      %jit3A_392 = arith.constant 0 : i32
      %broadcast_in_dim3A_393 = vector.broadcast %jit3A_391 : i32 to vector<16xi32>
      %broadcast_in_dim3A_394 = vector.broadcast %jit3A_392 : i32 to vector<16xi32>
      %select_n3A_395 = arith.select %ge3A_390, %broadcast_in_dim3A_393, %broadcast_in_dim3A_394 : vector<16xi1>, vector<16xi32>
      %convert_element_type3A_396 = arith.sitofp %select_n3A_395 : vector<16xi32> to vector<16xf32>
      %mul3A_397 = arith.mulf %convert_element_type3A_396, %sub3A : vector<16xf32>
      %add3A_398 = arith.addf %get3A_173, %mul3A_397 : vector<16xf32>
      %swap3A_399 = arith.index_cast %add3A_386 : i32 to index
      %swap3A_400 = arith.constant 0 : index
      %swap3A_401 = tpu.vector_load %arg10[%swap3A_399, %swap3A_400] {strides = array<i32>} : memref<256x128xf32, #tpu.memory_space<vmem>>, vector<1x16xf32>,
      %swap3A_402 = vector.shape_cast %swap3A_401 : vector<1x16xf32> to vector<16xf32>
      %swap3A_403 = vector.shape_cast %add3A_398 : vector<16xf32> to vector<1x16xf32>
      tpu.vector_store %arg10[%swap3A_399, %swap3A_400], %swap3A_403 {strides = array<i32>} : memref<256x128xf32, #tpu.memory_space<vmem>>, vector<1x16xf32>,
      %mul3A_404 = arith.mulf %convert_element_type3A_396, %sub3A_249 : vector<16xf32>
      %add3A_405 = arith.addf %get3A_178, %mul3A_404 : vector<16xf32>
      %swap3A_406 = arith.index_cast %add3A_386 : i32 to index
      %swap3A_407 = arith.constant 16 : index
      %swap3A_408 = tpu.vector_load %arg10[%swap3A_406, %swap3A_407] {strides = array<i32>} : memref<256x128xf32, #tpu.memory_space<vmem>>, vector<1x16xf32>,
      %swap3A_409 = vector.shape_cast %swap3A_408 : vector<1x16xf32> to vector<16xf32>
      %swap3A_410 = vector.shape_cast %add3A_405 : vector<16xf32> to vector<1x16xf32>
      tpu.vector_store %arg10[%swap3A_406, %swap3A_407], %swap3A_410 {strides = array<i32>} : memref<256x128xf32, #tpu.memory_space<vmem>>, vector<1x16xf32>,
      %mul3A_411 = arith.mulf %convert_element_type3A_396, %sub3A_250 : vector<16xf32>
      %add3A_412 = arith.addf %get3A_183, %mul3A_411 : vector<16xf32>
      %swap3A_413 = arith.index_cast %add3A_386 : i32 to index
      %swap3A_414 = arith.constant 32 : index
      %swap3A_415 = tpu.vector_load %arg10[%swap3A_413, %swap3A_414] {strides = array<i32>} : memref<256x128xf32, #tpu.memory_space<vmem>>, vector<1x16xf32>,
      %swap3A_416 = vector.shape_cast %swap3A_415 : vector<1x16xf32> to vector<16xf32>
      %swap3A_417 = vector.shape_cast %add3A_412 : vector<16xf32> to vector<1x16xf32>
      tpu.vector_store %arg10[%swap3A_413, %swap3A_414], %swap3A_417 {strides = array<i32>} : memref<256x128xf32, #tpu.memory_space<vmem>>, vector<1x16xf32>,
      %mul3A_418 = arith.mulf %convert_element_type3A_396, %sub3A_251 : vector<16xf32>
      %add3A_419 = arith.addf %get3A_188, %mul3A_418 : vector<16xf32>
      %swap3A_420 = arith.index_cast %add3A_386 : i32 to index
      %swap3A_421 = arith.constant 48 : index
      %swap3A_422 = tpu.vector_load %arg10[%swap3A_420, %swap3A_421] {strides = array<i32>} : memref<256x128xf32, #tpu.memory_space<vmem>>, vector<1x16xf32>,
      %swap3A_423 = vector.shape_cast %swap3A_422 : vector<1x16xf32> to vector<16xf32>
      %swap3A_424 = vector.shape_cast %add3A_419 : vector<16xf32> to vector<1x16xf32>
      tpu.vector_store %arg10[%swap3A_420, %swap3A_421], %swap3A_424 {strides = array<i32>} : memref<256x128xf32, #tpu.memory_space<vmem>>, vector<1x16xf32>,
      %mul3A_425 = arith.mulf %convert_element_type3A_396, %sub3A_252 : vector<16xf32>
      %add3A_426 = arith.addf %get3A_193, %mul3A_425 : vector<16xf32>
      %swap3A_427 = arith.index_cast %add3A_386 : i32 to index
      %swap3A_428 = arith.constant 64 : index
      %swap3A_429 = tpu.vector_load %arg10[%swap3A_427, %swap3A_428] {strides = array<i32>} : memref<256x128xf32, #tpu.memory_space<vmem>>, vector<1x16xf32>,
      %swap3A_430 = vector.shape_cast %swap3A_429 : vector<1x16xf32> to vector<16xf32>
      %swap3A_431 = vector.shape_cast %add3A_426 : vector<16xf32> to vector<1x16xf32>
      tpu.vector_store %arg10[%swap3A_427, %swap3A_428], %swap3A_431 {strides = array<i32>} : memref<256x128xf32, #tpu.memory_space<vmem>>, vector<1x16xf32>,
      %mul3A_432 = arith.mulf %convert_element_type3A_396, %sub3A_253 : vector<16xf32>
      %add3A_433 = arith.addf %get3A_198, %mul3A_432 : vector<16xf32>
      %swap3A_434 = arith.index_cast %add3A_386 : i32 to index
      %swap3A_435 = arith.constant 80 : index
      %swap3A_436 = tpu.vector_load %arg10[%swap3A_434, %swap3A_435] {strides = array<i32>} : memref<256x128xf32, #tpu.memory_space<vmem>>, vector<1x16xf32>,
      %swap3A_437 = vector.shape_cast %swap3A_436 : vector<1x16xf32> to vector<16xf32>
      %swap3A_438 = vector.shape_cast %add3A_433 : vector<16xf32> to vector<1x16xf32>
      tpu.vector_store %arg10[%swap3A_434, %swap3A_435], %swap3A_438 {strides = array<i32>} : memref<256x128xf32, #tpu.memory_space<vmem>>, vector<1x16xf32>,
      %mul3A_439 = arith.mulf %convert_element_type3A_396, %sub3A_254 : vector<16xf32>
      %add3A_440 = arith.addf %get3A_203, %mul3A_439 : vector<16xf32>
      %swap3A_441 = arith.index_cast %add3A_386 : i32 to index
      %swap3A_442 = arith.constant 96 : index
      %swap3A_443 = tpu.vector_load %arg10[%swap3A_441, %swap3A_442] {strides = array<i32>} : memref<256x128xf32, #tpu.memory_space<vmem>>, vector<1x16xf32>,
      %swap3A_444 = vector.shape_cast %swap3A_443 : vector<1x16xf32> to vector<16xf32>
      %swap3A_445 = vector.shape_cast %add3A_440 : vector<16xf32> to vector<1x16xf32>
      tpu.vector_store %arg10[%swap3A_441, %swap3A_442], %swap3A_445 {strides = array<i32>} : memref<256x128xf32, #tpu.memory_space<vmem>>, vector<1x16xf32>,
      %mul3A_446 = arith.mulf %convert_element_type3A_396, %sub3A_255 : vector<16xf32>
      %add3A_447 = arith.addf %get3A_208, %mul3A_446 : vector<16xf32>
      %swap3A_448 = arith.index_cast %add3A_386 : i32 to index
      %swap3A_449 = arith.constant 112 : index
      %swap3A_450 = tpu.vector_load %arg10[%swap3A_448, %swap3A_449] {strides = array<i32>} : memref<256x128xf32, #tpu.memory_space<vmem>>, vector<1x16xf32>,
      %swap3A_451 = vector.shape_cast %swap3A_450 : vector<1x16xf32> to vector<16xf32>
      %swap3A_452 = vector.shape_cast %add3A_447 : vector<16xf32> to vector<1x16xf32>
      tpu.vector_store %arg10[%swap3A_448, %swap3A_449], %swap3A_452 {strides = array<i32>} : memref<256x128xf32, #tpu.memory_space<vmem>>, vector<1x16xf32>,
      %mul3A_453 = arith.constant 4 : i32
      %mul3A_454 = arith.muli %scan3A_379, %mul3A_453 : i32
      %add3A_455 = arith.constant 0 : i32
      %add3A_456 = arith.addi %add3A_455, %mul3A_454 : i32
      %add3A_457 = arith.constant 1 : i32
      %add3A_458 = arith.addi %add3A_456, %add3A_457 : i32
      %add3A_459 = vector.broadcast %add3A_458 : i32 to vector<16xi32>
      %add3A_460 = arith.addi %mul3A_262, %add3A_459 : vector<16xi32>
      %ge3A_461 = vector.broadcast %min3A : i32 to vector<16xi32>
      %ge3A_462 = arith.cmpi sge, %add3A_460, %ge3A_461 : vector<16xi32>
      %jit3A_463 = arith.constant 1 : i32
      %jit3A_464 = arith.constant 0 : i32
      %broadcast_in_dim3A_465 = vector.broadcast %jit3A_463 : i32 to vector<16xi32>
      %broadcast_in_dim3A_466 = vector.broadcast %jit3A_464 : i32 to vector<16xi32>
      %select_n3A_467 = arith.select %ge3A_462, %broadcast_in_dim3A_465, %broadcast_in_dim3A_466 : vector<16xi1>, vector<16xi32>
      %convert_element_type3A_468 = arith.sitofp %select_n3A_467 : vector<16xi32> to vector<16xf32>
      %mul3A_469 = arith.mulf %convert_element_type3A_468, %sub3A : vector<16xf32>
      %add3A_470 = arith.addf %get3A_173, %mul3A_469 : vector<16xf32>
      %swap3A_471 = arith.index_cast %add3A_458 : i32 to index
      %swap3A_472 = arith.constant 0 : index
      %swap3A_473 = tpu.vector_load %arg10[%swap3A_471, %swap3A_472] {strides = array<i32>} : memref<256x128xf32, #tpu.memory_space<vmem>>, vector<1x16xf32>,
      %swap3A_474 = vector.shape_cast %swap3A_473 : vector<1x16xf32> to vector<16xf32>
      %swap3A_475 = vector.shape_cast %add3A_470 : vector<16xf32> to vector<1x16xf32>
      tpu.vector_store %arg10[%swap3A_471, %swap3A_472], %swap3A_475 {strides = array<i32>} : memref<256x128xf32, #tpu.memory_space<vmem>>, vector<1x16xf32>,
      %mul3A_476 = arith.mulf %convert_element_type3A_468, %sub3A_249 : vector<16xf32>
      %add3A_477 = arith.addf %get3A_178, %mul3A_476 : vector<16xf32>
      %swap3A_478 = arith.index_cast %add3A_458 : i32 to index
      %swap3A_479 = arith.constant 16 : index
      %swap3A_480 = tpu.vector_load %arg10[%swap3A_478, %swap3A_479] {strides = array<i32>} : memref<256x128xf32, #tpu.memory_space<vmem>>, vector<1x16xf32>,
      %swap3A_481 = vector.shape_cast %swap3A_480 : vector<1x16xf32> to vector<16xf32>
      %swap3A_482 = vector.shape_cast %add3A_477 : vector<16xf32> to vector<1x16xf32>
      tpu.vector_store %arg10[%swap3A_478, %swap3A_479], %swap3A_482 {strides = array<i32>} : memref<256x128xf32, #tpu.memory_space<vmem>>, vector<1x16xf32>,
      %mul3A_483 = arith.mulf %convert_element_type3A_468, %sub3A_250 : vector<16xf32>
      %add3A_484 = arith.addf %get3A_183, %mul3A_483 : vector<16xf32>
      %swap3A_485 = arith.index_cast %add3A_458 : i32 to index
      %swap3A_486 = arith.constant 32 : index
      %swap3A_487 = tpu.vector_load %arg10[%swap3A_485, %swap3A_486] {strides = array<i32>} : memref<256x128xf32, #tpu.memory_space<vmem>>, vector<1x16xf32>,
      %swap3A_488 = vector.shape_cast %swap3A_487 : vector<1x16xf32> to vector<16xf32>
      %swap3A_489 = vector.shape_cast %add3A_484 : vector<16xf32> to vector<1x16xf32>
      tpu.vector_store %arg10[%swap3A_485, %swap3A_486], %swap3A_489 {strides = array<i32>} : memref<256x128xf32, #tpu.memory_space<vmem>>, vector<1x16xf32>,
      %mul3A_490 = arith.mulf %convert_element_type3A_468, %sub3A_251 : vector<16xf32>
      %add3A_491 = arith.addf %get3A_188, %mul3A_490 : vector<16xf32>
      %swap3A_492 = arith.index_cast %add3A_458 : i32 to index
      %swap3A_493 = arith.constant 48 : index
      %swap3A_494 = tpu.vector_load %arg10[%swap3A_492, %swap3A_493] {strides = array<i32>} : memref<256x128xf32, #tpu.memory_space<vmem>>, vector<1x16xf32>,
      %swap3A_495 = vector.shape_cast %swap3A_494 : vector<1x16xf32> to vector<16xf32>
      %swap3A_496 = vector.shape_cast %add3A_491 : vector<16xf32> to vector<1x16xf32>
      tpu.vector_store %arg10[%swap3A_492, %swap3A_493], %swap3A_496 {strides = array<i32>} : memref<256x128xf32, #tpu.memory_space<vmem>>, vector<1x16xf32>,
      %mul3A_497 = arith.mulf %convert_element_type3A_468, %sub3A_252 : vector<16xf32>
      %add3A_498 = arith.addf %get3A_193, %mul3A_497 : vector<16xf32>
      %swap3A_499 = arith.index_cast %add3A_458 : i32 to index
      %swap3A_500 = arith.constant 64 : index
      %swap3A_501 = tpu.vector_load %arg10[%swap3A_499, %swap3A_500] {strides = array<i32>} : memref<256x128xf32, #tpu.memory_space<vmem>>, vector<1x16xf32>,
      %swap3A_502 = vector.shape_cast %swap3A_501 : vector<1x16xf32> to vector<16xf32>
      %swap3A_503 = vector.shape_cast %add3A_498 : vector<16xf32> to vector<1x16xf32>
      tpu.vector_store %arg10[%swap3A_499, %swap3A_500], %swap3A_503 {strides = array<i32>} : memref<256x128xf32, #tpu.memory_space<vmem>>, vector<1x16xf32>,
      %mul3A_504 = arith.mulf %convert_element_type3A_468, %sub3A_253 : vector<16xf32>
      %add3A_505 = arith.addf %get3A_198, %mul3A_504 : vector<16xf32>
      %swap3A_506 = arith.index_cast %add3A_458 : i32 to index
      %swap3A_507 = arith.constant 80 : index
      %swap3A_508 = tpu.vector_load %arg10[%swap3A_506, %swap3A_507] {strides = array<i32>} : memref<256x128xf32, #tpu.memory_space<vmem>>, vector<1x16xf32>,
      %swap3A_509 = vector.shape_cast %swap3A_508 : vector<1x16xf32> to vector<16xf32>
      %swap3A_510 = vector.shape_cast %add3A_505 : vector<16xf32> to vector<1x16xf32>
      tpu.vector_store %arg10[%swap3A_506, %swap3A_507], %swap3A_510 {strides = array<i32>} : memref<256x128xf32, #tpu.memory_space<vmem>>, vector<1x16xf32>,
      %mul3A_511 = arith.mulf %convert_element_type3A_468, %sub3A_254 : vector<16xf32>
      %add3A_512 = arith.addf %get3A_203, %mul3A_511 : vector<16xf32>
      %swap3A_513 = arith.index_cast %add3A_458 : i32 to index
      %swap3A_514 = arith.constant 96 : index
      %swap3A_515 = tpu.vector_load %arg10[%swap3A_513, %swap3A_514] {strides = array<i32>} : memref<256x128xf32, #tpu.memory_space<vmem>>, vector<1x16xf32>,
      %swap3A_516 = vector.shape_cast %swap3A_515 : vector<1x16xf32> to vector<16xf32>
      %swap3A_517 = vector.shape_cast %add3A_512 : vector<16xf32> to vector<1x16xf32>
      tpu.vector_store %arg10[%swap3A_513, %swap3A_514], %swap3A_517 {strides = array<i32>} : memref<256x128xf32, #tpu.memory_space<vmem>>, vector<1x16xf32>,
      %mul3A_518 = arith.mulf %convert_element_type3A_468, %sub3A_255 : vector<16xf32>
      %add3A_519 = arith.addf %get3A_208, %mul3A_518 : vector<16xf32>
      %swap3A_520 = arith.index_cast %add3A_458 : i32 to index
      %swap3A_521 = arith.constant 112 : index
      %swap3A_522 = tpu.vector_load %arg10[%swap3A_520, %swap3A_521] {strides = array<i32>} : memref<256x128xf32, #tpu.memory_space<vmem>>, vector<1x16xf32>,
      %swap3A_523 = vector.shape_cast %swap3A_522 : vector<1x16xf32> to vector<16xf32>
      %swap3A_524 = vector.shape_cast %add3A_519 : vector<16xf32> to vector<1x16xf32>
      tpu.vector_store %arg10[%swap3A_520, %swap3A_521], %swap3A_524 {strides = array<i32>} : memref<256x128xf32, #tpu.memory_space<vmem>>, vector<1x16xf32>,
      %mul3A_525 = arith.constant 4 : i32
      %mul3A_526 = arith.muli %scan3A_379, %mul3A_525 : i32
      %add3A_527 = arith.constant 0 : i32
      %add3A_528 = arith.addi %add3A_527, %mul3A_526 : i32
      %add3A_529 = arith.constant 2 : i32
      %add3A_530 = arith.addi %add3A_528, %add3A_529 : i32
      %add3A_531 = vector.broadcast %add3A_530 : i32 to vector<16xi32>
      %add3A_532 = arith.addi %mul3A_262, %add3A_531 : vector<16xi32>
      %ge3A_533 = vector.broadcast %min3A : i32 to vector<16xi32>
      %ge3A_534 = arith.cmpi sge, %add3A_532, %ge3A_533 : vector<16xi32>
      %jit3A_535 = arith.constant 1 : i32
      %jit3A_536 = arith.constant 0 : i32
      %broadcast_in_dim3A_537 = vector.broadcast %jit3A_535 : i32 to vector<16xi32>
      %broadcast_in_dim3A_538 = vector.broadcast %jit3A_536 : i32 to vector<16xi32>
      %select_n3A_539 = arith.select %ge3A_534, %broadcast_in_dim3A_537, %broadcast_in_dim3A_538 : vector<16xi1>, vector<16xi32>
      %convert_element_type3A_540 = arith.sitofp %select_n3A_539 : vector<16xi32> to vector<16xf32>
      %mul3A_541 = arith.mulf %convert_element_type3A_540, %sub3A : vector<16xf32>
      %add3A_542 = arith.addf %get3A_173, %mul3A_541 : vector<16xf32>
      %swap3A_543 = arith.index_cast %add3A_530 : i32 to index
      %swap3A_544 = arith.constant 0 : index
      %swap3A_545 = tpu.vector_load %arg10[%swap3A_543, %swap3A_544] {strides = array<i32>} : memref<256x128xf32, #tpu.memory_space<vmem>>, vector<1x16xf32>,
      %swap3A_546 = vector.shape_cast %swap3A_545 : vector<1x16xf32> to vector<16xf32>
      %swap3A_547 = vector.shape_cast %add3A_542 : vector<16xf32> to vector<1x16xf32>
      tpu.vector_store %arg10[%swap3A_543, %swap3A_544], %swap3A_547 {strides = array<i32>} : memref<256x128xf32, #tpu.memory_space<vmem>>, vector<1x16xf32>,
      %mul3A_548 = arith.mulf %convert_element_type3A_540, %sub3A_249 : vector<16xf32>
      %add3A_549 = arith.addf %get3A_178, %mul3A_548 : vector<16xf32>
      %swap3A_550 = arith.index_cast %add3A_530 : i32 to index
      %swap3A_551 = arith.constant 16 : index
      %swap3A_552 = tpu.vector_load %arg10[%swap3A_550, %swap3A_551] {strides = array<i32>} : memref<256x128xf32, #tpu.memory_space<vmem>>, vector<1x16xf32>,
      %swap3A_553 = vector.shape_cast %swap3A_552 : vector<1x16xf32> to vector<16xf32>
      %swap3A_554 = vector.shape_cast %add3A_549 : vector<16xf32> to vector<1x16xf32>
      tpu.vector_store %arg10[%swap3A_550, %swap3A_551], %swap3A_554 {strides = array<i32>} : memref<256x128xf32, #tpu.memory_space<vmem>>, vector<1x16xf32>,
      %mul3A_555 = arith.mulf %convert_element_type3A_540, %sub3A_250 : vector<16xf32>
      %add3A_556 = arith.addf %get3A_183, %mul3A_555 : vector<16xf32>
      %swap3A_557 = arith.index_cast %add3A_530 : i32 to index
      %swap3A_558 = arith.constant 32 : index
      %swap3A_559 = tpu.vector_load %arg10[%swap3A_557, %swap3A_558] {strides = array<i32>} : memref<256x128xf32, #tpu.memory_space<vmem>>, vector<1x16xf32>,
      %swap3A_560 = vector.shape_cast %swap3A_559 : vector<1x16xf32> to vector<16xf32>
      %swap3A_561 = vector.shape_cast %add3A_556 : vector<16xf32> to vector<1x16xf32>
      tpu.vector_store %arg10[%swap3A_557, %swap3A_558], %swap3A_561 {strides = array<i32>} : memref<256x128xf32, #tpu.memory_space<vmem>>, vector<1x16xf32>,
      %mul3A_562 = arith.mulf %convert_element_type3A_540, %sub3A_251 : vector<16xf32>
      %add3A_563 = arith.addf %get3A_188, %mul3A_562 : vector<16xf32>
      %swap3A_564 = arith.index_cast %add3A_530 : i32 to index
      %swap3A_565 = arith.constant 48 : index
      %swap3A_566 = tpu.vector_load %arg10[%swap3A_564, %swap3A_565] {strides = array<i32>} : memref<256x128xf32, #tpu.memory_space<vmem>>, vector<1x16xf32>,
      %swap3A_567 = vector.shape_cast %swap3A_566 : vector<1x16xf32> to vector<16xf32>
      %swap3A_568 = vector.shape_cast %add3A_563 : vector<16xf32> to vector<1x16xf32>
      tpu.vector_store %arg10[%swap3A_564, %swap3A_565], %swap3A_568 {strides = array<i32>} : memref<256x128xf32, #tpu.memory_space<vmem>>, vector<1x16xf32>,
      %mul3A_569 = arith.mulf %convert_element_type3A_540, %sub3A_252 : vector<16xf32>
      %add3A_570 = arith.addf %get3A_193, %mul3A_569 : vector<16xf32>
      %swap3A_571 = arith.index_cast %add3A_530 : i32 to index
      %swap3A_572 = arith.constant 64 : index
      %swap3A_573 = tpu.vector_load %arg10[%swap3A_571, %swap3A_572] {strides = array<i32>} : memref<256x128xf32, #tpu.memory_space<vmem>>, vector<1x16xf32>,
      %swap3A_574 = vector.shape_cast %swap3A_573 : vector<1x16xf32> to vector<16xf32>
      %swap3A_575 = vector.shape_cast %add3A_570 : vector<16xf32> to vector<1x16xf32>
      tpu.vector_store %arg10[%swap3A_571, %swap3A_572], %swap3A_575 {strides = array<i32>} : memref<256x128xf32, #tpu.memory_space<vmem>>, vector<1x16xf32>,
      %mul3A_576 = arith.mulf %convert_element_type3A_540, %sub3A_253 : vector<16xf32>
      %add3A_577 = arith.addf %get3A_198, %mul3A_576 : vector<16xf32>
      %swap3A_578 = arith.index_cast %add3A_530 : i32 to index
      %swap3A_579 = arith.constant 80 : index
      %swap3A_580 = tpu.vector_load %arg10[%swap3A_578, %swap3A_579] {strides = array<i32>} : memref<256x128xf32, #tpu.memory_space<vmem>>, vector<1x16xf32>,
      %swap3A_581 = vector.shape_cast %swap3A_580 : vector<1x16xf32> to vector<16xf32>
      %swap3A_582 = vector.shape_cast %add3A_577 : vector<16xf32> to vector<1x16xf32>
      tpu.vector_store %arg10[%swap3A_578, %swap3A_579], %swap3A_582 {strides = array<i32>} : memref<256x128xf32, #tpu.memory_space<vmem>>, vector<1x16xf32>,
      %mul3A_583 = arith.mulf %convert_element_type3A_540, %sub3A_254 : vector<16xf32>
      %add3A_584 = arith.addf %get3A_203, %mul3A_583 : vector<16xf32>
      %swap3A_585 = arith.index_cast %add3A_530 : i32 to index
      %swap3A_586 = arith.constant 96 : index
      %swap3A_587 = tpu.vector_load %arg10[%swap3A_585, %swap3A_586] {strides = array<i32>} : memref<256x128xf32, #tpu.memory_space<vmem>>, vector<1x16xf32>,
      %swap3A_588 = vector.shape_cast %swap3A_587 : vector<1x16xf32> to vector<16xf32>
      %swap3A_589 = vector.shape_cast %add3A_584 : vector<16xf32> to vector<1x16xf32>
      tpu.vector_store %arg10[%swap3A_585, %swap3A_586], %swap3A_589 {strides = array<i32>} : memref<256x128xf32, #tpu.memory_space<vmem>>, vector<1x16xf32>,
      %mul3A_590 = arith.mulf %convert_element_type3A_540, %sub3A_255 : vector<16xf32>
      %add3A_591 = arith.addf %get3A_208, %mul3A_590 : vector<16xf32>
      %swap3A_592 = arith.index_cast %add3A_530 : i32 to index
      %swap3A_593 = arith.constant 112 : index
      %swap3A_594 = tpu.vector_load %arg10[%swap3A_592, %swap3A_593] {strides = array<i32>} : memref<256x128xf32, #tpu.memory_space<vmem>>, vector<1x16xf32>,
      %swap3A_595 = vector.shape_cast %swap3A_594 : vector<1x16xf32> to vector<16xf32>
      %swap3A_596 = vector.shape_cast %add3A_591 : vector<16xf32> to vector<1x16xf32>
      tpu.vector_store %arg10[%swap3A_592, %swap3A_593], %swap3A_596 {strides = array<i32>} : memref<256x128xf32, #tpu.memory_space<vmem>>, vector<1x16xf32>,
      %mul3A_597 = arith.constant 4 : i32
      %mul3A_598 = arith.muli %scan3A_379, %mul3A_597 : i32
      %add3A_599 = arith.constant 0 : i32
      %add3A_600 = arith.addi %add3A_599, %mul3A_598 : i32
      %add3A_601 = arith.constant 3 : i32
      %add3A_602 = arith.addi %add3A_600, %add3A_601 : i32
      %add3A_603 = vector.broadcast %add3A_602 : i32 to vector<16xi32>
      %add3A_604 = arith.addi %mul3A_262, %add3A_603 : vector<16xi32>
      %ge3A_605 = vector.broadcast %min3A : i32 to vector<16xi32>
      %ge3A_606 = arith.cmpi sge, %add3A_604, %ge3A_605 : vector<16xi32>
      %jit3A_607 = arith.constant 1 : i32
      %jit3A_608 = arith.constant 0 : i32
      %broadcast_in_dim3A_609 = vector.broadcast %jit3A_607 : i32 to vector<16xi32>
      %broadcast_in_dim3A_610 = vector.broadcast %jit3A_608 : i32 to vector<16xi32>
      %select_n3A_611 = arith.select %ge3A_606, %broadcast_in_dim3A_609, %broadcast_in_dim3A_610 : vector<16xi1>, vector<16xi32>
      %convert_element_type3A_612 = arith.sitofp %select_n3A_611 : vector<16xi32> to vector<16xf32>
      %mul3A_613 = arith.mulf %convert_element_type3A_612, %sub3A : vector<16xf32>
      %add3A_614 = arith.addf %get3A_173, %mul3A_613 : vector<16xf32>
      %swap3A_615 = arith.index_cast %add3A_602 : i32 to index
      %swap3A_616 = arith.constant 0 : index
      %swap3A_617 = tpu.vector_load %arg10[%swap3A_615, %swap3A_616] {strides = array<i32>} : memref<256x128xf32, #tpu.memory_space<vmem>>, vector<1x16xf32>,
      %swap3A_618 = vector.shape_cast %swap3A_617 : vector<1x16xf32> to vector<16xf32>
      %swap3A_619 = vector.shape_cast %add3A_614 : vector<16xf32> to vector<1x16xf32>
      tpu.vector_store %arg10[%swap3A_615, %swap3A_616], %swap3A_619 {strides = array<i32>} : memref<256x128xf32, #tpu.memory_space<vmem>>, vector<1x16xf32>,
      %mul3A_620 = arith.mulf %convert_element_type3A_612, %sub3A_249 : vector<16xf32>
      %add3A_621 = arith.addf %get3A_178, %mul3A_620 : vector<16xf32>
      %swap3A_622 = arith.index_cast %add3A_602 : i32 to index
      %swap3A_623 = arith.constant 16 : index
      %swap3A_624 = tpu.vector_load %arg10[%swap3A_622, %swap3A_623] {strides = array<i32>} : memref<256x128xf32, #tpu.memory_space<vmem>>, vector<1x16xf32>,
      %swap3A_625 = vector.shape_cast %swap3A_624 : vector<1x16xf32> to vector<16xf32>
      %swap3A_626 = vector.shape_cast %add3A_621 : vector<16xf32> to vector<1x16xf32>
      tpu.vector_store %arg10[%swap3A_622, %swap3A_623], %swap3A_626 {strides = array<i32>} : memref<256x128xf32, #tpu.memory_space<vmem>>, vector<1x16xf32>,
      %mul3A_627 = arith.mulf %convert_element_type3A_612, %sub3A_250 : vector<16xf32>
      %add3A_628 = arith.addf %get3A_183, %mul3A_627 : vector<16xf32>
      %swap3A_629 = arith.index_cast %add3A_602 : i32 to index
      %swap3A_630 = arith.constant 32 : index
      %swap3A_631 = tpu.vector_load %arg10[%swap3A_629, %swap3A_630] {strides = array<i32>} : memref<256x128xf32, #tpu.memory_space<vmem>>, vector<1x16xf32>,
      %swap3A_632 = vector.shape_cast %swap3A_631 : vector<1x16xf32> to vector<16xf32>
      %swap3A_633 = vector.shape_cast %add3A_628 : vector<16xf32> to vector<1x16xf32>
      tpu.vector_store %arg10[%swap3A_629, %swap3A_630], %swap3A_633 {strides = array<i32>} : memref<256x128xf32, #tpu.memory_space<vmem>>, vector<1x16xf32>,
      %mul3A_634 = arith.mulf %convert_element_type3A_612, %sub3A_251 : vector<16xf32>
      %add3A_635 = arith.addf %get3A_188, %mul3A_634 : vector<16xf32>
      %swap3A_636 = arith.index_cast %add3A_602 : i32 to index
      %swap3A_637 = arith.constant 48 : index
      %swap3A_638 = tpu.vector_load %arg10[%swap3A_636, %swap3A_637] {strides = array<i32>} : memref<256x128xf32, #tpu.memory_space<vmem>>, vector<1x16xf32>,
      %swap3A_639 = vector.shape_cast %swap3A_638 : vector<1x16xf32> to vector<16xf32>
      %swap3A_640 = vector.shape_cast %add3A_635 : vector<16xf32> to vector<1x16xf32>
      tpu.vector_store %arg10[%swap3A_636, %swap3A_637], %swap3A_640 {strides = array<i32>} : memref<256x128xf32, #tpu.memory_space<vmem>>, vector<1x16xf32>,
      %mul3A_641 = arith.mulf %convert_element_type3A_612, %sub3A_252 : vector<16xf32>
      %add3A_642 = arith.addf %get3A_193, %mul3A_641 : vector<16xf32>
      %swap3A_643 = arith.index_cast %add3A_602 : i32 to index
      %swap3A_644 = arith.constant 64 : index
      %swap3A_645 = tpu.vector_load %arg10[%swap3A_643, %swap3A_644] {strides = array<i32>} : memref<256x128xf32, #tpu.memory_space<vmem>>, vector<1x16xf32>,
      %swap3A_646 = vector.shape_cast %swap3A_645 : vector<1x16xf32> to vector<16xf32>
      %swap3A_647 = vector.shape_cast %add3A_642 : vector<16xf32> to vector<1x16xf32>
      tpu.vector_store %arg10[%swap3A_643, %swap3A_644], %swap3A_647 {strides = array<i32>} : memref<256x128xf32, #tpu.memory_space<vmem>>, vector<1x16xf32>,
      %mul3A_648 = arith.mulf %convert_element_type3A_612, %sub3A_253 : vector<16xf32>
      %add3A_649 = arith.addf %get3A_198, %mul3A_648 : vector<16xf32>
      %swap3A_650 = arith.index_cast %add3A_602 : i32 to index
      %swap3A_651 = arith.constant 80 : index
      %swap3A_652 = tpu.vector_load %arg10[%swap3A_650, %swap3A_651] {strides = array<i32>} : memref<256x128xf32, #tpu.memory_space<vmem>>, vector<1x16xf32>,
      %swap3A_653 = vector.shape_cast %swap3A_652 : vector<1x16xf32> to vector<16xf32>
      %swap3A_654 = vector.shape_cast %add3A_649 : vector<16xf32> to vector<1x16xf32>
      tpu.vector_store %arg10[%swap3A_650, %swap3A_651], %swap3A_654 {strides = array<i32>} : memref<256x128xf32, #tpu.memory_space<vmem>>, vector<1x16xf32>,
      %mul3A_655 = arith.mulf %convert_element_type3A_612, %sub3A_254 : vector<16xf32>
      %add3A_656 = arith.addf %get3A_203, %mul3A_655 : vector<16xf32>
      %swap3A_657 = arith.index_cast %add3A_602 : i32 to index
      %swap3A_658 = arith.constant 96 : index
      %swap3A_659 = tpu.vector_load %arg10[%swap3A_657, %swap3A_658] {strides = array<i32>} : memref<256x128xf32, #tpu.memory_space<vmem>>, vector<1x16xf32>,
      %swap3A_660 = vector.shape_cast %swap3A_659 : vector<1x16xf32> to vector<16xf32>
      %swap3A_661 = vector.shape_cast %add3A_656 : vector<16xf32> to vector<1x16xf32>
      tpu.vector_store %arg10[%swap3A_657, %swap3A_658], %swap3A_661 {strides = array<i32>} : memref<256x128xf32, #tpu.memory_space<vmem>>, vector<1x16xf32>,
      %mul3A_662 = arith.mulf %convert_element_type3A_612, %sub3A_255 : vector<16xf32>
      %add3A_663 = arith.addf %get3A_208, %mul3A_662 : vector<16xf32>
      %swap3A_664 = arith.index_cast %add3A_602 : i32 to index
      %swap3A_665 = arith.constant 112 : index
      %swap3A_666 = tpu.vector_load %arg10[%swap3A_664, %swap3A_665] {strides = array<i32>} : memref<256x128xf32, #tpu.memory_space<vmem>>, vector<1x16xf32>,
      %swap3A_667 = vector.shape_cast %swap3A_666 : vector<1x16xf32> to vector<16xf32>
      %swap3A_668 = vector.shape_cast %add3A_663 : vector<16xf32> to vector<1x16xf32>
      tpu.vector_store %arg10[%swap3A_664, %swap3A_665], %swap3A_668 {strides = array<i32>} : memref<256x128xf32, #tpu.memory_space<vmem>>, vector<1x16xf32>,
      %scan3A_669 = arith.constant 0 : i32
      scf.yield %scan3A_669 : i32
    }
    %scan3A_269 = arith.constant 16 : i32
    %add3A_270 = arith.constant 0 : i32
    %add3A_271 = arith.addi %mul3A_2, %add3A_270 : i32
    %dma_start3A_272 = arith.constant 0 : i32
    %dma_start3A_273 = arith.constant 0 : i32
    %dma_start3A_274 = tpu.memref_slice %arg10[%dma_start3A_272, %dma_start3A_273] : memref<256x128xf32, #tpu.memory_space<vmem>> -> memref<64x128xf32, #tpu.memory_space<vmem>>
    %dma_start3A_275 = arith.constant 0 : i32
    %dma_start3A_276 = tpu.memref_slice %arg4[%add3A_271, %dma_start3A_275] : memref<8192x128xf32, #tpu.memory_space<hbm>> -> memref<64x128xf32, #tpu.memory_space<hbm>>
    %dma_start3A_277 = arith.constant 0 : i32
    %dma_start3A_278 = tpu.memref_slice %arg4[%add3A_271, %dma_start3A_277] : memref<8192x128xf32, #tpu.memory_space<hbm>> -> memref<64x128xf32, #tpu.memory_space<hbm>>
    %dma_start3A_279 = arith.constant 0 : i32
    %dma_start3A_280 = arith.constant 0 : i32
    %dma_start3A_281 = tpu.memref_slice %arg10[%dma_start3A_279, %dma_start3A_280] : memref<256x128xf32, #tpu.memory_space<vmem>> -> memref<64x128xf32, #tpu.memory_space<vmem>>
    tpu.enqueue_dma source(%dma_start3A_281 : memref<64x128xf32, #tpu.memory_space<vmem>>) target(%dma_start3A_278 : memref<64x128xf32, #tpu.memory_space<hbm>>) target_semaphore(%arg12 : memref<!tpu.dma_semaphore, #tpu.memory_space<semaphore_mem>>)
    %scan3A_282 = arith.constant 0 : i32
    %scan3A_283 = arith.constant 0 : i32
    %scan3A_284 = arith.constant 16 : i32
    %scan3A_285 = arith.addi %scan3A_283, %scan3A_284 : i32
    %scan3A_286 = arith.constant 1 : i32
    %scan3A_287 = scf.for %scan3A_379 = %scan3A_283 to %scan3A_285 step %scan3A_286 iter_args(%scan3A_380 = %scan3A_282) -> (i32)  : i32 {
      %mul3A_381 = arith.constant 4 : i32
      %mul3A_382 = arith.muli %scan3A_379, %mul3A_381 : i32
      %add3A_383 = arith.constant 64 : i32
      %add3A_384 = arith.addi %add3A_383, %mul3A_382 : i32
      %add3A_385 = arith.constant 0 : i32
      %add3A_386 = arith.addi %add3A_384, %add3A_385 : i32
      %add3A_387 = vector.broadcast %add3A_386 : i32 to vector<16xi32>
      %add3A_388 = arith.addi %mul3A_262, %add3A_387 : vector<16xi32>
      %ge3A_389 = vector.broadcast %min3A : i32 to vector<16xi32>
      %ge3A_390 = arith.cmpi sge, %add3A_388, %ge3A_389 : vector<16xi32>
      %jit3A_391 = arith.constant 1 : i32
      %jit3A_392 = arith.constant 0 : i32
      %broadcast_in_dim3A_393 = vector.broadcast %jit3A_391 : i32 to vector<16xi32>
      %broadcast_in_dim3A_394 = vector.broadcast %jit3A_392 : i32 to vector<16xi32>
      %select_n3A_395 = arith.select %ge3A_390, %broadcast_in_dim3A_393, %broadcast_in_dim3A_394 : vector<16xi1>, vector<16xi32>
      %convert_element_type3A_396 = arith.sitofp %select_n3A_395 : vector<16xi32> to vector<16xf32>
      %mul3A_397 = arith.mulf %convert_element_type3A_396, %sub3A : vector<16xf32>
      %add3A_398 = arith.addf %get3A_173, %mul3A_397 : vector<16xf32>
      %swap3A_399 = arith.index_cast %add3A_386 : i32 to index
      %swap3A_400 = arith.constant 0 : index
      %swap3A_401 = tpu.vector_load %arg10[%swap3A_399, %swap3A_400] {strides = array<i32>} : memref<256x128xf32, #tpu.memory_space<vmem>>, vector<1x16xf32>,
      %swap3A_402 = vector.shape_cast %swap3A_401 : vector<1x16xf32> to vector<16xf32>
      %swap3A_403 = vector.shape_cast %add3A_398 : vector<16xf32> to vector<1x16xf32>
      tpu.vector_store %arg10[%swap3A_399, %swap3A_400], %swap3A_403 {strides = array<i32>} : memref<256x128xf32, #tpu.memory_space<vmem>>, vector<1x16xf32>,
      %mul3A_404 = arith.mulf %convert_element_type3A_396, %sub3A_249 : vector<16xf32>
      %add3A_405 = arith.addf %get3A_178, %mul3A_404 : vector<16xf32>
      %swap3A_406 = arith.index_cast %add3A_386 : i32 to index
      %swap3A_407 = arith.constant 16 : index
      %swap3A_408 = tpu.vector_load %arg10[%swap3A_406, %swap3A_407] {strides = array<i32>} : memref<256x128xf32, #tpu.memory_space<vmem>>, vector<1x16xf32>,
      %swap3A_409 = vector.shape_cast %swap3A_408 : vector<1x16xf32> to vector<16xf32>
      %swap3A_410 = vector.shape_cast %add3A_405 : vector<16xf32> to vector<1x16xf32>
      tpu.vector_store %arg10[%swap3A_406, %swap3A_407], %swap3A_410 {strides = array<i32>} : memref<256x128xf32, #tpu.memory_space<vmem>>, vector<1x16xf32>,
      %mul3A_411 = arith.mulf %convert_element_type3A_396, %sub3A_250 : vector<16xf32>
      %add3A_412 = arith.addf %get3A_183, %mul3A_411 : vector<16xf32>
      %swap3A_413 = arith.index_cast %add3A_386 : i32 to index
      %swap3A_414 = arith.constant 32 : index
      %swap3A_415 = tpu.vector_load %arg10[%swap3A_413, %swap3A_414] {strides = array<i32>} : memref<256x128xf32, #tpu.memory_space<vmem>>, vector<1x16xf32>,
      %swap3A_416 = vector.shape_cast %swap3A_415 : vector<1x16xf32> to vector<16xf32>
      %swap3A_417 = vector.shape_cast %add3A_412 : vector<16xf32> to vector<1x16xf32>
      tpu.vector_store %arg10[%swap3A_413, %swap3A_414], %swap3A_417 {strides = array<i32>} : memref<256x128xf32, #tpu.memory_space<vmem>>, vector<1x16xf32>,
      %mul3A_418 = arith.mulf %convert_element_type3A_396, %sub3A_251 : vector<16xf32>
      %add3A_419 = arith.addf %get3A_188, %mul3A_418 : vector<16xf32>
      %swap3A_420 = arith.index_cast %add3A_386 : i32 to index
      %swap3A_421 = arith.constant 48 : index
      %swap3A_422 = tpu.vector_load %arg10[%swap3A_420, %swap3A_421] {strides = array<i32>} : memref<256x128xf32, #tpu.memory_space<vmem>>, vector<1x16xf32>,
      %swap3A_423 = vector.shape_cast %swap3A_422 : vector<1x16xf32> to vector<16xf32>
      %swap3A_424 = vector.shape_cast %add3A_419 : vector<16xf32> to vector<1x16xf32>
      tpu.vector_store %arg10[%swap3A_420, %swap3A_421], %swap3A_424 {strides = array<i32>} : memref<256x128xf32, #tpu.memory_space<vmem>>, vector<1x16xf32>,
      %mul3A_425 = arith.mulf %convert_element_type3A_396, %sub3A_252 : vector<16xf32>
      %add3A_426 = arith.addf %get3A_193, %mul3A_425 : vector<16xf32>
      %swap3A_427 = arith.index_cast %add3A_386 : i32 to index
      %swap3A_428 = arith.constant 64 : index
      %swap3A_429 = tpu.vector_load %arg10[%swap3A_427, %swap3A_428] {strides = array<i32>} : memref<256x128xf32, #tpu.memory_space<vmem>>, vector<1x16xf32>,
      %swap3A_430 = vector.shape_cast %swap3A_429 : vector<1x16xf32> to vector<16xf32>
      %swap3A_431 = vector.shape_cast %add3A_426 : vector<16xf32> to vector<1x16xf32>
      tpu.vector_store %arg10[%swap3A_427, %swap3A_428], %swap3A_431 {strides = array<i32>} : memref<256x128xf32, #tpu.memory_space<vmem>>, vector<1x16xf32>,
      %mul3A_432 = arith.mulf %convert_element_type3A_396, %sub3A_253 : vector<16xf32>
      %add3A_433 = arith.addf %get3A_198, %mul3A_432 : vector<16xf32>
      %swap3A_434 = arith.index_cast %add3A_386 : i32 to index
      %swap3A_435 = arith.constant 80 : index
      %swap3A_436 = tpu.vector_load %arg10[%swap3A_434, %swap3A_435] {strides = array<i32>} : memref<256x128xf32, #tpu.memory_space<vmem>>, vector<1x16xf32>,
      %swap3A_437 = vector.shape_cast %swap3A_436 : vector<1x16xf32> to vector<16xf32>
      %swap3A_438 = vector.shape_cast %add3A_433 : vector<16xf32> to vector<1x16xf32>
      tpu.vector_store %arg10[%swap3A_434, %swap3A_435], %swap3A_438 {strides = array<i32>} : memref<256x128xf32, #tpu.memory_space<vmem>>, vector<1x16xf32>,
      %mul3A_439 = arith.mulf %convert_element_type3A_396, %sub3A_254 : vector<16xf32>
      %add3A_440 = arith.addf %get3A_203, %mul3A_439 : vector<16xf32>
      %swap3A_441 = arith.index_cast %add3A_386 : i32 to index
      %swap3A_442 = arith.constant 96 : index
      %swap3A_443 = tpu.vector_load %arg10[%swap3A_441, %swap3A_442] {strides = array<i32>} : memref<256x128xf32, #tpu.memory_space<vmem>>, vector<1x16xf32>,
      %swap3A_444 = vector.shape_cast %swap3A_443 : vector<1x16xf32> to vector<16xf32>
      %swap3A_445 = vector.shape_cast %add3A_440 : vector<16xf32> to vector<1x16xf32>
      tpu.vector_store %arg10[%swap3A_441, %swap3A_442], %swap3A_445 {strides = array<i32>} : memref<256x128xf32, #tpu.memory_space<vmem>>, vector<1x16xf32>,
      %mul3A_446 = arith.mulf %convert_element_type3A_396, %sub3A_255 : vector<16xf32>
      %add3A_447 = arith.addf %get3A_208, %mul3A_446 : vector<16xf32>
      %swap3A_448 = arith.index_cast %add3A_386 : i32 to index
      %swap3A_449 = arith.constant 112 : index
      %swap3A_450 = tpu.vector_load %arg10[%swap3A_448, %swap3A_449] {strides = array<i32>} : memref<256x128xf32, #tpu.memory_space<vmem>>, vector<1x16xf32>,
      %swap3A_451 = vector.shape_cast %swap3A_450 : vector<1x16xf32> to vector<16xf32>
      %swap3A_452 = vector.shape_cast %add3A_447 : vector<16xf32> to vector<1x16xf32>
      tpu.vector_store %arg10[%swap3A_448, %swap3A_449], %swap3A_452 {strides = array<i32>} : memref<256x128xf32, #tpu.memory_space<vmem>>, vector<1x16xf32>,
      %mul3A_453 = arith.constant 4 : i32
      %mul3A_454 = arith.muli %scan3A_379, %mul3A_453 : i32
      %add3A_455 = arith.constant 64 : i32
      %add3A_456 = arith.addi %add3A_455, %mul3A_454 : i32
      %add3A_457 = arith.constant 1 : i32
      %add3A_458 = arith.addi %add3A_456, %add3A_457 : i32
      %add3A_459 = vector.broadcast %add3A_458 : i32 to vector<16xi32>
      %add3A_460 = arith.addi %mul3A_262, %add3A_459 : vector<16xi32>
      %ge3A_461 = vector.broadcast %min3A : i32 to vector<16xi32>
      %ge3A_462 = arith.cmpi sge, %add3A_460, %ge3A_461 : vector<16xi32>
      %jit3A_463 = arith.constant 1 : i32
      %jit3A_464 = arith.constant 0 : i32
      %broadcast_in_dim3A_465 = vector.broadcast %jit3A_463 : i32 to vector<16xi32>
      %broadcast_in_dim3A_466 = vector.broadcast %jit3A_464 : i32 to vector<16xi32>
      %select_n3A_467 = arith.select %ge3A_462, %broadcast_in_dim3A_465, %broadcast_in_dim3A_466 : vector<16xi1>, vector<16xi32>
      %convert_element_type3A_468 = arith.sitofp %select_n3A_467 : vector<16xi32> to vector<16xf32>
      %mul3A_469 = arith.mulf %convert_element_type3A_468, %sub3A : vector<16xf32>
      %add3A_470 = arith.addf %get3A_173, %mul3A_469 : vector<16xf32>
      %swap3A_471 = arith.index_cast %add3A_458 : i32 to index
      %swap3A_472 = arith.constant 0 : index
      %swap3A_473 = tpu.vector_load %arg10[%swap3A_471, %swap3A_472] {strides = array<i32>} : memref<256x128xf32, #tpu.memory_space<vmem>>, vector<1x16xf32>,
      %swap3A_474 = vector.shape_cast %swap3A_473 : vector<1x16xf32> to vector<16xf32>
      %swap3A_475 = vector.shape_cast %add3A_470 : vector<16xf32> to vector<1x16xf32>
      tpu.vector_store %arg10[%swap3A_471, %swap3A_472], %swap3A_475 {strides = array<i32>} : memref<256x128xf32, #tpu.memory_space<vmem>>, vector<1x16xf32>,
      %mul3A_476 = arith.mulf %convert_element_type3A_468, %sub3A_249 : vector<16xf32>
      %add3A_477 = arith.addf %get3A_178, %mul3A_476 : vector<16xf32>
      %swap3A_478 = arith.index_cast %add3A_458 : i32 to index
      %swap3A_479 = arith.constant 16 : index
      %swap3A_480 = tpu.vector_load %arg10[%swap3A_478, %swap3A_479] {strides = array<i32>} : memref<256x128xf32, #tpu.memory_space<vmem>>, vector<1x16xf32>,
      %swap3A_481 = vector.shape_cast %swap3A_480 : vector<1x16xf32> to vector<16xf32>
      %swap3A_482 = vector.shape_cast %add3A_477 : vector<16xf32> to vector<1x16xf32>
      tpu.vector_store %arg10[%swap3A_478, %swap3A_479], %swap3A_482 {strides = array<i32>} : memref<256x128xf32, #tpu.memory_space<vmem>>, vector<1x16xf32>,
      %mul3A_483 = arith.mulf %convert_element_type3A_468, %sub3A_250 : vector<16xf32>
      %add3A_484 = arith.addf %get3A_183, %mul3A_483 : vector<16xf32>
      %swap3A_485 = arith.index_cast %add3A_458 : i32 to index
      %swap3A_486 = arith.constant 32 : index
      %swap3A_487 = tpu.vector_load %arg10[%swap3A_485, %swap3A_486] {strides = array<i32>} : memref<256x128xf32, #tpu.memory_space<vmem>>, vector<1x16xf32>,
      %swap3A_488 = vector.shape_cast %swap3A_487 : vector<1x16xf32> to vector<16xf32>
      %swap3A_489 = vector.shape_cast %add3A_484 : vector<16xf32> to vector<1x16xf32>
      tpu.vector_store %arg10[%swap3A_485, %swap3A_486], %swap3A_489 {strides = array<i32>} : memref<256x128xf32, #tpu.memory_space<vmem>>, vector<1x16xf32>,
      %mul3A_490 = arith.mulf %convert_element_type3A_468, %sub3A_251 : vector<16xf32>
      %add3A_491 = arith.addf %get3A_188, %mul3A_490 : vector<16xf32>
      %swap3A_492 = arith.index_cast %add3A_458 : i32 to index
      %swap3A_493 = arith.constant 48 : index
      %swap3A_494 = tpu.vector_load %arg10[%swap3A_492, %swap3A_493] {strides = array<i32>} : memref<256x128xf32, #tpu.memory_space<vmem>>, vector<1x16xf32>,
      %swap3A_495 = vector.shape_cast %swap3A_494 : vector<1x16xf32> to vector<16xf32>
      %swap3A_496 = vector.shape_cast %add3A_491 : vector<16xf32> to vector<1x16xf32>
      tpu.vector_store %arg10[%swap3A_492, %swap3A_493], %swap3A_496 {strides = array<i32>} : memref<256x128xf32, #tpu.memory_space<vmem>>, vector<1x16xf32>,
      %mul3A_497 = arith.mulf %convert_element_type3A_468, %sub3A_252 : vector<16xf32>
      %add3A_498 = arith.addf %get3A_193, %mul3A_497 : vector<16xf32>
      %swap3A_499 = arith.index_cast %add3A_458 : i32 to index
      %swap3A_500 = arith.constant 64 : index
      %swap3A_501 = tpu.vector_load %arg10[%swap3A_499, %swap3A_500] {strides = array<i32>} : memref<256x128xf32, #tpu.memory_space<vmem>>, vector<1x16xf32>,
      %swap3A_502 = vector.shape_cast %swap3A_501 : vector<1x16xf32> to vector<16xf32>
      %swap3A_503 = vector.shape_cast %add3A_498 : vector<16xf32> to vector<1x16xf32>
      tpu.vector_store %arg10[%swap3A_499, %swap3A_500], %swap3A_503 {strides = array<i32>} : memref<256x128xf32, #tpu.memory_space<vmem>>, vector<1x16xf32>,
      %mul3A_504 = arith.mulf %convert_element_type3A_468, %sub3A_253 : vector<16xf32>
      %add3A_505 = arith.addf %get3A_198, %mul3A_504 : vector<16xf32>
      %swap3A_506 = arith.index_cast %add3A_458 : i32 to index
      %swap3A_507 = arith.constant 80 : index
      %swap3A_508 = tpu.vector_load %arg10[%swap3A_506, %swap3A_507] {strides = array<i32>} : memref<256x128xf32, #tpu.memory_space<vmem>>, vector<1x16xf32>,
      %swap3A_509 = vector.shape_cast %swap3A_508 : vector<1x16xf32> to vector<16xf32>
      %swap3A_510 = vector.shape_cast %add3A_505 : vector<16xf32> to vector<1x16xf32>
      tpu.vector_store %arg10[%swap3A_506, %swap3A_507], %swap3A_510 {strides = array<i32>} : memref<256x128xf32, #tpu.memory_space<vmem>>, vector<1x16xf32>,
      %mul3A_511 = arith.mulf %convert_element_type3A_468, %sub3A_254 : vector<16xf32>
      %add3A_512 = arith.addf %get3A_203, %mul3A_511 : vector<16xf32>
      %swap3A_513 = arith.index_cast %add3A_458 : i32 to index
      %swap3A_514 = arith.constant 96 : index
      %swap3A_515 = tpu.vector_load %arg10[%swap3A_513, %swap3A_514] {strides = array<i32>} : memref<256x128xf32, #tpu.memory_space<vmem>>, vector<1x16xf32>,
      %swap3A_516 = vector.shape_cast %swap3A_515 : vector<1x16xf32> to vector<16xf32>
      %swap3A_517 = vector.shape_cast %add3A_512 : vector<16xf32> to vector<1x16xf32>
      tpu.vector_store %arg10[%swap3A_513, %swap3A_514], %swap3A_517 {strides = array<i32>} : memref<256x128xf32, #tpu.memory_space<vmem>>, vector<1x16xf32>,
      %mul3A_518 = arith.mulf %convert_element_type3A_468, %sub3A_255 : vector<16xf32>
      %add3A_519 = arith.addf %get3A_208, %mul3A_518 : vector<16xf32>
      %swap3A_520 = arith.index_cast %add3A_458 : i32 to index
      %swap3A_521 = arith.constant 112 : index
      %swap3A_522 = tpu.vector_load %arg10[%swap3A_520, %swap3A_521] {strides = array<i32>} : memref<256x128xf32, #tpu.memory_space<vmem>>, vector<1x16xf32>,
      %swap3A_523 = vector.shape_cast %swap3A_522 : vector<1x16xf32> to vector<16xf32>
      %swap3A_524 = vector.shape_cast %add3A_519 : vector<16xf32> to vector<1x16xf32>
      tpu.vector_store %arg10[%swap3A_520, %swap3A_521], %swap3A_524 {strides = array<i32>} : memref<256x128xf32, #tpu.memory_space<vmem>>, vector<1x16xf32>,
      %mul3A_525 = arith.constant 4 : i32
      %mul3A_526 = arith.muli %scan3A_379, %mul3A_525 : i32
      %add3A_527 = arith.constant 64 : i32
      %add3A_528 = arith.addi %add3A_527, %mul3A_526 : i32
      %add3A_529 = arith.constant 2 : i32
      %add3A_530 = arith.addi %add3A_528, %add3A_529 : i32
      %add3A_531 = vector.broadcast %add3A_530 : i32 to vector<16xi32>
      %add3A_532 = arith.addi %mul3A_262, %add3A_531 : vector<16xi32>
      %ge3A_533 = vector.broadcast %min3A : i32 to vector<16xi32>
      %ge3A_534 = arith.cmpi sge, %add3A_532, %ge3A_533 : vector<16xi32>
      %jit3A_535 = arith.constant 1 : i32
      %jit3A_536 = arith.constant 0 : i32
      %broadcast_in_dim3A_537 = vector.broadcast %jit3A_535 : i32 to vector<16xi32>
      %broadcast_in_dim3A_538 = vector.broadcast %jit3A_536 : i32 to vector<16xi32>
      %select_n3A_539 = arith.select %ge3A_534, %broadcast_in_dim3A_537, %broadcast_in_dim3A_538 : vector<16xi1>, vector<16xi32>
      %convert_element_type3A_540 = arith.sitofp %select_n3A_539 : vector<16xi32> to vector<16xf32>
      %mul3A_541 = arith.mulf %convert_element_type3A_540, %sub3A : vector<16xf32>
      %add3A_542 = arith.addf %get3A_173, %mul3A_541 : vector<16xf32>
      %swap3A_543 = arith.index_cast %add3A_530 : i32 to index
      %swap3A_544 = arith.constant 0 : index
      %swap3A_545 = tpu.vector_load %arg10[%swap3A_543, %swap3A_544] {strides = array<i32>} : memref<256x128xf32, #tpu.memory_space<vmem>>, vector<1x16xf32>,
      %swap3A_546 = vector.shape_cast %swap3A_545 : vector<1x16xf32> to vector<16xf32>
      %swap3A_547 = vector.shape_cast %add3A_542 : vector<16xf32> to vector<1x16xf32>
      tpu.vector_store %arg10[%swap3A_543, %swap3A_544], %swap3A_547 {strides = array<i32>} : memref<256x128xf32, #tpu.memory_space<vmem>>, vector<1x16xf32>,
      %mul3A_548 = arith.mulf %convert_element_type3A_540, %sub3A_249 : vector<16xf32>
      %add3A_549 = arith.addf %get3A_178, %mul3A_548 : vector<16xf32>
      %swap3A_550 = arith.index_cast %add3A_530 : i32 to index
      %swap3A_551 = arith.constant 16 : index
      %swap3A_552 = tpu.vector_load %arg10[%swap3A_550, %swap3A_551] {strides = array<i32>} : memref<256x128xf32, #tpu.memory_space<vmem>>, vector<1x16xf32>,
      %swap3A_553 = vector.shape_cast %swap3A_552 : vector<1x16xf32> to vector<16xf32>
      %swap3A_554 = vector.shape_cast %add3A_549 : vector<16xf32> to vector<1x16xf32>
      tpu.vector_store %arg10[%swap3A_550, %swap3A_551], %swap3A_554 {strides = array<i32>} : memref<256x128xf32, #tpu.memory_space<vmem>>, vector<1x16xf32>,
      %mul3A_555 = arith.mulf %convert_element_type3A_540, %sub3A_250 : vector<16xf32>
      %add3A_556 = arith.addf %get3A_183, %mul3A_555 : vector<16xf32>
      %swap3A_557 = arith.index_cast %add3A_530 : i32 to index
      %swap3A_558 = arith.constant 32 : index
      %swap3A_559 = tpu.vector_load %arg10[%swap3A_557, %swap3A_558] {strides = array<i32>} : memref<256x128xf32, #tpu.memory_space<vmem>>, vector<1x16xf32>,
      %swap3A_560 = vector.shape_cast %swap3A_559 : vector<1x16xf32> to vector<16xf32>
      %swap3A_561 = vector.shape_cast %add3A_556 : vector<16xf32> to vector<1x16xf32>
      tpu.vector_store %arg10[%swap3A_557, %swap3A_558], %swap3A_561 {strides = array<i32>} : memref<256x128xf32, #tpu.memory_space<vmem>>, vector<1x16xf32>,
      %mul3A_562 = arith.mulf %convert_element_type3A_540, %sub3A_251 : vector<16xf32>
      %add3A_563 = arith.addf %get3A_188, %mul3A_562 : vector<16xf32>
      %swap3A_564 = arith.index_cast %add3A_530 : i32 to index
      %swap3A_565 = arith.constant 48 : index
      %swap3A_566 = tpu.vector_load %arg10[%swap3A_564, %swap3A_565] {strides = array<i32>} : memref<256x128xf32, #tpu.memory_space<vmem>>, vector<1x16xf32>,
      %swap3A_567 = vector.shape_cast %swap3A_566 : vector<1x16xf32> to vector<16xf32>
      %swap3A_568 = vector.shape_cast %add3A_563 : vector<16xf32> to vector<1x16xf32>
      tpu.vector_store %arg10[%swap3A_564, %swap3A_565], %swap3A_568 {strides = array<i32>} : memref<256x128xf32, #tpu.memory_space<vmem>>, vector<1x16xf32>,
      %mul3A_569 = arith.mulf %convert_element_type3A_540, %sub3A_252 : vector<16xf32>
      %add3A_570 = arith.addf %get3A_193, %mul3A_569 : vector<16xf32>
      %swap3A_571 = arith.index_cast %add3A_530 : i32 to index
      %swap3A_572 = arith.constant 64 : index
      %swap3A_573 = tpu.vector_load %arg10[%swap3A_571, %swap3A_572] {strides = array<i32>} : memref<256x128xf32, #tpu.memory_space<vmem>>, vector<1x16xf32>,
      %swap3A_574 = vector.shape_cast %swap3A_573 : vector<1x16xf32> to vector<16xf32>
      %swap3A_575 = vector.shape_cast %add3A_570 : vector<16xf32> to vector<1x16xf32>
      tpu.vector_store %arg10[%swap3A_571, %swap3A_572], %swap3A_575 {strides = array<i32>} : memref<256x128xf32, #tpu.memory_space<vmem>>, vector<1x16xf32>,
      %mul3A_576 = arith.mulf %convert_element_type3A_540, %sub3A_253 : vector<16xf32>
      %add3A_577 = arith.addf %get3A_198, %mul3A_576 : vector<16xf32>
      %swap3A_578 = arith.index_cast %add3A_530 : i32 to index
      %swap3A_579 = arith.constant 80 : index
      %swap3A_580 = tpu.vector_load %arg10[%swap3A_578, %swap3A_579] {strides = array<i32>} : memref<256x128xf32, #tpu.memory_space<vmem>>, vector<1x16xf32>,
      %swap3A_581 = vector.shape_cast %swap3A_580 : vector<1x16xf32> to vector<16xf32>
      %swap3A_582 = vector.shape_cast %add3A_577 : vector<16xf32> to vector<1x16xf32>
      tpu.vector_store %arg10[%swap3A_578, %swap3A_579], %swap3A_582 {strides = array<i32>} : memref<256x128xf32, #tpu.memory_space<vmem>>, vector<1x16xf32>,
      %mul3A_583 = arith.mulf %convert_element_type3A_540, %sub3A_254 : vector<16xf32>
      %add3A_584 = arith.addf %get3A_203, %mul3A_583 : vector<16xf32>
      %swap3A_585 = arith.index_cast %add3A_530 : i32 to index
      %swap3A_586 = arith.constant 96 : index
      %swap3A_587 = tpu.vector_load %arg10[%swap3A_585, %swap3A_586] {strides = array<i32>} : memref<256x128xf32, #tpu.memory_space<vmem>>, vector<1x16xf32>,
      %swap3A_588 = vector.shape_cast %swap3A_587 : vector<1x16xf32> to vector<16xf32>
      %swap3A_589 = vector.shape_cast %add3A_584 : vector<16xf32> to vector<1x16xf32>
      tpu.vector_store %arg10[%swap3A_585, %swap3A_586], %swap3A_589 {strides = array<i32>} : memref<256x128xf32, #tpu.memory_space<vmem>>, vector<1x16xf32>,
      %mul3A_590 = arith.mulf %convert_element_type3A_540, %sub3A_255 : vector<16xf32>
      %add3A_591 = arith.addf %get3A_208, %mul3A_590 : vector<16xf32>
      %swap3A_592 = arith.index_cast %add3A_530 : i32 to index
      %swap3A_593 = arith.constant 112 : index
      %swap3A_594 = tpu.vector_load %arg10[%swap3A_592, %swap3A_593] {strides = array<i32>} : memref<256x128xf32, #tpu.memory_space<vmem>>, vector<1x16xf32>,
      %swap3A_595 = vector.shape_cast %swap3A_594 : vector<1x16xf32> to vector<16xf32>
      %swap3A_596 = vector.shape_cast %add3A_591 : vector<16xf32> to vector<1x16xf32>
      tpu.vector_store %arg10[%swap3A_592, %swap3A_593], %swap3A_596 {strides = array<i32>} : memref<256x128xf32, #tpu.memory_space<vmem>>, vector<1x16xf32>,
      %mul3A_597 = arith.constant 4 : i32
      %mul3A_598 = arith.muli %scan3A_379, %mul3A_597 : i32
      %add3A_599 = arith.constant 64 : i32
      %add3A_600 = arith.addi %add3A_599, %mul3A_598 : i32
      %add3A_601 = arith.constant 3 : i32
      %add3A_602 = arith.addi %add3A_600, %add3A_601 : i32
      %add3A_603 = vector.broadcast %add3A_602 : i32 to vector<16xi32>
      %add3A_604 = arith.addi %mul3A_262, %add3A_603 : vector<16xi32>
      %ge3A_605 = vector.broadcast %min3A : i32 to vector<16xi32>
      %ge3A_606 = arith.cmpi sge, %add3A_604, %ge3A_605 : vector<16xi32>
      %jit3A_607 = arith.constant 1 : i32
      %jit3A_608 = arith.constant 0 : i32
      %broadcast_in_dim3A_609 = vector.broadcast %jit3A_607 : i32 to vector<16xi32>
      %broadcast_in_dim3A_610 = vector.broadcast %jit3A_608 : i32 to vector<16xi32>
      %select_n3A_611 = arith.select %ge3A_606, %broadcast_in_dim3A_609, %broadcast_in_dim3A_610 : vector<16xi1>, vector<16xi32>
      %convert_element_type3A_612 = arith.sitofp %select_n3A_611 : vector<16xi32> to vector<16xf32>
      %mul3A_613 = arith.mulf %convert_element_type3A_612, %sub3A : vector<16xf32>
      %add3A_614 = arith.addf %get3A_173, %mul3A_613 : vector<16xf32>
      %swap3A_615 = arith.index_cast %add3A_602 : i32 to index
      %swap3A_616 = arith.constant 0 : index
      %swap3A_617 = tpu.vector_load %arg10[%swap3A_615, %swap3A_616] {strides = array<i32>} : memref<256x128xf32, #tpu.memory_space<vmem>>, vector<1x16xf32>,
      %swap3A_618 = vector.shape_cast %swap3A_617 : vector<1x16xf32> to vector<16xf32>
      %swap3A_619 = vector.shape_cast %add3A_614 : vector<16xf32> to vector<1x16xf32>
      tpu.vector_store %arg10[%swap3A_615, %swap3A_616], %swap3A_619 {strides = array<i32>} : memref<256x128xf32, #tpu.memory_space<vmem>>, vector<1x16xf32>,
      %mul3A_620 = arith.mulf %convert_element_type3A_612, %sub3A_249 : vector<16xf32>
      %add3A_621 = arith.addf %get3A_178, %mul3A_620 : vector<16xf32>
      %swap3A_622 = arith.index_cast %add3A_602 : i32 to index
      %swap3A_623 = arith.constant 16 : index
      %swap3A_624 = tpu.vector_load %arg10[%swap3A_622, %swap3A_623] {strides = array<i32>} : memref<256x128xf32, #tpu.memory_space<vmem>>, vector<1x16xf32>,
      %swap3A_625 = vector.shape_cast %swap3A_624 : vector<1x16xf32> to vector<16xf32>
      %swap3A_626 = vector.shape_cast %add3A_621 : vector<16xf32> to vector<1x16xf32>
      tpu.vector_store %arg10[%swap3A_622, %swap3A_623], %swap3A_626 {strides = array<i32>} : memref<256x128xf32, #tpu.memory_space<vmem>>, vector<1x16xf32>,
      %mul3A_627 = arith.mulf %convert_element_type3A_612, %sub3A_250 : vector<16xf32>
      %add3A_628 = arith.addf %get3A_183, %mul3A_627 : vector<16xf32>
      %swap3A_629 = arith.index_cast %add3A_602 : i32 to index
      %swap3A_630 = arith.constant 32 : index
      %swap3A_631 = tpu.vector_load %arg10[%swap3A_629, %swap3A_630] {strides = array<i32>} : memref<256x128xf32, #tpu.memory_space<vmem>>, vector<1x16xf32>,
      %swap3A_632 = vector.shape_cast %swap3A_631 : vector<1x16xf32> to vector<16xf32>
      %swap3A_633 = vector.shape_cast %add3A_628 : vector<16xf32> to vector<1x16xf32>
      tpu.vector_store %arg10[%swap3A_629, %swap3A_630], %swap3A_633 {strides = array<i32>} : memref<256x128xf32, #tpu.memory_space<vmem>>, vector<1x16xf32>,
      %mul3A_634 = arith.mulf %convert_element_type3A_612, %sub3A_251 : vector<16xf32>
      %add3A_635 = arith.addf %get3A_188, %mul3A_634 : vector<16xf32>
      %swap3A_636 = arith.index_cast %add3A_602 : i32 to index
      %swap3A_637 = arith.constant 48 : index
      %swap3A_638 = tpu.vector_load %arg10[%swap3A_636, %swap3A_637] {strides = array<i32>} : memref<256x128xf32, #tpu.memory_space<vmem>>, vector<1x16xf32>,
      %swap3A_639 = vector.shape_cast %swap3A_638 : vector<1x16xf32> to vector<16xf32>
      %swap3A_640 = vector.shape_cast %add3A_635 : vector<16xf32> to vector<1x16xf32>
      tpu.vector_store %arg10[%swap3A_636, %swap3A_637], %swap3A_640 {strides = array<i32>} : memref<256x128xf32, #tpu.memory_space<vmem>>, vector<1x16xf32>,
      %mul3A_641 = arith.mulf %convert_element_type3A_612, %sub3A_252 : vector<16xf32>
      %add3A_642 = arith.addf %get3A_193, %mul3A_641 : vector<16xf32>
      %swap3A_643 = arith.index_cast %add3A_602 : i32 to index
      %swap3A_644 = arith.constant 64 : index
      %swap3A_645 = tpu.vector_load %arg10[%swap3A_643, %swap3A_644] {strides = array<i32>} : memref<256x128xf32, #tpu.memory_space<vmem>>, vector<1x16xf32>,
      %swap3A_646 = vector.shape_cast %swap3A_645 : vector<1x16xf32> to vector<16xf32>
      %swap3A_647 = vector.shape_cast %add3A_642 : vector<16xf32> to vector<1x16xf32>
      tpu.vector_store %arg10[%swap3A_643, %swap3A_644], %swap3A_647 {strides = array<i32>} : memref<256x128xf32, #tpu.memory_space<vmem>>, vector<1x16xf32>,
      %mul3A_648 = arith.mulf %convert_element_type3A_612, %sub3A_253 : vector<16xf32>
      %add3A_649 = arith.addf %get3A_198, %mul3A_648 : vector<16xf32>
      %swap3A_650 = arith.index_cast %add3A_602 : i32 to index
      %swap3A_651 = arith.constant 80 : index
      %swap3A_652 = tpu.vector_load %arg10[%swap3A_650, %swap3A_651] {strides = array<i32>} : memref<256x128xf32, #tpu.memory_space<vmem>>, vector<1x16xf32>,
      %swap3A_653 = vector.shape_cast %swap3A_652 : vector<1x16xf32> to vector<16xf32>
      %swap3A_654 = vector.shape_cast %add3A_649 : vector<16xf32> to vector<1x16xf32>
      tpu.vector_store %arg10[%swap3A_650, %swap3A_651], %swap3A_654 {strides = array<i32>} : memref<256x128xf32, #tpu.memory_space<vmem>>, vector<1x16xf32>,
      %mul3A_655 = arith.mulf %convert_element_type3A_612, %sub3A_254 : vector<16xf32>
      %add3A_656 = arith.addf %get3A_203, %mul3A_655 : vector<16xf32>
      %swap3A_657 = arith.index_cast %add3A_602 : i32 to index
      %swap3A_658 = arith.constant 96 : index
      %swap3A_659 = tpu.vector_load %arg10[%swap3A_657, %swap3A_658] {strides = array<i32>} : memref<256x128xf32, #tpu.memory_space<vmem>>, vector<1x16xf32>,
      %swap3A_660 = vector.shape_cast %swap3A_659 : vector<1x16xf32> to vector<16xf32>
      %swap3A_661 = vector.shape_cast %add3A_656 : vector<16xf32> to vector<1x16xf32>
      tpu.vector_store %arg10[%swap3A_657, %swap3A_658], %swap3A_661 {strides = array<i32>} : memref<256x128xf32, #tpu.memory_space<vmem>>, vector<1x16xf32>,
      %mul3A_662 = arith.mulf %convert_element_type3A_612, %sub3A_255 : vector<16xf32>
      %add3A_663 = arith.addf %get3A_208, %mul3A_662 : vector<16xf32>
      %swap3A_664 = arith.index_cast %add3A_602 : i32 to index
      %swap3A_665 = arith.constant 112 : index
      %swap3A_666 = tpu.vector_load %arg10[%swap3A_664, %swap3A_665] {strides = array<i32>} : memref<256x128xf32, #tpu.memory_space<vmem>>, vector<1x16xf32>,
      %swap3A_667 = vector.shape_cast %swap3A_666 : vector<1x16xf32> to vector<16xf32>
      %swap3A_668 = vector.shape_cast %add3A_663 : vector<16xf32> to vector<1x16xf32>
      tpu.vector_store %arg10[%swap3A_664, %swap3A_665], %swap3A_668 {strides = array<i32>} : memref<256x128xf32, #tpu.memory_space<vmem>>, vector<1x16xf32>,
      %scan3A_669 = arith.constant 0 : i32
      scf.yield %scan3A_669 : i32
    }
    %scan3A_288 = arith.constant 16 : i32
    %add3A_289 = arith.constant 64 : i32
    %add3A_290 = arith.addi %mul3A_2, %add3A_289 : i32
    %dma_start3A_291 = arith.constant 64 : i32
    %dma_start3A_292 = arith.constant 0 : i32
    %dma_start3A_293 = tpu.memref_slice %arg10[%dma_start3A_291, %dma_start3A_292] : memref<256x128xf32, #tpu.memory_space<vmem>> -> memref<64x128xf32, #tpu.memory_space<vmem>>
    %dma_start3A_294 = arith.constant 0 : i32
    %dma_start3A_295 = tpu.memref_slice %arg4[%add3A_290, %dma_start3A_294] : memref<8192x128xf32, #tpu.memory_space<hbm>> -> memref<64x128xf32, #tpu.memory_space<hbm>>
    %dma_start3A_296 = arith.constant 0 : i32
    %dma_start3A_297 = tpu.memref_slice %arg4[%add3A_290, %dma_start3A_296] : memref<8192x128xf32, #tpu.memory_space<hbm>> -> memref<64x128xf32, #tpu.memory_space<hbm>>
    %dma_start3A_298 = arith.constant 64 : i32
    %dma_start3A_299 = arith.constant 0 : i32
    %dma_start3A_300 = tpu.memref_slice %arg10[%dma_start3A_298, %dma_start3A_299] : memref<256x128xf32, #tpu.memory_space<vmem>> -> memref<64x128xf32, #tpu.memory_space<vmem>>
    tpu.enqueue_dma source(%dma_start3A_300 : memref<64x128xf32, #tpu.memory_space<vmem>>) target(%dma_start3A_297 : memref<64x128xf32, #tpu.memory_space<hbm>>) target_semaphore(%arg12 : memref<!tpu.dma_semaphore, #tpu.memory_space<semaphore_mem>>)
    %scan3A_301 = arith.constant 0 : i32
    %scan3A_302 = arith.constant 0 : i32
    %scan3A_303 = arith.constant 16 : i32
    %scan3A_304 = arith.addi %scan3A_302, %scan3A_303 : i32
    %scan3A_305 = arith.constant 1 : i32
    %scan3A_306 = scf.for %scan3A_379 = %scan3A_302 to %scan3A_304 step %scan3A_305 iter_args(%scan3A_380 = %scan3A_301) -> (i32)  : i32 {
      %mul3A_381 = arith.constant 4 : i32
      %mul3A_382 = arith.muli %scan3A_379, %mul3A_381 : i32
      %add3A_383 = arith.constant 128 : i32
      %add3A_384 = arith.addi %add3A_383, %mul3A_382 : i32
      %add3A_385 = arith.constant 0 : i32
      %add3A_386 = arith.addi %add3A_384, %add3A_385 : i32
      %add3A_387 = vector.broadcast %add3A_386 : i32 to vector<16xi32>
      %add3A_388 = arith.addi %mul3A_262, %add3A_387 : vector<16xi32>
      %ge3A_389 = vector.broadcast %min3A : i32 to vector<16xi32>
      %ge3A_390 = arith.cmpi sge, %add3A_388, %ge3A_389 : vector<16xi32>
      %jit3A_391 = arith.constant 1 : i32
      %jit3A_392 = arith.constant 0 : i32
      %broadcast_in_dim3A_393 = vector.broadcast %jit3A_391 : i32 to vector<16xi32>
      %broadcast_in_dim3A_394 = vector.broadcast %jit3A_392 : i32 to vector<16xi32>
      %select_n3A_395 = arith.select %ge3A_390, %broadcast_in_dim3A_393, %broadcast_in_dim3A_394 : vector<16xi1>, vector<16xi32>
      %convert_element_type3A_396 = arith.sitofp %select_n3A_395 : vector<16xi32> to vector<16xf32>
      %mul3A_397 = arith.mulf %convert_element_type3A_396, %sub3A : vector<16xf32>
      %add3A_398 = arith.addf %get3A_173, %mul3A_397 : vector<16xf32>
      %swap3A_399 = arith.index_cast %add3A_386 : i32 to index
      %swap3A_400 = arith.constant 0 : index
      %swap3A_401 = tpu.vector_load %arg10[%swap3A_399, %swap3A_400] {strides = array<i32>} : memref<256x128xf32, #tpu.memory_space<vmem>>, vector<1x16xf32>,
      %swap3A_402 = vector.shape_cast %swap3A_401 : vector<1x16xf32> to vector<16xf32>
      %swap3A_403 = vector.shape_cast %add3A_398 : vector<16xf32> to vector<1x16xf32>
      tpu.vector_store %arg10[%swap3A_399, %swap3A_400], %swap3A_403 {strides = array<i32>} : memref<256x128xf32, #tpu.memory_space<vmem>>, vector<1x16xf32>,
      %mul3A_404 = arith.mulf %convert_element_type3A_396, %sub3A_249 : vector<16xf32>
      %add3A_405 = arith.addf %get3A_178, %mul3A_404 : vector<16xf32>
      %swap3A_406 = arith.index_cast %add3A_386 : i32 to index
      %swap3A_407 = arith.constant 16 : index
      %swap3A_408 = tpu.vector_load %arg10[%swap3A_406, %swap3A_407] {strides = array<i32>} : memref<256x128xf32, #tpu.memory_space<vmem>>, vector<1x16xf32>,
      %swap3A_409 = vector.shape_cast %swap3A_408 : vector<1x16xf32> to vector<16xf32>
      %swap3A_410 = vector.shape_cast %add3A_405 : vector<16xf32> to vector<1x16xf32>
      tpu.vector_store %arg10[%swap3A_406, %swap3A_407], %swap3A_410 {strides = array<i32>} : memref<256x128xf32, #tpu.memory_space<vmem>>, vector<1x16xf32>,
      %mul3A_411 = arith.mulf %convert_element_type3A_396, %sub3A_250 : vector<16xf32>
      %add3A_412 = arith.addf %get3A_183, %mul3A_411 : vector<16xf32>
      %swap3A_413 = arith.index_cast %add3A_386 : i32 to index
      %swap3A_414 = arith.constant 32 : index
      %swap3A_415 = tpu.vector_load %arg10[%swap3A_413, %swap3A_414] {strides = array<i32>} : memref<256x128xf32, #tpu.memory_space<vmem>>, vector<1x16xf32>,
      %swap3A_416 = vector.shape_cast %swap3A_415 : vector<1x16xf32> to vector<16xf32>
      %swap3A_417 = vector.shape_cast %add3A_412 : vector<16xf32> to vector<1x16xf32>
      tpu.vector_store %arg10[%swap3A_413, %swap3A_414], %swap3A_417 {strides = array<i32>} : memref<256x128xf32, #tpu.memory_space<vmem>>, vector<1x16xf32>,
      %mul3A_418 = arith.mulf %convert_element_type3A_396, %sub3A_251 : vector<16xf32>
      %add3A_419 = arith.addf %get3A_188, %mul3A_418 : vector<16xf32>
      %swap3A_420 = arith.index_cast %add3A_386 : i32 to index
      %swap3A_421 = arith.constant 48 : index
      %swap3A_422 = tpu.vector_load %arg10[%swap3A_420, %swap3A_421] {strides = array<i32>} : memref<256x128xf32, #tpu.memory_space<vmem>>, vector<1x16xf32>,
      %swap3A_423 = vector.shape_cast %swap3A_422 : vector<1x16xf32> to vector<16xf32>
      %swap3A_424 = vector.shape_cast %add3A_419 : vector<16xf32> to vector<1x16xf32>
      tpu.vector_store %arg10[%swap3A_420, %swap3A_421], %swap3A_424 {strides = array<i32>} : memref<256x128xf32, #tpu.memory_space<vmem>>, vector<1x16xf32>,
      %mul3A_425 = arith.mulf %convert_element_type3A_396, %sub3A_252 : vector<16xf32>
      %add3A_426 = arith.addf %get3A_193, %mul3A_425 : vector<16xf32>
      %swap3A_427 = arith.index_cast %add3A_386 : i32 to index
      %swap3A_428 = arith.constant 64 : index
      %swap3A_429 = tpu.vector_load %arg10[%swap3A_427, %swap3A_428] {strides = array<i32>} : memref<256x128xf32, #tpu.memory_space<vmem>>, vector<1x16xf32>,
      %swap3A_430 = vector.shape_cast %swap3A_429 : vector<1x16xf32> to vector<16xf32>
      %swap3A_431 = vector.shape_cast %add3A_426 : vector<16xf32> to vector<1x16xf32>
      tpu.vector_store %arg10[%swap3A_427, %swap3A_428], %swap3A_431 {strides = array<i32>} : memref<256x128xf32, #tpu.memory_space<vmem>>, vector<1x16xf32>,
      %mul3A_432 = arith.mulf %convert_element_type3A_396, %sub3A_253 : vector<16xf32>
      %add3A_433 = arith.addf %get3A_198, %mul3A_432 : vector<16xf32>
      %swap3A_434 = arith.index_cast %add3A_386 : i32 to index
      %swap3A_435 = arith.constant 80 : index
      %swap3A_436 = tpu.vector_load %arg10[%swap3A_434, %swap3A_435] {strides = array<i32>} : memref<256x128xf32, #tpu.memory_space<vmem>>, vector<1x16xf32>,
      %swap3A_437 = vector.shape_cast %swap3A_436 : vector<1x16xf32> to vector<16xf32>
      %swap3A_438 = vector.shape_cast %add3A_433 : vector<16xf32> to vector<1x16xf32>
      tpu.vector_store %arg10[%swap3A_434, %swap3A_435], %swap3A_438 {strides = array<i32>} : memref<256x128xf32, #tpu.memory_space<vmem>>, vector<1x16xf32>,
      %mul3A_439 = arith.mulf %convert_element_type3A_396, %sub3A_254 : vector<16xf32>
      %add3A_440 = arith.addf %get3A_203, %mul3A_439 : vector<16xf32>
      %swap3A_441 = arith.index_cast %add3A_386 : i32 to index
      %swap3A_442 = arith.constant 96 : index
      %swap3A_443 = tpu.vector_load %arg10[%swap3A_441, %swap3A_442] {strides = array<i32>} : memref<256x128xf32, #tpu.memory_space<vmem>>, vector<1x16xf32>,
      %swap3A_444 = vector.shape_cast %swap3A_443 : vector<1x16xf32> to vector<16xf32>
      %swap3A_445 = vector.shape_cast %add3A_440 : vector<16xf32> to vector<1x16xf32>
      tpu.vector_store %arg10[%swap3A_441, %swap3A_442], %swap3A_445 {strides = array<i32>} : memref<256x128xf32, #tpu.memory_space<vmem>>, vector<1x16xf32>,
      %mul3A_446 = arith.mulf %convert_element_type3A_396, %sub3A_255 : vector<16xf32>
      %add3A_447 = arith.addf %get3A_208, %mul3A_446 : vector<16xf32>
      %swap3A_448 = arith.index_cast %add3A_386 : i32 to index
      %swap3A_449 = arith.constant 112 : index
      %swap3A_450 = tpu.vector_load %arg10[%swap3A_448, %swap3A_449] {strides = array<i32>} : memref<256x128xf32, #tpu.memory_space<vmem>>, vector<1x16xf32>,
      %swap3A_451 = vector.shape_cast %swap3A_450 : vector<1x16xf32> to vector<16xf32>
      %swap3A_452 = vector.shape_cast %add3A_447 : vector<16xf32> to vector<1x16xf32>
      tpu.vector_store %arg10[%swap3A_448, %swap3A_449], %swap3A_452 {strides = array<i32>} : memref<256x128xf32, #tpu.memory_space<vmem>>, vector<1x16xf32>,
      %mul3A_453 = arith.constant 4 : i32
      %mul3A_454 = arith.muli %scan3A_379, %mul3A_453 : i32
      %add3A_455 = arith.constant 128 : i32
      %add3A_456 = arith.addi %add3A_455, %mul3A_454 : i32
      %add3A_457 = arith.constant 1 : i32
      %add3A_458 = arith.addi %add3A_456, %add3A_457 : i32
      %add3A_459 = vector.broadcast %add3A_458 : i32 to vector<16xi32>
      %add3A_460 = arith.addi %mul3A_262, %add3A_459 : vector<16xi32>
      %ge3A_461 = vector.broadcast %min3A : i32 to vector<16xi32>
      %ge3A_462 = arith.cmpi sge, %add3A_460, %ge3A_461 : vector<16xi32>
      %jit3A_463 = arith.constant 1 : i32
      %jit3A_464 = arith.constant 0 : i32
      %broadcast_in_dim3A_465 = vector.broadcast %jit3A_463 : i32 to vector<16xi32>
      %broadcast_in_dim3A_466 = vector.broadcast %jit3A_464 : i32 to vector<16xi32>
      %select_n3A_467 = arith.select %ge3A_462, %broadcast_in_dim3A_465, %broadcast_in_dim3A_466 : vector<16xi1>, vector<16xi32>
      %convert_element_type3A_468 = arith.sitofp %select_n3A_467 : vector<16xi32> to vector<16xf32>
      %mul3A_469 = arith.mulf %convert_element_type3A_468, %sub3A : vector<16xf32>
      %add3A_470 = arith.addf %get3A_173, %mul3A_469 : vector<16xf32>
      %swap3A_471 = arith.index_cast %add3A_458 : i32 to index
      %swap3A_472 = arith.constant 0 : index
      %swap3A_473 = tpu.vector_load %arg10[%swap3A_471, %swap3A_472] {strides = array<i32>} : memref<256x128xf32, #tpu.memory_space<vmem>>, vector<1x16xf32>,
      %swap3A_474 = vector.shape_cast %swap3A_473 : vector<1x16xf32> to vector<16xf32>
      %swap3A_475 = vector.shape_cast %add3A_470 : vector<16xf32> to vector<1x16xf32>
      tpu.vector_store %arg10[%swap3A_471, %swap3A_472], %swap3A_475 {strides = array<i32>} : memref<256x128xf32, #tpu.memory_space<vmem>>, vector<1x16xf32>,
      %mul3A_476 = arith.mulf %convert_element_type3A_468, %sub3A_249 : vector<16xf32>
      %add3A_477 = arith.addf %get3A_178, %mul3A_476 : vector<16xf32>
      %swap3A_478 = arith.index_cast %add3A_458 : i32 to index
      %swap3A_479 = arith.constant 16 : index
      %swap3A_480 = tpu.vector_load %arg10[%swap3A_478, %swap3A_479] {strides = array<i32>} : memref<256x128xf32, #tpu.memory_space<vmem>>, vector<1x16xf32>,
      %swap3A_481 = vector.shape_cast %swap3A_480 : vector<1x16xf32> to vector<16xf32>
      %swap3A_482 = vector.shape_cast %add3A_477 : vector<16xf32> to vector<1x16xf32>
      tpu.vector_store %arg10[%swap3A_478, %swap3A_479], %swap3A_482 {strides = array<i32>} : memref<256x128xf32, #tpu.memory_space<vmem>>, vector<1x16xf32>,
      %mul3A_483 = arith.mulf %convert_element_type3A_468, %sub3A_250 : vector<16xf32>
      %add3A_484 = arith.addf %get3A_183, %mul3A_483 : vector<16xf32>
      %swap3A_485 = arith.index_cast %add3A_458 : i32 to index
      %swap3A_486 = arith.constant 32 : index
      %swap3A_487 = tpu.vector_load %arg10[%swap3A_485, %swap3A_486] {strides = array<i32>} : memref<256x128xf32, #tpu.memory_space<vmem>>, vector<1x16xf32>,
      %swap3A_488 = vector.shape_cast %swap3A_487 : vector<1x16xf32> to vector<16xf32>
      %swap3A_489 = vector.shape_cast %add3A_484 : vector<16xf32> to vector<1x16xf32>
      tpu.vector_store %arg10[%swap3A_485, %swap3A_486], %swap3A_489 {strides = array<i32>} : memref<256x128xf32, #tpu.memory_space<vmem>>, vector<1x16xf32>,
      %mul3A_490 = arith.mulf %convert_element_type3A_468, %sub3A_251 : vector<16xf32>
      %add3A_491 = arith.addf %get3A_188, %mul3A_490 : vector<16xf32>
      %swap3A_492 = arith.index_cast %add3A_458 : i32 to index
      %swap3A_493 = arith.constant 48 : index
      %swap3A_494 = tpu.vector_load %arg10[%swap3A_492, %swap3A_493] {strides = array<i32>} : memref<256x128xf32, #tpu.memory_space<vmem>>, vector<1x16xf32>,
      %swap3A_495 = vector.shape_cast %swap3A_494 : vector<1x16xf32> to vector<16xf32>
      %swap3A_496 = vector.shape_cast %add3A_491 : vector<16xf32> to vector<1x16xf32>
      tpu.vector_store %arg10[%swap3A_492, %swap3A_493], %swap3A_496 {strides = array<i32>} : memref<256x128xf32, #tpu.memory_space<vmem>>, vector<1x16xf32>,
      %mul3A_497 = arith.mulf %convert_element_type3A_468, %sub3A_252 : vector<16xf32>
      %add3A_498 = arith.addf %get3A_193, %mul3A_497 : vector<16xf32>
      %swap3A_499 = arith.index_cast %add3A_458 : i32 to index
      %swap3A_500 = arith.constant 64 : index
      %swap3A_501 = tpu.vector_load %arg10[%swap3A_499, %swap3A_500] {strides = array<i32>} : memref<256x128xf32, #tpu.memory_space<vmem>>, vector<1x16xf32>,
      %swap3A_502 = vector.shape_cast %swap3A_501 : vector<1x16xf32> to vector<16xf32>
      %swap3A_503 = vector.shape_cast %add3A_498 : vector<16xf32> to vector<1x16xf32>
      tpu.vector_store %arg10[%swap3A_499, %swap3A_500], %swap3A_503 {strides = array<i32>} : memref<256x128xf32, #tpu.memory_space<vmem>>, vector<1x16xf32>,
      %mul3A_504 = arith.mulf %convert_element_type3A_468, %sub3A_253 : vector<16xf32>
      %add3A_505 = arith.addf %get3A_198, %mul3A_504 : vector<16xf32>
      %swap3A_506 = arith.index_cast %add3A_458 : i32 to index
      %swap3A_507 = arith.constant 80 : index
      %swap3A_508 = tpu.vector_load %arg10[%swap3A_506, %swap3A_507] {strides = array<i32>} : memref<256x128xf32, #tpu.memory_space<vmem>>, vector<1x16xf32>,
      %swap3A_509 = vector.shape_cast %swap3A_508 : vector<1x16xf32> to vector<16xf32>
      %swap3A_510 = vector.shape_cast %add3A_505 : vector<16xf32> to vector<1x16xf32>
      tpu.vector_store %arg10[%swap3A_506, %swap3A_507], %swap3A_510 {strides = array<i32>} : memref<256x128xf32, #tpu.memory_space<vmem>>, vector<1x16xf32>,
      %mul3A_511 = arith.mulf %convert_element_type3A_468, %sub3A_254 : vector<16xf32>
      %add3A_512 = arith.addf %get3A_203, %mul3A_511 : vector<16xf32>
      %swap3A_513 = arith.index_cast %add3A_458 : i32 to index
      %swap3A_514 = arith.constant 96 : index
      %swap3A_515 = tpu.vector_load %arg10[%swap3A_513, %swap3A_514] {strides = array<i32>} : memref<256x128xf32, #tpu.memory_space<vmem>>, vector<1x16xf32>,
      %swap3A_516 = vector.shape_cast %swap3A_515 : vector<1x16xf32> to vector<16xf32>
      %swap3A_517 = vector.shape_cast %add3A_512 : vector<16xf32> to vector<1x16xf32>
      tpu.vector_store %arg10[%swap3A_513, %swap3A_514], %swap3A_517 {strides = array<i32>} : memref<256x128xf32, #tpu.memory_space<vmem>>, vector<1x16xf32>,
      %mul3A_518 = arith.mulf %convert_element_type3A_468, %sub3A_255 : vector<16xf32>
      %add3A_519 = arith.addf %get3A_208, %mul3A_518 : vector<16xf32>
      %swap3A_520 = arith.index_cast %add3A_458 : i32 to index
      %swap3A_521 = arith.constant 112 : index
      %swap3A_522 = tpu.vector_load %arg10[%swap3A_520, %swap3A_521] {strides = array<i32>} : memref<256x128xf32, #tpu.memory_space<vmem>>, vector<1x16xf32>,
      %swap3A_523 = vector.shape_cast %swap3A_522 : vector<1x16xf32> to vector<16xf32>
      %swap3A_524 = vector.shape_cast %add3A_519 : vector<16xf32> to vector<1x16xf32>
      tpu.vector_store %arg10[%swap3A_520, %swap3A_521], %swap3A_524 {strides = array<i32>} : memref<256x128xf32, #tpu.memory_space<vmem>>, vector<1x16xf32>,
      %mul3A_525 = arith.constant 4 : i32
      %mul3A_526 = arith.muli %scan3A_379, %mul3A_525 : i32
      %add3A_527 = arith.constant 128 : i32
      %add3A_528 = arith.addi %add3A_527, %mul3A_526 : i32
      %add3A_529 = arith.constant 2 : i32
      %add3A_530 = arith.addi %add3A_528, %add3A_529 : i32
      %add3A_531 = vector.broadcast %add3A_530 : i32 to vector<16xi32>
      %add3A_532 = arith.addi %mul3A_262, %add3A_531 : vector<16xi32>
      %ge3A_533 = vector.broadcast %min3A : i32 to vector<16xi32>
      %ge3A_534 = arith.cmpi sge, %add3A_532, %ge3A_533 : vector<16xi32>
      %jit3A_535 = arith.constant 1 : i32
      %jit3A_536 = arith.constant 0 : i32
      %broadcast_in_dim3A_537 = vector.broadcast %jit3A_535 : i32 to vector<16xi32>
      %broadcast_in_dim3A_538 = vector.broadcast %jit3A_536 : i32 to vector<16xi32>
      %select_n3A_539 = arith.select %ge3A_534, %broadcast_in_dim3A_537, %broadcast_in_dim3A_538 : vector<16xi1>, vector<16xi32>
      %convert_element_type3A_540 = arith.sitofp %select_n3A_539 : vector<16xi32> to vector<16xf32>
      %mul3A_541 = arith.mulf %convert_element_type3A_540, %sub3A : vector<16xf32>
      %add3A_542 = arith.addf %get3A_173, %mul3A_541 : vector<16xf32>
      %swap3A_543 = arith.index_cast %add3A_530 : i32 to index
      %swap3A_544 = arith.constant 0 : index
      %swap3A_545 = tpu.vector_load %arg10[%swap3A_543, %swap3A_544] {strides = array<i32>} : memref<256x128xf32, #tpu.memory_space<vmem>>, vector<1x16xf32>,
      %swap3A_546 = vector.shape_cast %swap3A_545 : vector<1x16xf32> to vector<16xf32>
      %swap3A_547 = vector.shape_cast %add3A_542 : vector<16xf32> to vector<1x16xf32>
      tpu.vector_store %arg10[%swap3A_543, %swap3A_544], %swap3A_547 {strides = array<i32>} : memref<256x128xf32, #tpu.memory_space<vmem>>, vector<1x16xf32>,
      %mul3A_548 = arith.mulf %convert_element_type3A_540, %sub3A_249 : vector<16xf32>
      %add3A_549 = arith.addf %get3A_178, %mul3A_548 : vector<16xf32>
      %swap3A_550 = arith.index_cast %add3A_530 : i32 to index
      %swap3A_551 = arith.constant 16 : index
      %swap3A_552 = tpu.vector_load %arg10[%swap3A_550, %swap3A_551] {strides = array<i32>} : memref<256x128xf32, #tpu.memory_space<vmem>>, vector<1x16xf32>,
      %swap3A_553 = vector.shape_cast %swap3A_552 : vector<1x16xf32> to vector<16xf32>
      %swap3A_554 = vector.shape_cast %add3A_549 : vector<16xf32> to vector<1x16xf32>
      tpu.vector_store %arg10[%swap3A_550, %swap3A_551], %swap3A_554 {strides = array<i32>} : memref<256x128xf32, #tpu.memory_space<vmem>>, vector<1x16xf32>,
      %mul3A_555 = arith.mulf %convert_element_type3A_540, %sub3A_250 : vector<16xf32>
      %add3A_556 = arith.addf %get3A_183, %mul3A_555 : vector<16xf32>
      %swap3A_557 = arith.index_cast %add3A_530 : i32 to index
      %swap3A_558 = arith.constant 32 : index
      %swap3A_559 = tpu.vector_load %arg10[%swap3A_557, %swap3A_558] {strides = array<i32>} : memref<256x128xf32, #tpu.memory_space<vmem>>, vector<1x16xf32>,
      %swap3A_560 = vector.shape_cast %swap3A_559 : vector<1x16xf32> to vector<16xf32>
      %swap3A_561 = vector.shape_cast %add3A_556 : vector<16xf32> to vector<1x16xf32>
      tpu.vector_store %arg10[%swap3A_557, %swap3A_558], %swap3A_561 {strides = array<i32>} : memref<256x128xf32, #tpu.memory_space<vmem>>, vector<1x16xf32>,
      %mul3A_562 = arith.mulf %convert_element_type3A_540, %sub3A_251 : vector<16xf32>
      %add3A_563 = arith.addf %get3A_188, %mul3A_562 : vector<16xf32>
      %swap3A_564 = arith.index_cast %add3A_530 : i32 to index
      %swap3A_565 = arith.constant 48 : index
      %swap3A_566 = tpu.vector_load %arg10[%swap3A_564, %swap3A_565] {strides = array<i32>} : memref<256x128xf32, #tpu.memory_space<vmem>>, vector<1x16xf32>,
      %swap3A_567 = vector.shape_cast %swap3A_566 : vector<1x16xf32> to vector<16xf32>
      %swap3A_568 = vector.shape_cast %add3A_563 : vector<16xf32> to vector<1x16xf32>
      tpu.vector_store %arg10[%swap3A_564, %swap3A_565], %swap3A_568 {strides = array<i32>} : memref<256x128xf32, #tpu.memory_space<vmem>>, vector<1x16xf32>,
      %mul3A_569 = arith.mulf %convert_element_type3A_540, %sub3A_252 : vector<16xf32>
      %add3A_570 = arith.addf %get3A_193, %mul3A_569 : vector<16xf32>
      %swap3A_571 = arith.index_cast %add3A_530 : i32 to index
      %swap3A_572 = arith.constant 64 : index
      %swap3A_573 = tpu.vector_load %arg10[%swap3A_571, %swap3A_572] {strides = array<i32>} : memref<256x128xf32, #tpu.memory_space<vmem>>, vector<1x16xf32>,
      %swap3A_574 = vector.shape_cast %swap3A_573 : vector<1x16xf32> to vector<16xf32>
      %swap3A_575 = vector.shape_cast %add3A_570 : vector<16xf32> to vector<1x16xf32>
      tpu.vector_store %arg10[%swap3A_571, %swap3A_572], %swap3A_575 {strides = array<i32>} : memref<256x128xf32, #tpu.memory_space<vmem>>, vector<1x16xf32>,
      %mul3A_576 = arith.mulf %convert_element_type3A_540, %sub3A_253 : vector<16xf32>
      %add3A_577 = arith.addf %get3A_198, %mul3A_576 : vector<16xf32>
      %swap3A_578 = arith.index_cast %add3A_530 : i32 to index
      %swap3A_579 = arith.constant 80 : index
      %swap3A_580 = tpu.vector_load %arg10[%swap3A_578, %swap3A_579] {strides = array<i32>} : memref<256x128xf32, #tpu.memory_space<vmem>>, vector<1x16xf32>,
      %swap3A_581 = vector.shape_cast %swap3A_580 : vector<1x16xf32> to vector<16xf32>
      %swap3A_582 = vector.shape_cast %add3A_577 : vector<16xf32> to vector<1x16xf32>
      tpu.vector_store %arg10[%swap3A_578, %swap3A_579], %swap3A_582 {strides = array<i32>} : memref<256x128xf32, #tpu.memory_space<vmem>>, vector<1x16xf32>,
      %mul3A_583 = arith.mulf %convert_element_type3A_540, %sub3A_254 : vector<16xf32>
      %add3A_584 = arith.addf %get3A_203, %mul3A_583 : vector<16xf32>
      %swap3A_585 = arith.index_cast %add3A_530 : i32 to index
      %swap3A_586 = arith.constant 96 : index
      %swap3A_587 = tpu.vector_load %arg10[%swap3A_585, %swap3A_586] {strides = array<i32>} : memref<256x128xf32, #tpu.memory_space<vmem>>, vector<1x16xf32>,
      %swap3A_588 = vector.shape_cast %swap3A_587 : vector<1x16xf32> to vector<16xf32>
      %swap3A_589 = vector.shape_cast %add3A_584 : vector<16xf32> to vector<1x16xf32>
      tpu.vector_store %arg10[%swap3A_585, %swap3A_586], %swap3A_589 {strides = array<i32>} : memref<256x128xf32, #tpu.memory_space<vmem>>, vector<1x16xf32>,
      %mul3A_590 = arith.mulf %convert_element_type3A_540, %sub3A_255 : vector<16xf32>
      %add3A_591 = arith.addf %get3A_208, %mul3A_590 : vector<16xf32>
      %swap3A_592 = arith.index_cast %add3A_530 : i32 to index
      %swap3A_593 = arith.constant 112 : index
      %swap3A_594 = tpu.vector_load %arg10[%swap3A_592, %swap3A_593] {strides = array<i32>} : memref<256x128xf32, #tpu.memory_space<vmem>>, vector<1x16xf32>,
      %swap3A_595 = vector.shape_cast %swap3A_594 : vector<1x16xf32> to vector<16xf32>
      %swap3A_596 = vector.shape_cast %add3A_591 : vector<16xf32> to vector<1x16xf32>
      tpu.vector_store %arg10[%swap3A_592, %swap3A_593], %swap3A_596 {strides = array<i32>} : memref<256x128xf32, #tpu.memory_space<vmem>>, vector<1x16xf32>,
      %mul3A_597 = arith.constant 4 : i32
      %mul3A_598 = arith.muli %scan3A_379, %mul3A_597 : i32
      %add3A_599 = arith.constant 128 : i32
      %add3A_600 = arith.addi %add3A_599, %mul3A_598 : i32
      %add3A_601 = arith.constant 3 : i32
      %add3A_602 = arith.addi %add3A_600, %add3A_601 : i32
      %add3A_603 = vector.broadcast %add3A_602 : i32 to vector<16xi32>
      %add3A_604 = arith.addi %mul3A_262, %add3A_603 : vector<16xi32>
      %ge3A_605 = vector.broadcast %min3A : i32 to vector<16xi32>
      %ge3A_606 = arith.cmpi sge, %add3A_604, %ge3A_605 : vector<16xi32>
      %jit3A_607 = arith.constant 1 : i32
      %jit3A_608 = arith.constant 0 : i32
      %broadcast_in_dim3A_609 = vector.broadcast %jit3A_607 : i32 to vector<16xi32>
      %broadcast_in_dim3A_610 = vector.broadcast %jit3A_608 : i32 to vector<16xi32>
      %select_n3A_611 = arith.select %ge3A_606, %broadcast_in_dim3A_609, %broadcast_in_dim3A_610 : vector<16xi1>, vector<16xi32>
      %convert_element_type3A_612 = arith.sitofp %select_n3A_611 : vector<16xi32> to vector<16xf32>
      %mul3A_613 = arith.mulf %convert_element_type3A_612, %sub3A : vector<16xf32>
      %add3A_614 = arith.addf %get3A_173, %mul3A_613 : vector<16xf32>
      %swap3A_615 = arith.index_cast %add3A_602 : i32 to index
      %swap3A_616 = arith.constant 0 : index
      %swap3A_617 = tpu.vector_load %arg10[%swap3A_615, %swap3A_616] {strides = array<i32>} : memref<256x128xf32, #tpu.memory_space<vmem>>, vector<1x16xf32>,
      %swap3A_618 = vector.shape_cast %swap3A_617 : vector<1x16xf32> to vector<16xf32>
      %swap3A_619 = vector.shape_cast %add3A_614 : vector<16xf32> to vector<1x16xf32>
      tpu.vector_store %arg10[%swap3A_615, %swap3A_616], %swap3A_619 {strides = array<i32>} : memref<256x128xf32, #tpu.memory_space<vmem>>, vector<1x16xf32>,
      %mul3A_620 = arith.mulf %convert_element_type3A_612, %sub3A_249 : vector<16xf32>
      %add3A_621 = arith.addf %get3A_178, %mul3A_620 : vector<16xf32>
      %swap3A_622 = arith.index_cast %add3A_602 : i32 to index
      %swap3A_623 = arith.constant 16 : index
      %swap3A_624 = tpu.vector_load %arg10[%swap3A_622, %swap3A_623] {strides = array<i32>} : memref<256x128xf32, #tpu.memory_space<vmem>>, vector<1x16xf32>,
      %swap3A_625 = vector.shape_cast %swap3A_624 : vector<1x16xf32> to vector<16xf32>
      %swap3A_626 = vector.shape_cast %add3A_621 : vector<16xf32> to vector<1x16xf32>
      tpu.vector_store %arg10[%swap3A_622, %swap3A_623], %swap3A_626 {strides = array<i32>} : memref<256x128xf32, #tpu.memory_space<vmem>>, vector<1x16xf32>,
      %mul3A_627 = arith.mulf %convert_element_type3A_612, %sub3A_250 : vector<16xf32>
      %add3A_628 = arith.addf %get3A_183, %mul3A_627 : vector<16xf32>
      %swap3A_629 = arith.index_cast %add3A_602 : i32 to index
      %swap3A_630 = arith.constant 32 : index
      %swap3A_631 = tpu.vector_load %arg10[%swap3A_629, %swap3A_630] {strides = array<i32>} : memref<256x128xf32, #tpu.memory_space<vmem>>, vector<1x16xf32>,
      %swap3A_632 = vector.shape_cast %swap3A_631 : vector<1x16xf32> to vector<16xf32>
      %swap3A_633 = vector.shape_cast %add3A_628 : vector<16xf32> to vector<1x16xf32>
      tpu.vector_store %arg10[%swap3A_629, %swap3A_630], %swap3A_633 {strides = array<i32>} : memref<256x128xf32, #tpu.memory_space<vmem>>, vector<1x16xf32>,
      %mul3A_634 = arith.mulf %convert_element_type3A_612, %sub3A_251 : vector<16xf32>
      %add3A_635 = arith.addf %get3A_188, %mul3A_634 : vector<16xf32>
      %swap3A_636 = arith.index_cast %add3A_602 : i32 to index
      %swap3A_637 = arith.constant 48 : index
      %swap3A_638 = tpu.vector_load %arg10[%swap3A_636, %swap3A_637] {strides = array<i32>} : memref<256x128xf32, #tpu.memory_space<vmem>>, vector<1x16xf32>,
      %swap3A_639 = vector.shape_cast %swap3A_638 : vector<1x16xf32> to vector<16xf32>
      %swap3A_640 = vector.shape_cast %add3A_635 : vector<16xf32> to vector<1x16xf32>
      tpu.vector_store %arg10[%swap3A_636, %swap3A_637], %swap3A_640 {strides = array<i32>} : memref<256x128xf32, #tpu.memory_space<vmem>>, vector<1x16xf32>,
      %mul3A_641 = arith.mulf %convert_element_type3A_612, %sub3A_252 : vector<16xf32>
      %add3A_642 = arith.addf %get3A_193, %mul3A_641 : vector<16xf32>
      %swap3A_643 = arith.index_cast %add3A_602 : i32 to index
      %swap3A_644 = arith.constant 64 : index
      %swap3A_645 = tpu.vector_load %arg10[%swap3A_643, %swap3A_644] {strides = array<i32>} : memref<256x128xf32, #tpu.memory_space<vmem>>, vector<1x16xf32>,
      %swap3A_646 = vector.shape_cast %swap3A_645 : vector<1x16xf32> to vector<16xf32>
      %swap3A_647 = vector.shape_cast %add3A_642 : vector<16xf32> to vector<1x16xf32>
      tpu.vector_store %arg10[%swap3A_643, %swap3A_644], %swap3A_647 {strides = array<i32>} : memref<256x128xf32, #tpu.memory_space<vmem>>, vector<1x16xf32>,
      %mul3A_648 = arith.mulf %convert_element_type3A_612, %sub3A_253 : vector<16xf32>
      %add3A_649 = arith.addf %get3A_198, %mul3A_648 : vector<16xf32>
      %swap3A_650 = arith.index_cast %add3A_602 : i32 to index
      %swap3A_651 = arith.constant 80 : index
      %swap3A_652 = tpu.vector_load %arg10[%swap3A_650, %swap3A_651] {strides = array<i32>} : memref<256x128xf32, #tpu.memory_space<vmem>>, vector<1x16xf32>,
      %swap3A_653 = vector.shape_cast %swap3A_652 : vector<1x16xf32> to vector<16xf32>
      %swap3A_654 = vector.shape_cast %add3A_649 : vector<16xf32> to vector<1x16xf32>
      tpu.vector_store %arg10[%swap3A_650, %swap3A_651], %swap3A_654 {strides = array<i32>} : memref<256x128xf32, #tpu.memory_space<vmem>>, vector<1x16xf32>,
      %mul3A_655 = arith.mulf %convert_element_type3A_612, %sub3A_254 : vector<16xf32>
      %add3A_656 = arith.addf %get3A_203, %mul3A_655 : vector<16xf32>
      %swap3A_657 = arith.index_cast %add3A_602 : i32 to index
      %swap3A_658 = arith.constant 96 : index
      %swap3A_659 = tpu.vector_load %arg10[%swap3A_657, %swap3A_658] {strides = array<i32>} : memref<256x128xf32, #tpu.memory_space<vmem>>, vector<1x16xf32>,
      %swap3A_660 = vector.shape_cast %swap3A_659 : vector<1x16xf32> to vector<16xf32>
      %swap3A_661 = vector.shape_cast %add3A_656 : vector<16xf32> to vector<1x16xf32>
      tpu.vector_store %arg10[%swap3A_657, %swap3A_658], %swap3A_661 {strides = array<i32>} : memref<256x128xf32, #tpu.memory_space<vmem>>, vector<1x16xf32>,
      %mul3A_662 = arith.mulf %convert_element_type3A_612, %sub3A_255 : vector<16xf32>
      %add3A_663 = arith.addf %get3A_208, %mul3A_662 : vector<16xf32>
      %swap3A_664 = arith.index_cast %add3A_602 : i32 to index
      %swap3A_665 = arith.constant 112 : index
      %swap3A_666 = tpu.vector_load %arg10[%swap3A_664, %swap3A_665] {strides = array<i32>} : memref<256x128xf32, #tpu.memory_space<vmem>>, vector<1x16xf32>,
      %swap3A_667 = vector.shape_cast %swap3A_666 : vector<1x16xf32> to vector<16xf32>
      %swap3A_668 = vector.shape_cast %add3A_663 : vector<16xf32> to vector<1x16xf32>
      tpu.vector_store %arg10[%swap3A_664, %swap3A_665], %swap3A_668 {strides = array<i32>} : memref<256x128xf32, #tpu.memory_space<vmem>>, vector<1x16xf32>,
      %scan3A_669 = arith.constant 0 : i32
      scf.yield %scan3A_669 : i32
    }
    %scan3A_307 = arith.constant 16 : i32
    %add3A_308 = arith.constant 128 : i32
    %add3A_309 = arith.addi %mul3A_2, %add3A_308 : i32
    %dma_start3A_310 = arith.constant 128 : i32
    %dma_start3A_311 = arith.constant 0 : i32
    %dma_start3A_312 = tpu.memref_slice %arg10[%dma_start3A_310, %dma_start3A_311] : memref<256x128xf32, #tpu.memory_space<vmem>> -> memref<64x128xf32, #tpu.memory_space<vmem>>
    %dma_start3A_313 = arith.constant 0 : i32
    %dma_start3A_314 = tpu.memref_slice %arg4[%add3A_309, %dma_start3A_313] : memref<8192x128xf32, #tpu.memory_space<hbm>> -> memref<64x128xf32, #tpu.memory_space<hbm>>
    %dma_start3A_315 = arith.constant 0 : i32
    %dma_start3A_316 = tpu.memref_slice %arg4[%add3A_309, %dma_start3A_315] : memref<8192x128xf32, #tpu.memory_space<hbm>> -> memref<64x128xf32, #tpu.memory_space<hbm>>
    %dma_start3A_317 = arith.constant 128 : i32
    %dma_start3A_318 = arith.constant 0 : i32
    %dma_start3A_319 = tpu.memref_slice %arg10[%dma_start3A_317, %dma_start3A_318] : memref<256x128xf32, #tpu.memory_space<vmem>> -> memref<64x128xf32, #tpu.memory_space<vmem>>
    tpu.enqueue_dma source(%dma_start3A_319 : memref<64x128xf32, #tpu.memory_space<vmem>>) target(%dma_start3A_316 : memref<64x128xf32, #tpu.memory_space<hbm>>) target_semaphore(%arg12 : memref<!tpu.dma_semaphore, #tpu.memory_space<semaphore_mem>>)
    %scan3A_320 = arith.constant 0 : i32
    %scan3A_321 = arith.constant 0 : i32
    %scan3A_322 = arith.constant 16 : i32
    %scan3A_323 = arith.addi %scan3A_321, %scan3A_322 : i32
    %scan3A_324 = arith.constant 1 : i32
    %scan3A_325 = scf.for %scan3A_379 = %scan3A_321 to %scan3A_323 step %scan3A_324 iter_args(%scan3A_380 = %scan3A_320) -> (i32)  : i32 {
      %mul3A_381 = arith.constant 4 : i32
      %mul3A_382 = arith.muli %scan3A_379, %mul3A_381 : i32
      %add3A_383 = arith.constant 192 : i32
      %add3A_384 = arith.addi %add3A_383, %mul3A_382 : i32
      %add3A_385 = arith.constant 0 : i32
      %add3A_386 = arith.addi %add3A_384, %add3A_385 : i32
      %add3A_387 = vector.broadcast %add3A_386 : i32 to vector<16xi32>
      %add3A_388 = arith.addi %mul3A_262, %add3A_387 : vector<16xi32>
      %ge3A_389 = vector.broadcast %min3A : i32 to vector<16xi32>
      %ge3A_390 = arith.cmpi sge, %add3A_388, %ge3A_389 : vector<16xi32>
      %jit3A_391 = arith.constant 1 : i32
      %jit3A_392 = arith.constant 0 : i32
      %broadcast_in_dim3A_393 = vector.broadcast %jit3A_391 : i32 to vector<16xi32>
      %broadcast_in_dim3A_394 = vector.broadcast %jit3A_392 : i32 to vector<16xi32>
      %select_n3A_395 = arith.select %ge3A_390, %broadcast_in_dim3A_393, %broadcast_in_dim3A_394 : vector<16xi1>, vector<16xi32>
      %convert_element_type3A_396 = arith.sitofp %select_n3A_395 : vector<16xi32> to vector<16xf32>
      %mul3A_397 = arith.mulf %convert_element_type3A_396, %sub3A : vector<16xf32>
      %add3A_398 = arith.addf %get3A_173, %mul3A_397 : vector<16xf32>
      %swap3A_399 = arith.index_cast %add3A_386 : i32 to index
      %swap3A_400 = arith.constant 0 : index
      %swap3A_401 = tpu.vector_load %arg10[%swap3A_399, %swap3A_400] {strides = array<i32>} : memref<256x128xf32, #tpu.memory_space<vmem>>, vector<1x16xf32>,
      %swap3A_402 = vector.shape_cast %swap3A_401 : vector<1x16xf32> to vector<16xf32>
      %swap3A_403 = vector.shape_cast %add3A_398 : vector<16xf32> to vector<1x16xf32>
      tpu.vector_store %arg10[%swap3A_399, %swap3A_400], %swap3A_403 {strides = array<i32>} : memref<256x128xf32, #tpu.memory_space<vmem>>, vector<1x16xf32>,
      %mul3A_404 = arith.mulf %convert_element_type3A_396, %sub3A_249 : vector<16xf32>
      %add3A_405 = arith.addf %get3A_178, %mul3A_404 : vector<16xf32>
      %swap3A_406 = arith.index_cast %add3A_386 : i32 to index
      %swap3A_407 = arith.constant 16 : index
      %swap3A_408 = tpu.vector_load %arg10[%swap3A_406, %swap3A_407] {strides = array<i32>} : memref<256x128xf32, #tpu.memory_space<vmem>>, vector<1x16xf32>,
      %swap3A_409 = vector.shape_cast %swap3A_408 : vector<1x16xf32> to vector<16xf32>
      %swap3A_410 = vector.shape_cast %add3A_405 : vector<16xf32> to vector<1x16xf32>
      tpu.vector_store %arg10[%swap3A_406, %swap3A_407], %swap3A_410 {strides = array<i32>} : memref<256x128xf32, #tpu.memory_space<vmem>>, vector<1x16xf32>,
      %mul3A_411 = arith.mulf %convert_element_type3A_396, %sub3A_250 : vector<16xf32>
      %add3A_412 = arith.addf %get3A_183, %mul3A_411 : vector<16xf32>
      %swap3A_413 = arith.index_cast %add3A_386 : i32 to index
      %swap3A_414 = arith.constant 32 : index
      %swap3A_415 = tpu.vector_load %arg10[%swap3A_413, %swap3A_414] {strides = array<i32>} : memref<256x128xf32, #tpu.memory_space<vmem>>, vector<1x16xf32>,
      %swap3A_416 = vector.shape_cast %swap3A_415 : vector<1x16xf32> to vector<16xf32>
      %swap3A_417 = vector.shape_cast %add3A_412 : vector<16xf32> to vector<1x16xf32>
      tpu.vector_store %arg10[%swap3A_413, %swap3A_414], %swap3A_417 {strides = array<i32>} : memref<256x128xf32, #tpu.memory_space<vmem>>, vector<1x16xf32>,
      %mul3A_418 = arith.mulf %convert_element_type3A_396, %sub3A_251 : vector<16xf32>
      %add3A_419 = arith.addf %get3A_188, %mul3A_418 : vector<16xf32>
      %swap3A_420 = arith.index_cast %add3A_386 : i32 to index
      %swap3A_421 = arith.constant 48 : index
      %swap3A_422 = tpu.vector_load %arg10[%swap3A_420, %swap3A_421] {strides = array<i32>} : memref<256x128xf32, #tpu.memory_space<vmem>>, vector<1x16xf32>,
      %swap3A_423 = vector.shape_cast %swap3A_422 : vector<1x16xf32> to vector<16xf32>
      %swap3A_424 = vector.shape_cast %add3A_419 : vector<16xf32> to vector<1x16xf32>
      tpu.vector_store %arg10[%swap3A_420, %swap3A_421], %swap3A_424 {strides = array<i32>} : memref<256x128xf32, #tpu.memory_space<vmem>>, vector<1x16xf32>,
      %mul3A_425 = arith.mulf %convert_element_type3A_396, %sub3A_252 : vector<16xf32>
      %add3A_426 = arith.addf %get3A_193, %mul3A_425 : vector<16xf32>
      %swap3A_427 = arith.index_cast %add3A_386 : i32 to index
      %swap3A_428 = arith.constant 64 : index
      %swap3A_429 = tpu.vector_load %arg10[%swap3A_427, %swap3A_428] {strides = array<i32>} : memref<256x128xf32, #tpu.memory_space<vmem>>, vector<1x16xf32>,
      %swap3A_430 = vector.shape_cast %swap3A_429 : vector<1x16xf32> to vector<16xf32>
      %swap3A_431 = vector.shape_cast %add3A_426 : vector<16xf32> to vector<1x16xf32>
      tpu.vector_store %arg10[%swap3A_427, %swap3A_428], %swap3A_431 {strides = array<i32>} : memref<256x128xf32, #tpu.memory_space<vmem>>, vector<1x16xf32>,
      %mul3A_432 = arith.mulf %convert_element_type3A_396, %sub3A_253 : vector<16xf32>
      %add3A_433 = arith.addf %get3A_198, %mul3A_432 : vector<16xf32>
      %swap3A_434 = arith.index_cast %add3A_386 : i32 to index
      %swap3A_435 = arith.constant 80 : index
      %swap3A_436 = tpu.vector_load %arg10[%swap3A_434, %swap3A_435] {strides = array<i32>} : memref<256x128xf32, #tpu.memory_space<vmem>>, vector<1x16xf32>,
      %swap3A_437 = vector.shape_cast %swap3A_436 : vector<1x16xf32> to vector<16xf32>
      %swap3A_438 = vector.shape_cast %add3A_433 : vector<16xf32> to vector<1x16xf32>
      tpu.vector_store %arg10[%swap3A_434, %swap3A_435], %swap3A_438 {strides = array<i32>} : memref<256x128xf32, #tpu.memory_space<vmem>>, vector<1x16xf32>,
      %mul3A_439 = arith.mulf %convert_element_type3A_396, %sub3A_254 : vector<16xf32>
      %add3A_440 = arith.addf %get3A_203, %mul3A_439 : vector<16xf32>
      %swap3A_441 = arith.index_cast %add3A_386 : i32 to index
      %swap3A_442 = arith.constant 96 : index
      %swap3A_443 = tpu.vector_load %arg10[%swap3A_441, %swap3A_442] {strides = array<i32>} : memref<256x128xf32, #tpu.memory_space<vmem>>, vector<1x16xf32>,
      %swap3A_444 = vector.shape_cast %swap3A_443 : vector<1x16xf32> to vector<16xf32>
      %swap3A_445 = vector.shape_cast %add3A_440 : vector<16xf32> to vector<1x16xf32>
      tpu.vector_store %arg10[%swap3A_441, %swap3A_442], %swap3A_445 {strides = array<i32>} : memref<256x128xf32, #tpu.memory_space<vmem>>, vector<1x16xf32>,
      %mul3A_446 = arith.mulf %convert_element_type3A_396, %sub3A_255 : vector<16xf32>
      %add3A_447 = arith.addf %get3A_208, %mul3A_446 : vector<16xf32>
      %swap3A_448 = arith.index_cast %add3A_386 : i32 to index
      %swap3A_449 = arith.constant 112 : index
      %swap3A_450 = tpu.vector_load %arg10[%swap3A_448, %swap3A_449] {strides = array<i32>} : memref<256x128xf32, #tpu.memory_space<vmem>>, vector<1x16xf32>,
      %swap3A_451 = vector.shape_cast %swap3A_450 : vector<1x16xf32> to vector<16xf32>
      %swap3A_452 = vector.shape_cast %add3A_447 : vector<16xf32> to vector<1x16xf32>
      tpu.vector_store %arg10[%swap3A_448, %swap3A_449], %swap3A_452 {strides = array<i32>} : memref<256x128xf32, #tpu.memory_space<vmem>>, vector<1x16xf32>,
      %mul3A_453 = arith.constant 4 : i32
      %mul3A_454 = arith.muli %scan3A_379, %mul3A_453 : i32
      %add3A_455 = arith.constant 192 : i32
      %add3A_456 = arith.addi %add3A_455, %mul3A_454 : i32
      %add3A_457 = arith.constant 1 : i32
      %add3A_458 = arith.addi %add3A_456, %add3A_457 : i32
      %add3A_459 = vector.broadcast %add3A_458 : i32 to vector<16xi32>
      %add3A_460 = arith.addi %mul3A_262, %add3A_459 : vector<16xi32>
      %ge3A_461 = vector.broadcast %min3A : i32 to vector<16xi32>
      %ge3A_462 = arith.cmpi sge, %add3A_460, %ge3A_461 : vector<16xi32>
      %jit3A_463 = arith.constant 1 : i32
      %jit3A_464 = arith.constant 0 : i32
      %broadcast_in_dim3A_465 = vector.broadcast %jit3A_463 : i32 to vector<16xi32>
      %broadcast_in_dim3A_466 = vector.broadcast %jit3A_464 : i32 to vector<16xi32>
      %select_n3A_467 = arith.select %ge3A_462, %broadcast_in_dim3A_465, %broadcast_in_dim3A_466 : vector<16xi1>, vector<16xi32>
      %convert_element_type3A_468 = arith.sitofp %select_n3A_467 : vector<16xi32> to vector<16xf32>
      %mul3A_469 = arith.mulf %convert_element_type3A_468, %sub3A : vector<16xf32>
      %add3A_470 = arith.addf %get3A_173, %mul3A_469 : vector<16xf32>
      %swap3A_471 = arith.index_cast %add3A_458 : i32 to index
      %swap3A_472 = arith.constant 0 : index
      %swap3A_473 = tpu.vector_load %arg10[%swap3A_471, %swap3A_472] {strides = array<i32>} : memref<256x128xf32, #tpu.memory_space<vmem>>, vector<1x16xf32>,
      %swap3A_474 = vector.shape_cast %swap3A_473 : vector<1x16xf32> to vector<16xf32>
      %swap3A_475 = vector.shape_cast %add3A_470 : vector<16xf32> to vector<1x16xf32>
      tpu.vector_store %arg10[%swap3A_471, %swap3A_472], %swap3A_475 {strides = array<i32>} : memref<256x128xf32, #tpu.memory_space<vmem>>, vector<1x16xf32>,
      %mul3A_476 = arith.mulf %convert_element_type3A_468, %sub3A_249 : vector<16xf32>
      %add3A_477 = arith.addf %get3A_178, %mul3A_476 : vector<16xf32>
      %swap3A_478 = arith.index_cast %add3A_458 : i32 to index
      %swap3A_479 = arith.constant 16 : index
      %swap3A_480 = tpu.vector_load %arg10[%swap3A_478, %swap3A_479] {strides = array<i32>} : memref<256x128xf32, #tpu.memory_space<vmem>>, vector<1x16xf32>,
      %swap3A_481 = vector.shape_cast %swap3A_480 : vector<1x16xf32> to vector<16xf32>
      %swap3A_482 = vector.shape_cast %add3A_477 : vector<16xf32> to vector<1x16xf32>
      tpu.vector_store %arg10[%swap3A_478, %swap3A_479], %swap3A_482 {strides = array<i32>} : memref<256x128xf32, #tpu.memory_space<vmem>>, vector<1x16xf32>,
      %mul3A_483 = arith.mulf %convert_element_type3A_468, %sub3A_250 : vector<16xf32>
      %add3A_484 = arith.addf %get3A_183, %mul3A_483 : vector<16xf32>
      %swap3A_485 = arith.index_cast %add3A_458 : i32 to index
      %swap3A_486 = arith.constant 32 : index
      %swap3A_487 = tpu.vector_load %arg10[%swap3A_485, %swap3A_486] {strides = array<i32>} : memref<256x128xf32, #tpu.memory_space<vmem>>, vector<1x16xf32>,
      %swap3A_488 = vector.shape_cast %swap3A_487 : vector<1x16xf32> to vector<16xf32>
      %swap3A_489 = vector.shape_cast %add3A_484 : vector<16xf32> to vector<1x16xf32>
      tpu.vector_store %arg10[%swap3A_485, %swap3A_486], %swap3A_489 {strides = array<i32>} : memref<256x128xf32, #tpu.memory_space<vmem>>, vector<1x16xf32>,
      %mul3A_490 = arith.mulf %convert_element_type3A_468, %sub3A_251 : vector<16xf32>
      %add3A_491 = arith.addf %get3A_188, %mul3A_490 : vector<16xf32>
      %swap3A_492 = arith.index_cast %add3A_458 : i32 to index
      %swap3A_493 = arith.constant 48 : index
      %swap3A_494 = tpu.vector_load %arg10[%swap3A_492, %swap3A_493] {strides = array<i32>} : memref<256x128xf32, #tpu.memory_space<vmem>>, vector<1x16xf32>,
      %swap3A_495 = vector.shape_cast %swap3A_494 : vector<1x16xf32> to vector<16xf32>
      %swap3A_496 = vector.shape_cast %add3A_491 : vector<16xf32> to vector<1x16xf32>
      tpu.vector_store %arg10[%swap3A_492, %swap3A_493], %swap3A_496 {strides = array<i32>} : memref<256x128xf32, #tpu.memory_space<vmem>>, vector<1x16xf32>,
      %mul3A_497 = arith.mulf %convert_element_type3A_468, %sub3A_252 : vector<16xf32>
      %add3A_498 = arith.addf %get3A_193, %mul3A_497 : vector<16xf32>
      %swap3A_499 = arith.index_cast %add3A_458 : i32 to index
      %swap3A_500 = arith.constant 64 : index
      %swap3A_501 = tpu.vector_load %arg10[%swap3A_499, %swap3A_500] {strides = array<i32>} : memref<256x128xf32, #tpu.memory_space<vmem>>, vector<1x16xf32>,
      %swap3A_502 = vector.shape_cast %swap3A_501 : vector<1x16xf32> to vector<16xf32>
      %swap3A_503 = vector.shape_cast %add3A_498 : vector<16xf32> to vector<1x16xf32>
      tpu.vector_store %arg10[%swap3A_499, %swap3A_500], %swap3A_503 {strides = array<i32>} : memref<256x128xf32, #tpu.memory_space<vmem>>, vector<1x16xf32>,
      %mul3A_504 = arith.mulf %convert_element_type3A_468, %sub3A_253 : vector<16xf32>
      %add3A_505 = arith.addf %get3A_198, %mul3A_504 : vector<16xf32>
      %swap3A_506 = arith.index_cast %add3A_458 : i32 to index
      %swap3A_507 = arith.constant 80 : index
      %swap3A_508 = tpu.vector_load %arg10[%swap3A_506, %swap3A_507] {strides = array<i32>} : memref<256x128xf32, #tpu.memory_space<vmem>>, vector<1x16xf32>,
      %swap3A_509 = vector.shape_cast %swap3A_508 : vector<1x16xf32> to vector<16xf32>
      %swap3A_510 = vector.shape_cast %add3A_505 : vector<16xf32> to vector<1x16xf32>
      tpu.vector_store %arg10[%swap3A_506, %swap3A_507], %swap3A_510 {strides = array<i32>} : memref<256x128xf32, #tpu.memory_space<vmem>>, vector<1x16xf32>,
      %mul3A_511 = arith.mulf %convert_element_type3A_468, %sub3A_254 : vector<16xf32>
      %add3A_512 = arith.addf %get3A_203, %mul3A_511 : vector<16xf32>
      %swap3A_513 = arith.index_cast %add3A_458 : i32 to index
      %swap3A_514 = arith.constant 96 : index
      %swap3A_515 = tpu.vector_load %arg10[%swap3A_513, %swap3A_514] {strides = array<i32>} : memref<256x128xf32, #tpu.memory_space<vmem>>, vector<1x16xf32>,
      %swap3A_516 = vector.shape_cast %swap3A_515 : vector<1x16xf32> to vector<16xf32>
      %swap3A_517 = vector.shape_cast %add3A_512 : vector<16xf32> to vector<1x16xf32>
      tpu.vector_store %arg10[%swap3A_513, %swap3A_514], %swap3A_517 {strides = array<i32>} : memref<256x128xf32, #tpu.memory_space<vmem>>, vector<1x16xf32>,
      %mul3A_518 = arith.mulf %convert_element_type3A_468, %sub3A_255 : vector<16xf32>
      %add3A_519 = arith.addf %get3A_208, %mul3A_518 : vector<16xf32>
      %swap3A_520 = arith.index_cast %add3A_458 : i32 to index
      %swap3A_521 = arith.constant 112 : index
      %swap3A_522 = tpu.vector_load %arg10[%swap3A_520, %swap3A_521] {strides = array<i32>} : memref<256x128xf32, #tpu.memory_space<vmem>>, vector<1x16xf32>,
      %swap3A_523 = vector.shape_cast %swap3A_522 : vector<1x16xf32> to vector<16xf32>
      %swap3A_524 = vector.shape_cast %add3A_519 : vector<16xf32> to vector<1x16xf32>
      tpu.vector_store %arg10[%swap3A_520, %swap3A_521], %swap3A_524 {strides = array<i32>} : memref<256x128xf32, #tpu.memory_space<vmem>>, vector<1x16xf32>,
      %mul3A_525 = arith.constant 4 : i32
      %mul3A_526 = arith.muli %scan3A_379, %mul3A_525 : i32
      %add3A_527 = arith.constant 192 : i32
      %add3A_528 = arith.addi %add3A_527, %mul3A_526 : i32
      %add3A_529 = arith.constant 2 : i32
      %add3A_530 = arith.addi %add3A_528, %add3A_529 : i32
      %add3A_531 = vector.broadcast %add3A_530 : i32 to vector<16xi32>
      %add3A_532 = arith.addi %mul3A_262, %add3A_531 : vector<16xi32>
      %ge3A_533 = vector.broadcast %min3A : i32 to vector<16xi32>
      %ge3A_534 = arith.cmpi sge, %add3A_532, %ge3A_533 : vector<16xi32>
      %jit3A_535 = arith.constant 1 : i32
      %jit3A_536 = arith.constant 0 : i32
      %broadcast_in_dim3A_537 = vector.broadcast %jit3A_535 : i32 to vector<16xi32>
      %broadcast_in_dim3A_538 = vector.broadcast %jit3A_536 : i32 to vector<16xi32>
      %select_n3A_539 = arith.select %ge3A_534, %broadcast_in_dim3A_537, %broadcast_in_dim3A_538 : vector<16xi1>, vector<16xi32>
      %convert_element_type3A_540 = arith.sitofp %select_n3A_539 : vector<16xi32> to vector<16xf32>
      %mul3A_541 = arith.mulf %convert_element_type3A_540, %sub3A : vector<16xf32>
      %add3A_542 = arith.addf %get3A_173, %mul3A_541 : vector<16xf32>
      %swap3A_543 = arith.index_cast %add3A_530 : i32 to index
      %swap3A_544 = arith.constant 0 : index
      %swap3A_545 = tpu.vector_load %arg10[%swap3A_543, %swap3A_544] {strides = array<i32>} : memref<256x128xf32, #tpu.memory_space<vmem>>, vector<1x16xf32>,
      %swap3A_546 = vector.shape_cast %swap3A_545 : vector<1x16xf32> to vector<16xf32>
      %swap3A_547 = vector.shape_cast %add3A_542 : vector<16xf32> to vector<1x16xf32>
      tpu.vector_store %arg10[%swap3A_543, %swap3A_544], %swap3A_547 {strides = array<i32>} : memref<256x128xf32, #tpu.memory_space<vmem>>, vector<1x16xf32>,
      %mul3A_548 = arith.mulf %convert_element_type3A_540, %sub3A_249 : vector<16xf32>
      %add3A_549 = arith.addf %get3A_178, %mul3A_548 : vector<16xf32>
      %swap3A_550 = arith.index_cast %add3A_530 : i32 to index
      %swap3A_551 = arith.constant 16 : index
      %swap3A_552 = tpu.vector_load %arg10[%swap3A_550, %swap3A_551] {strides = array<i32>} : memref<256x128xf32, #tpu.memory_space<vmem>>, vector<1x16xf32>,
      %swap3A_553 = vector.shape_cast %swap3A_552 : vector<1x16xf32> to vector<16xf32>
      %swap3A_554 = vector.shape_cast %add3A_549 : vector<16xf32> to vector<1x16xf32>
      tpu.vector_store %arg10[%swap3A_550, %swap3A_551], %swap3A_554 {strides = array<i32>} : memref<256x128xf32, #tpu.memory_space<vmem>>, vector<1x16xf32>,
      %mul3A_555 = arith.mulf %convert_element_type3A_540, %sub3A_250 : vector<16xf32>
      %add3A_556 = arith.addf %get3A_183, %mul3A_555 : vector<16xf32>
      %swap3A_557 = arith.index_cast %add3A_530 : i32 to index
      %swap3A_558 = arith.constant 32 : index
      %swap3A_559 = tpu.vector_load %arg10[%swap3A_557, %swap3A_558] {strides = array<i32>} : memref<256x128xf32, #tpu.memory_space<vmem>>, vector<1x16xf32>,
      %swap3A_560 = vector.shape_cast %swap3A_559 : vector<1x16xf32> to vector<16xf32>
      %swap3A_561 = vector.shape_cast %add3A_556 : vector<16xf32> to vector<1x16xf32>
      tpu.vector_store %arg10[%swap3A_557, %swap3A_558], %swap3A_561 {strides = array<i32>} : memref<256x128xf32, #tpu.memory_space<vmem>>, vector<1x16xf32>,
      %mul3A_562 = arith.mulf %convert_element_type3A_540, %sub3A_251 : vector<16xf32>
      %add3A_563 = arith.addf %get3A_188, %mul3A_562 : vector<16xf32>
      %swap3A_564 = arith.index_cast %add3A_530 : i32 to index
      %swap3A_565 = arith.constant 48 : index
      %swap3A_566 = tpu.vector_load %arg10[%swap3A_564, %swap3A_565] {strides = array<i32>} : memref<256x128xf32, #tpu.memory_space<vmem>>, vector<1x16xf32>,
      %swap3A_567 = vector.shape_cast %swap3A_566 : vector<1x16xf32> to vector<16xf32>
      %swap3A_568 = vector.shape_cast %add3A_563 : vector<16xf32> to vector<1x16xf32>
      tpu.vector_store %arg10[%swap3A_564, %swap3A_565], %swap3A_568 {strides = array<i32>} : memref<256x128xf32, #tpu.memory_space<vmem>>, vector<1x16xf32>,
      %mul3A_569 = arith.mulf %convert_element_type3A_540, %sub3A_252 : vector<16xf32>
      %add3A_570 = arith.addf %get3A_193, %mul3A_569 : vector<16xf32>
      %swap3A_571 = arith.index_cast %add3A_530 : i32 to index
      %swap3A_572 = arith.constant 64 : index
      %swap3A_573 = tpu.vector_load %arg10[%swap3A_571, %swap3A_572] {strides = array<i32>} : memref<256x128xf32, #tpu.memory_space<vmem>>, vector<1x16xf32>,
      %swap3A_574 = vector.shape_cast %swap3A_573 : vector<1x16xf32> to vector<16xf32>
      %swap3A_575 = vector.shape_cast %add3A_570 : vector<16xf32> to vector<1x16xf32>
      tpu.vector_store %arg10[%swap3A_571, %swap3A_572], %swap3A_575 {strides = array<i32>} : memref<256x128xf32, #tpu.memory_space<vmem>>, vector<1x16xf32>,
      %mul3A_576 = arith.mulf %convert_element_type3A_540, %sub3A_253 : vector<16xf32>
      %add3A_577 = arith.addf %get3A_198, %mul3A_576 : vector<16xf32>
      %swap3A_578 = arith.index_cast %add3A_530 : i32 to index
      %swap3A_579 = arith.constant 80 : index
      %swap3A_580 = tpu.vector_load %arg10[%swap3A_578, %swap3A_579] {strides = array<i32>} : memref<256x128xf32, #tpu.memory_space<vmem>>, vector<1x16xf32>,
      %swap3A_581 = vector.shape_cast %swap3A_580 : vector<1x16xf32> to vector<16xf32>
      %swap3A_582 = vector.shape_cast %add3A_577 : vector<16xf32> to vector<1x16xf32>
      tpu.vector_store %arg10[%swap3A_578, %swap3A_579], %swap3A_582 {strides = array<i32>} : memref<256x128xf32, #tpu.memory_space<vmem>>, vector<1x16xf32>,
      %mul3A_583 = arith.mulf %convert_element_type3A_540, %sub3A_254 : vector<16xf32>
      %add3A_584 = arith.addf %get3A_203, %mul3A_583 : vector<16xf32>
      %swap3A_585 = arith.index_cast %add3A_530 : i32 to index
      %swap3A_586 = arith.constant 96 : index
      %swap3A_587 = tpu.vector_load %arg10[%swap3A_585, %swap3A_586] {strides = array<i32>} : memref<256x128xf32, #tpu.memory_space<vmem>>, vector<1x16xf32>,
      %swap3A_588 = vector.shape_cast %swap3A_587 : vector<1x16xf32> to vector<16xf32>
      %swap3A_589 = vector.shape_cast %add3A_584 : vector<16xf32> to vector<1x16xf32>
      tpu.vector_store %arg10[%swap3A_585, %swap3A_586], %swap3A_589 {strides = array<i32>} : memref<256x128xf32, #tpu.memory_space<vmem>>, vector<1x16xf32>,
      %mul3A_590 = arith.mulf %convert_element_type3A_540, %sub3A_255 : vector<16xf32>
      %add3A_591 = arith.addf %get3A_208, %mul3A_590 : vector<16xf32>
      %swap3A_592 = arith.index_cast %add3A_530 : i32 to index
      %swap3A_593 = arith.constant 112 : index
      %swap3A_594 = tpu.vector_load %arg10[%swap3A_592, %swap3A_593] {strides = array<i32>} : memref<256x128xf32, #tpu.memory_space<vmem>>, vector<1x16xf32>,
      %swap3A_595 = vector.shape_cast %swap3A_594 : vector<1x16xf32> to vector<16xf32>
      %swap3A_596 = vector.shape_cast %add3A_591 : vector<16xf32> to vector<1x16xf32>
      tpu.vector_store %arg10[%swap3A_592, %swap3A_593], %swap3A_596 {strides = array<i32>} : memref<256x128xf32, #tpu.memory_space<vmem>>, vector<1x16xf32>,
      %mul3A_597 = arith.constant 4 : i32
      %mul3A_598 = arith.muli %scan3A_379, %mul3A_597 : i32
      %add3A_599 = arith.constant 192 : i32
      %add3A_600 = arith.addi %add3A_599, %mul3A_598 : i32
      %add3A_601 = arith.constant 3 : i32
      %add3A_602 = arith.addi %add3A_600, %add3A_601 : i32
      %add3A_603 = vector.broadcast %add3A_602 : i32 to vector<16xi32>
      %add3A_604 = arith.addi %mul3A_262, %add3A_603 : vector<16xi32>
      %ge3A_605 = vector.broadcast %min3A : i32 to vector<16xi32>
      %ge3A_606 = arith.cmpi sge, %add3A_604, %ge3A_605 : vector<16xi32>
      %jit3A_607 = arith.constant 1 : i32
      %jit3A_608 = arith.constant 0 : i32
      %broadcast_in_dim3A_609 = vector.broadcast %jit3A_607 : i32 to vector<16xi32>
      %broadcast_in_dim3A_610 = vector.broadcast %jit3A_608 : i32 to vector<16xi32>
      %select_n3A_611 = arith.select %ge3A_606, %broadcast_in_dim3A_609, %broadcast_in_dim3A_610 : vector<16xi1>, vector<16xi32>
      %convert_element_type3A_612 = arith.sitofp %select_n3A_611 : vector<16xi32> to vector<16xf32>
      %mul3A_613 = arith.mulf %convert_element_type3A_612, %sub3A : vector<16xf32>
      %add3A_614 = arith.addf %get3A_173, %mul3A_613 : vector<16xf32>
      %swap3A_615 = arith.index_cast %add3A_602 : i32 to index
      %swap3A_616 = arith.constant 0 : index
      %swap3A_617 = tpu.vector_load %arg10[%swap3A_615, %swap3A_616] {strides = array<i32>} : memref<256x128xf32, #tpu.memory_space<vmem>>, vector<1x16xf32>,
      %swap3A_618 = vector.shape_cast %swap3A_617 : vector<1x16xf32> to vector<16xf32>
      %swap3A_619 = vector.shape_cast %add3A_614 : vector<16xf32> to vector<1x16xf32>
      tpu.vector_store %arg10[%swap3A_615, %swap3A_616], %swap3A_619 {strides = array<i32>} : memref<256x128xf32, #tpu.memory_space<vmem>>, vector<1x16xf32>,
      %mul3A_620 = arith.mulf %convert_element_type3A_612, %sub3A_249 : vector<16xf32>
      %add3A_621 = arith.addf %get3A_178, %mul3A_620 : vector<16xf32>
      %swap3A_622 = arith.index_cast %add3A_602 : i32 to index
      %swap3A_623 = arith.constant 16 : index
      %swap3A_624 = tpu.vector_load %arg10[%swap3A_622, %swap3A_623] {strides = array<i32>} : memref<256x128xf32, #tpu.memory_space<vmem>>, vector<1x16xf32>,
      %swap3A_625 = vector.shape_cast %swap3A_624 : vector<1x16xf32> to vector<16xf32>
      %swap3A_626 = vector.shape_cast %add3A_621 : vector<16xf32> to vector<1x16xf32>
      tpu.vector_store %arg10[%swap3A_622, %swap3A_623], %swap3A_626 {strides = array<i32>} : memref<256x128xf32, #tpu.memory_space<vmem>>, vector<1x16xf32>,
      %mul3A_627 = arith.mulf %convert_element_type3A_612, %sub3A_250 : vector<16xf32>
      %add3A_628 = arith.addf %get3A_183, %mul3A_627 : vector<16xf32>
      %swap3A_629 = arith.index_cast %add3A_602 : i32 to index
      %swap3A_630 = arith.constant 32 : index
      %swap3A_631 = tpu.vector_load %arg10[%swap3A_629, %swap3A_630] {strides = array<i32>} : memref<256x128xf32, #tpu.memory_space<vmem>>, vector<1x16xf32>,
      %swap3A_632 = vector.shape_cast %swap3A_631 : vector<1x16xf32> to vector<16xf32>
      %swap3A_633 = vector.shape_cast %add3A_628 : vector<16xf32> to vector<1x16xf32>
      tpu.vector_store %arg10[%swap3A_629, %swap3A_630], %swap3A_633 {strides = array<i32>} : memref<256x128xf32, #tpu.memory_space<vmem>>, vector<1x16xf32>,
      %mul3A_634 = arith.mulf %convert_element_type3A_612, %sub3A_251 : vector<16xf32>
      %add3A_635 = arith.addf %get3A_188, %mul3A_634 : vector<16xf32>
      %swap3A_636 = arith.index_cast %add3A_602 : i32 to index
      %swap3A_637 = arith.constant 48 : index
      %swap3A_638 = tpu.vector_load %arg10[%swap3A_636, %swap3A_637] {strides = array<i32>} : memref<256x128xf32, #tpu.memory_space<vmem>>, vector<1x16xf32>,
      %swap3A_639 = vector.shape_cast %swap3A_638 : vector<1x16xf32> to vector<16xf32>
      %swap3A_640 = vector.shape_cast %add3A_635 : vector<16xf32> to vector<1x16xf32>
      tpu.vector_store %arg10[%swap3A_636, %swap3A_637], %swap3A_640 {strides = array<i32>} : memref<256x128xf32, #tpu.memory_space<vmem>>, vector<1x16xf32>,
      %mul3A_641 = arith.mulf %convert_element_type3A_612, %sub3A_252 : vector<16xf32>
      %add3A_642 = arith.addf %get3A_193, %mul3A_641 : vector<16xf32>
      %swap3A_643 = arith.index_cast %add3A_602 : i32 to index
      %swap3A_644 = arith.constant 64 : index
      %swap3A_645 = tpu.vector_load %arg10[%swap3A_643, %swap3A_644] {strides = array<i32>} : memref<256x128xf32, #tpu.memory_space<vmem>>, vector<1x16xf32>,
      %swap3A_646 = vector.shape_cast %swap3A_645 : vector<1x16xf32> to vector<16xf32>
      %swap3A_647 = vector.shape_cast %add3A_642 : vector<16xf32> to vector<1x16xf32>
      tpu.vector_store %arg10[%swap3A_643, %swap3A_644], %swap3A_647 {strides = array<i32>} : memref<256x128xf32, #tpu.memory_space<vmem>>, vector<1x16xf32>,
      %mul3A_648 = arith.mulf %convert_element_type3A_612, %sub3A_253 : vector<16xf32>
      %add3A_649 = arith.addf %get3A_198, %mul3A_648 : vector<16xf32>
      %swap3A_650 = arith.index_cast %add3A_602 : i32 to index
      %swap3A_651 = arith.constant 80 : index
      %swap3A_652 = tpu.vector_load %arg10[%swap3A_650, %swap3A_651] {strides = array<i32>} : memref<256x128xf32, #tpu.memory_space<vmem>>, vector<1x16xf32>,
      %swap3A_653 = vector.shape_cast %swap3A_652 : vector<1x16xf32> to vector<16xf32>
      %swap3A_654 = vector.shape_cast %add3A_649 : vector<16xf32> to vector<1x16xf32>
      tpu.vector_store %arg10[%swap3A_650, %swap3A_651], %swap3A_654 {strides = array<i32>} : memref<256x128xf32, #tpu.memory_space<vmem>>, vector<1x16xf32>,
      %mul3A_655 = arith.mulf %convert_element_type3A_612, %sub3A_254 : vector<16xf32>
      %add3A_656 = arith.addf %get3A_203, %mul3A_655 : vector<16xf32>
      %swap3A_657 = arith.index_cast %add3A_602 : i32 to index
      %swap3A_658 = arith.constant 96 : index
      %swap3A_659 = tpu.vector_load %arg10[%swap3A_657, %swap3A_658] {strides = array<i32>} : memref<256x128xf32, #tpu.memory_space<vmem>>, vector<1x16xf32>,
      %swap3A_660 = vector.shape_cast %swap3A_659 : vector<1x16xf32> to vector<16xf32>
      %swap3A_661 = vector.shape_cast %add3A_656 : vector<16xf32> to vector<1x16xf32>
      tpu.vector_store %arg10[%swap3A_657, %swap3A_658], %swap3A_661 {strides = array<i32>} : memref<256x128xf32, #tpu.memory_space<vmem>>, vector<1x16xf32>,
      %mul3A_662 = arith.mulf %convert_element_type3A_612, %sub3A_255 : vector<16xf32>
      %add3A_663 = arith.addf %get3A_208, %mul3A_662 : vector<16xf32>
      %swap3A_664 = arith.index_cast %add3A_602 : i32 to index
      %swap3A_665 = arith.constant 112 : index
      %swap3A_666 = tpu.vector_load %arg10[%swap3A_664, %swap3A_665] {strides = array<i32>} : memref<256x128xf32, #tpu.memory_space<vmem>>, vector<1x16xf32>,
      %swap3A_667 = vector.shape_cast %swap3A_666 : vector<1x16xf32> to vector<16xf32>
      %swap3A_668 = vector.shape_cast %add3A_663 : vector<16xf32> to vector<1x16xf32>
      tpu.vector_store %arg10[%swap3A_664, %swap3A_665], %swap3A_668 {strides = array<i32>} : memref<256x128xf32, #tpu.memory_space<vmem>>, vector<1x16xf32>,
      %scan3A_669 = arith.constant 0 : i32
      scf.yield %scan3A_669 : i32
    }
    %scan3A_326 = arith.constant 16 : i32
    %add3A_327 = arith.constant 192 : i32
    %add3A_328 = arith.addi %mul3A_2, %add3A_327 : i32
    %dma_start3A_329 = arith.constant 192 : i32
    %dma_start3A_330 = arith.constant 0 : i32
    %dma_start3A_331 = tpu.memref_slice %arg10[%dma_start3A_329, %dma_start3A_330] : memref<256x128xf32, #tpu.memory_space<vmem>> -> memref<64x128xf32, #tpu.memory_space<vmem>>
    %dma_start3A_332 = arith.constant 0 : i32
    %dma_start3A_333 = tpu.memref_slice %arg4[%add3A_328, %dma_start3A_332] : memref<8192x128xf32, #tpu.memory_space<hbm>> -> memref<64x128xf32, #tpu.memory_space<hbm>>
    %dma_start3A_334 = arith.constant 0 : i32
    %dma_start3A_335 = tpu.memref_slice %arg4[%add3A_328, %dma_start3A_334] : memref<8192x128xf32, #tpu.memory_space<hbm>> -> memref<64x128xf32, #tpu.memory_space<hbm>>
    %dma_start3A_336 = arith.constant 192 : i32
    %dma_start3A_337 = arith.constant 0 : i32
    %dma_start3A_338 = tpu.memref_slice %arg10[%dma_start3A_336, %dma_start3A_337] : memref<256x128xf32, #tpu.memory_space<vmem>> -> memref<64x128xf32, #tpu.memory_space<vmem>>
    tpu.enqueue_dma source(%dma_start3A_338 : memref<64x128xf32, #tpu.memory_space<vmem>>) target(%dma_start3A_335 : memref<64x128xf32, #tpu.memory_space<hbm>>) target_semaphore(%arg12 : memref<!tpu.dma_semaphore, #tpu.memory_space<semaphore_mem>>)
    %dma_wait3A_339 = arith.constant 0 : i32
    %dma_wait3A_340 = arith.constant 0 : i32
    %dma_wait3A_341 = tpu.memref_slice %arg10[%dma_wait3A_339, %dma_wait3A_340] : memref<256x128xf32, #tpu.memory_space<vmem>> -> memref<64x128xf32, #tpu.memory_space<vmem>>
    %dma_wait3A_342 = arith.constant 0 : i32
    %dma_wait3A_343 = tpu.memref_slice %arg4[%add3A_271, %dma_wait3A_342] : memref<8192x128xf32, #tpu.memory_space<hbm>> -> memref<64x128xf32, #tpu.memory_space<hbm>>
    %dma_wait3A_344 = arith.constant 0 : i32
    %dma_wait3A_345 = tpu.memref_slice %arg4[%add3A_271, %dma_wait3A_344] : memref<8192x128xf32, #tpu.memory_space<hbm>> -> memref<64x128xf32, #tpu.memory_space<hbm>>
    %dma_wait3A_346 = arith.constant 0 : i32
    %dma_wait3A_347 = arith.constant 0 : i32
    %dma_wait3A_348 = tpu.memref_slice %arg10[%dma_wait3A_346, %dma_wait3A_347] : memref<256x128xf32, #tpu.memory_space<vmem>> -> memref<64x128xf32, #tpu.memory_space<vmem>>
    tpu.wait_dma2 semaphore(%arg12 : memref<!tpu.dma_semaphore, #tpu.memory_space<semaphore_mem>>) src(%dma_wait3A_348 : memref<64x128xf32, #tpu.memory_space<vmem>>) dst(%dma_wait3A_345 : memref<64x128xf32, #tpu.memory_space<hbm>>)
    %dma_wait3A_349 = arith.constant 64 : i32
    %dma_wait3A_350 = arith.constant 0 : i32
    %dma_wait3A_351 = tpu.memref_slice %arg10[%dma_wait3A_349, %dma_wait3A_350] : memref<256x128xf32, #tpu.memory_space<vmem>> -> memref<64x128xf32, #tpu.memory_space<vmem>>
    %dma_wait3A_352 = arith.constant 0 : i32
    %dma_wait3A_353 = tpu.memref_slice %arg4[%add3A_290, %dma_wait3A_352] : memref<8192x128xf32, #tpu.memory_space<hbm>> -> memref<64x128xf32, #tpu.memory_space<hbm>>
    %dma_wait3A_354 = arith.constant 0 : i32
    %dma_wait3A_355 = tpu.memref_slice %arg4[%add3A_290, %dma_wait3A_354] : memref<8192x128xf32, #tpu.memory_space<hbm>> -> memref<64x128xf32, #tpu.memory_space<hbm>>
    %dma_wait3A_356 = arith.constant 64 : i32
    %dma_wait3A_357 = arith.constant 0 : i32
    %dma_wait3A_358 = tpu.memref_slice %arg10[%dma_wait3A_356, %dma_wait3A_357] : memref<256x128xf32, #tpu.memory_space<vmem>> -> memref<64x128xf32, #tpu.memory_space<vmem>>
    tpu.wait_dma2 semaphore(%arg12 : memref<!tpu.dma_semaphore, #tpu.memory_space<semaphore_mem>>) src(%dma_wait3A_358 : memref<64x128xf32, #tpu.memory_space<vmem>>) dst(%dma_wait3A_355 : memref<64x128xf32, #tpu.memory_space<hbm>>)
    %dma_wait3A_359 = arith.constant 128 : i32
    %dma_wait3A_360 = arith.constant 0 : i32
    %dma_wait3A_361 = tpu.memref_slice %arg10[%dma_wait3A_359, %dma_wait3A_360] : memref<256x128xf32, #tpu.memory_space<vmem>> -> memref<64x128xf32, #tpu.memory_space<vmem>>
    %dma_wait3A_362 = arith.constant 0 : i32
    %dma_wait3A_363 = tpu.memref_slice %arg4[%add3A_309, %dma_wait3A_362] : memref<8192x128xf32, #tpu.memory_space<hbm>> -> memref<64x128xf32, #tpu.memory_space<hbm>>
    %dma_wait3A_364 = arith.constant 0 : i32
    %dma_wait3A_365 = tpu.memref_slice %arg4[%add3A_309, %dma_wait3A_364] : memref<8192x128xf32, #tpu.memory_space<hbm>> -> memref<64x128xf32, #tpu.memory_space<hbm>>
    %dma_wait3A_366 = arith.constant 128 : i32
    %dma_wait3A_367 = arith.constant 0 : i32
    %dma_wait3A_368 = tpu.memref_slice %arg10[%dma_wait3A_366, %dma_wait3A_367] : memref<256x128xf32, #tpu.memory_space<vmem>> -> memref<64x128xf32, #tpu.memory_space<vmem>>
    tpu.wait_dma2 semaphore(%arg12 : memref<!tpu.dma_semaphore, #tpu.memory_space<semaphore_mem>>) src(%dma_wait3A_368 : memref<64x128xf32, #tpu.memory_space<vmem>>) dst(%dma_wait3A_365 : memref<64x128xf32, #tpu.memory_space<hbm>>)
    %dma_wait3A_369 = arith.constant 192 : i32
    %dma_wait3A_370 = arith.constant 0 : i32
    %dma_wait3A_371 = tpu.memref_slice %arg10[%dma_wait3A_369, %dma_wait3A_370] : memref<256x128xf32, #tpu.memory_space<vmem>> -> memref<64x128xf32, #tpu.memory_space<vmem>>
    %dma_wait3A_372 = arith.constant 0 : i32
    %dma_wait3A_373 = tpu.memref_slice %arg4[%add3A_328, %dma_wait3A_372] : memref<8192x128xf32, #tpu.memory_space<hbm>> -> memref<64x128xf32, #tpu.memory_space<hbm>>
    %dma_wait3A_374 = arith.constant 0 : i32
    %dma_wait3A_375 = tpu.memref_slice %arg4[%add3A_328, %dma_wait3A_374] : memref<8192x128xf32, #tpu.memory_space<hbm>> -> memref<64x128xf32, #tpu.memory_space<hbm>>
    %dma_wait3A_376 = arith.constant 192 : i32
    %dma_wait3A_377 = arith.constant 0 : i32
    %dma_wait3A_378 = tpu.memref_slice %arg10[%dma_wait3A_376, %dma_wait3A_377] : memref<256x128xf32, #tpu.memory_space<vmem>> -> memref<64x128xf32, #tpu.memory_space<vmem>>
    tpu.wait_dma2 semaphore(%arg12 : memref<!tpu.dma_semaphore, #tpu.memory_space<semaphore_mem>>) src(%dma_wait3A_378 : memref<64x128xf32, #tpu.memory_space<vmem>>) dst(%dma_wait3A_375 : memref<64x128xf32, #tpu.memory_space<hbm>>)
    return
  }
}

</mosaic_0001>

<sc_bundles>
// kernel: kernel.3.cloned.1.call-start
scs
__scs_entry_jumppad:
0x0: {  	(pc) =	sbr.rel $0x88, $3  }
0x1: {  	(tag) =	ssettag $0x0;
	lr =	simm.s32 $0x1  }
0x2: {  	[smem:$0x3F9F] =	sst lr;
	_ =	strace $0xD0000000  }
0x3: {  	_ = 	snop  }
0x4: {  	_ = 	snop  }
0x5: {  	_ = 	snop  }
0x6: {  	_ = 	snop  }
0x7: {  	_ = 	snop  }
__scs_overlays_trampoline_lowered:
0x8: {  	[smem:$0x3FAE] =	sst s0  }
0x9: {  	[smem:$0x3FAF] =	sst s1  }
0xa: {  	[smem:$0x3FB0] =	sst s2  }
0xb: {  	[smem:$0x3FB1] =	sst s3  }
0xc: {  	[smem:$0x3FB2] =	sst s4  }
0xd: {  	[smem:$0x3FB3] =	sst s5  }
0xe: {  	[smem:$0x3FB4] =	sst s6  }
0xf: {  	[smem:$0x3FB5] =	sst s7  }
0x10: {  	[smem:$0x3FB6] =	sst s8  }
0x11: {  	[smem:$0x3FB7] =	sst s9;
	s0 =	simm.s32 @!p0 $0x0  }
0x12: {  	s1 =	sld [smem:$0x3F9D];
	s0 =	simm.s32 @p0 $0x1  }
0x13: {  	[smem:$0x3FB8] =	sst s0;
	s0 =	simm.s32 @!p1 $0x0  }
0x14: {  	s2 =	sld [smem:$0x3F9C];
	s0 =	simm.s32 @p1 $0x1  }
0x15: {  	[smem:$0x3FB9] =	sst s0;
	s0 =	simm.s32 @!p2 $0x0  }
0x16: {  	s3 =	sld [smem:$0x3FDB];
	s0 =	simm.s32 @p2 $0x1  }
0x17: {  	s4 =	simm.s32 $0x1BF5;
	[smem:$0x3FBB] =	sst s0  }
0x18: {  	s0 =	sld [smem:$0x3F9E];
	_ =	swait.ge [sflag:s4], $0x0  }
0x19: {  	s7 =	sld [smem:$0x3F9F]  }
0x1a: {  	s8 =	sadd.s32 $0xFFFFE003, lr  }
0x1b: {  	s9 =	sadd.s32 $0xFFFFFEF7, lr;
	s5 =	simm.s32 $0xFFFFFFFF;
	p2 =	slt.u32 s8, $0xFFFFF086  }
0x1c: {  	p1 =	slt.u32 s9, $0xF7A;
	s5 =	simm.s32 @!p2 $0x0  }
0x1d: {  	s5 =	simm.s32 @p1 $0x1;
	p0 =	seq.s32 s7, s2  }
0x1e: {  	s7 =	smul.u32 @!p0 $0xF7A, s2;
	p2 =	seq.s32 @!p0 s5, $0x0  }
0x1f: {  	s9 =	smul.u32 $0xF7A, s1;
	s8 =	simm.s32 @!p0 $0x1BF5;
	p2 =	por !p2, p0  }
0x20: {  	[sflag:s8] =	ssyncset.s32 @!p0 $0xFFFFF086;
	s6 =	sadd.s32 @!p0 s3, s7;
	s7 =	simm.s32 @!p0 $0x108  }
0x21: {  	s3 =	sadd.s32 s3, s9;
	s6 =	sadd.s32 @!p0 $0x88, s6;
	s7 =	simm.s32 @p2 $0x1082  }
0x22: {  	[simem:s7], [sflag:s8] =	dma.local @!p0 [hbm:s6], $0xF7A  }
0x23: {  	s9 =	sor.u32 $0xD0000000, s2;
	s6 =	simm.s32 $0x108;
	_ =	swait.ge @!p0 [sflag:s8], $0x0  }
0x24: {  	s3 =	sadd.s32 $0x88, s3;
	s6 =	simm.s32 @!p1 $0x1082;
	[sflag:s4] =	ssyncset.s32 $0xFFFFF086  }
0x25: {  	[simem:s6], [sflag:s4] =	dma.local [hbm:s3], $0xF7A  }
0x26: {  	[smem:$0x3F9F] =	sst s1;
	(tag) =	ssettag s2;
	_ =	strace s9  }
0x27: {  	s1 =	sld [smem:$0x3FAF]  }
0x28: {  	s2 =	sld [smem:$0x3FB0]  }
0x29: {  	s4 =	sld [smem:$0x3FB2]  }
0x2a: {  	p0 =	seq.s32 s5, $0x0;
	s5 =	sld [smem:$0x3FB3]  }
0x2b: {  	s6 =	sld [smem:$0x3FB4]  }
0x2c: {  	s7 =	sld [smem:$0x3FB5]  }
0x2d: {  	s3 =	simm.s32 $0x108;
	s8 =	sld [smem:$0x3FB6]  }
0x2e: {  	s3 =	simm.s32 @!p0 $0x1082;
	s9 =	sld [smem:$0x3FB7]  }
0x2f: {  	lr =	sadd.s32 s0, s3;
	s0 =	sld [smem:$0x3FAE]  }
0x30: {  	s3 =	sld [smem:$0x3FB1]  }
0x31: {  	[smem:$0x3FBA] =	sst s10  }
0x32: {  	s10 =	sld [smem:$0x3FB8];
	_ =	sdelay $0x3  }
0x33: {  	p0 =	seq.s32 s10, $0x1;
	s10 =	sld [smem:$0x3FBA];
	_ =	sdelay $0x3  }
0x34: {  	[smem:$0x3FBA] =	sst s10  }
0x35: {  	s10 =	sld [smem:$0x3FB9];
	_ =	sdelay $0x3  }
0x36: {  	p1 =	seq.s32 s10, $0x1;
	s10 =	sld [smem:$0x3FBA];
	_ =	sdelay $0x3  }
0x37: {  	[smem:$0x3FBA] =	sst s10  }
0x38: {  	s10 =	sld [smem:$0x3FBB]  }
0x39: {  	_ = 	snop;
	(pc) =	sbr.ind lr, $3  }
0x3a: {  	_ = 	snop  }
0x3b: {  	_ = 	snop  }
0x3c: {  	p2 =	seq.s32 s10, $0x1;
	s10 =	sld [smem:$0x3FBA]  }
0x3d: {  	_ =	shalt  }
0x3e: {  	_ =	shalt  }
0x3f: {  	_ =	shalt  }
0x40: {  	_ =	shalt  }
0x41: {  	_ =	shalt  }
0x42: {  	_ =	shalt  }
0x43: {  	_ =	shalt  }
0x44: {  	_ =	shalt  }
0x45: {  	_ =	shalt  }
0x46: {  	_ =	shalt  }
0x47: {  	_ =	shalt  }
0x48: {  	_ =	shalt  }
0x49: {  	_ =	shalt  }
0x4a: {  	_ =	shalt  }
0x4b: {  	_ =	shalt  }
0x4c: {  	_ =	shalt  }
0x4d: {  	_ =	shalt  }
0x4e: {  	_ =	shalt  }
0x4f: {  	_ =	shalt  }
0x50: {  	_ =	shalt  }
0x51: {  	_ =	shalt  }
0x52: {  	_ =	shalt  }
0x53: {  	_ =	shalt  }
0x54: {  	_ =	shalt  }
0x55: {  	_ =	shalt  }
0x56: {  	_ =	shalt  }
0x57: {  	_ =	shalt  }
0x58: {  	_ =	shalt  }
0x59: {  	_ =	shalt  }
0x5a: {  	_ =	shalt  }
0x5b: {  	_ =	shalt  }
0x5c: {  	_ =	shalt  }
0x5d: {  	_ =	shalt  }
0x5e: {  	_ =	shalt  }
0x5f: {  	_ =	shalt  }
0x60: {  	_ =	shalt  }
0x61: {  	_ =	shalt  }
0x62: {  	_ =	shalt  }
0x63: {  	_ =	shalt  }
0x64: {  	_ =	shalt  }
0x65: {  	_ =	shalt  }
0x66: {  	_ =	shalt  }
0x67: {  	_ =	shalt  }
0x68: {  	_ =	shalt  }
0x69: {  	_ =	shalt  }
0x6a: {  	_ =	shalt  }
0x6b: {  	_ =	shalt  }
0x6c: {  	_ =	shalt  }
0x6d: {  	_ =	shalt  }
0x6e: {  	_ =	shalt  }
0x6f: {  	_ =	shalt  }
0x70: {  	_ =	shalt  }
0x71: {  	_ =	shalt  }
0x72: {  	_ =	shalt  }
0x73: {  	_ =	shalt  }
0x74: {  	_ =	shalt  }
0x75: {  	_ =	shalt  }
0x76: {  	_ =	shalt  }
0x77: {  	_ =	shalt  }
0x78: {  	_ =	shalt  }
0x79: {  	_ =	shalt  }
0x7a: {  	_ =	shalt  }
0x7b: {  	_ =	shalt  }
0x7c: {  	_ =	shalt  }
0x7d: {  	_ =	shalt  }
0x7e: {  	_ =	shalt  }
0x7f: {  	_ =	shalt  }
0x80: {  	_ =	shalt  }
0x81: {  	_ =	shalt  }
0x82: {  	_ =	shalt  }
0x83: {  	_ =	shalt  }
0x84: {  	_ =	shalt  }
0x85: {  	_ =	shalt  }
0x86: {  	_ =	shalt  }
0x87: {  	_ =	shalt  }
.Lfunc_end0:
.L_simem_size_0:
called_computation_lowered:
.L_overlay_start_0:
0x88: {  	s2 =	sld [smem:$0x3FD9]  }
0x89: {  	s3 =	sld [smem:$0x3FFE];
	_ =	sdelay $0x1  }
0x8a: {  	s1 =	srdreg.scid  }
0x8b: {  	s0 =	sand.u32 $0x1, s1  }
0x8c: {  	s17 =	sshll.u32 s0, $0xA;
	s2 =	sadd.s32 s3, s2  }
0x8d: {  	s2 =	sadd.s32 s2, s17  }
0x8e: {  	[smem:$0x3FC6] =	sst s2  }
0x8f: {  	_ = 	snop  }
0x90: {  	s2 =	sld [smem:$0x3FC9]  }
0x91: {  	s18 =	sld [smem:$0x3FC8]  }
0x92: {  	s4 =	sld [smem:$0x3FD0];
	(tm) =	ssettm $0x1  }
0x93: {  	s5 =	sld [smem:$0x3FFB];
	_ =	sdelay $0x3  }
0x94: {  	_ =	strace s5  }
0x95: {  	s5 =	sld [smem:$0x3FFC];
	_ =	sdelay $0x3  }
0x96: {  	_ =	strace s5  }
0x97: {  	s5 =	sld [smem:$0x3FFD];
	_ =	sdelay $0x3  }
0x98: {  	_ =	strace s5  }
0x99: {  	_ =	strace $0x8FFFFFFF  }
0x9a: {  	s19 =	sld [smem:$0x3FDB];
	_ =	sdelay $0x1  }
0x9b: {  	s6 =	simm.s32 $_scs_section_size  }
0x9c: {  	s7 =	simm.s32 $_size__tile_overlayer_lowered;
	s8 =	simm.s32 $_tile_overlayer_lowered  }
0x9d: {  	s22 =	simm.s32 $0x1BFF;
	s21 =	sshll.u32 s8, $0x1;
	s5 =	sadd.s32 s6, s19  }
0x9e: {  	s9 =	simm.s32 $0x0;
	s20 =	sshll.u32 s7, $0x1;
	s7 =	sadd.s32 s21, s5  }
0x9f: {  	[timem:s9], [sflag:s22] =	dma.local [hbm:s7], s20  }
0xa0: {  	_ =	swait.ge [sflag:s22], s20  }
0xa1: {  	s6 =	ssub.s32 $0x0, s20;
	[sflag:s22] =	ssyncset.done $0x0  }
0xa2: {  	[sflag:s22] =	ssyncadd.s32 s6;
	_ =	sdelay $0x1  }
0xa3: {  	s23 =	simm.s32 $0x1B8B  }
0xa4: {  	_ =	swait.ge [sflag:s23], $0x1  }
0xa5: {  	[sflag:s23] =	ssyncset.done $0x0  }
0xa6: {  	s25 =	simm.s32 $0x1B8E;
	s24 =	sld [smem:$0x3FFE];
	[sflag:s23] =	ssyncadd.s32 $0xFFFFFFFF  }
0xa7: {  	s26 =	simm.s32 $execute0_lowered;
	[smem:$0x3FD2] =	sst s25  }
0xa8: {  	s7 =	sshll.u32 s26, $0x1;
	_ =	strace $0x80000046;
	[dreg:$0x1] =	wrdreg $0xFFFFFFFF  }
0xa9: {  	s28 =	simm.s32 $_size_execute0_lowered;
	s5 =	sadd.s32 s5, s7;
	[dreg:$0x0] =	wrdreg $0x0  }
0xaa: {  	s7 =	sshll.u32 s28, $0x1;
	[dreg:$0x2] =	wrdreg s5  }
0xab: {  	[dreg:$0x3] =	wrdreg s7  }
0xac: {  	[dreg:$0x4] =	wrdreg $0xC0  }
0xad: {  	_ =	task [dreg:s9], $0x5FFFF  }
0xae: {  	[dreg:$0x1] =	wrdreg $0xFFFFFFFF  }
0xaf: {  	[dreg:$0x0] =	wrdreg $0x60  }
0xb0: {  	[dreg:$0x2] =	wrdreg s2  }
0xb1: {  	[dreg:$0x3] =	wrdreg s18  }
0xb2: {  	[dreg:$0x4] =	wrdreg s4  }
0xb3: {  	[dreg:$0x5] =	wrdreg s24  }
0xb4: {  	[dreg:$0x6] =	wrdreg $0x9  }
0xb5: {  	_ =	task.clear_ibuf [dreg:s9], $0x7FFFF;
	_ =	strace $0x90000046  }
0xb6: {  	s29 =	simm.s32 $0x9;
	_ =	strace $0x80000048  }
0xb7: {  	_ =	swait.ge [sflag:s29], $0x1  }
0xb8: {  	[sflag:s29] =	ssyncadd.s32 $0xFFFFFFFF  }
0xb9: {  	_ =	strace $0x90000048  }
0xba: {  	_ =	sfence  }
0xbb: {  	s30 =	sld [smem:$0x0];
	_ =	sdelay $0x2  }
0xbc: {  	s31 =	sshll.u32 s1, $0xD;
	s1 =	sshrl.u32 s1, $0x2  }
0xbd: {  	s3 =	sand.u32 $0x4000, s31;
	s1 =	sadd.s32 s1, s30  }
0xbe: {  	s0 =	sor.u32 s3, s0;
	s1 =	sshll.u32 s1, $0x11  }
0xbf: {  	s0 =	sor.u32 s1, s0  }
0xc0: {  	s0 =	sadd.s32 $0x8F2B, s0  }
0xc1: {  	[sflag:s0] =	ssyncadd.remote.s32 $0x1  }
0xc2: {  	_ =	sfence.sel $0xFFFF  }
0xc3: {  	[dreg:$0x0] =	wrdreg $0xFFFFFFFF;
	(pc) =	sbr.abs _section_cstart, $3  }
0xc4: {  	[dreg:$0x1] =	wrdreg $0xFFFFFFFF  }
0xc5: {  	_ =	task.clear_ibuf [dreg:s9], $0x2FFFF;
	_ =	strace $0x9FFFFFFF  }
0xc6: {  	(tm) =	ssettm $0x7FFFFFFF  }
0xc7: {  	_ =	shalt  }
tec
execute0_lowered:
.L_overlay_start_1:
0x0: {  	(tag) =	ssettag $0x1  }
0x1: {  	s6 =	rddreg [dreg:$0x0]  }
0x2: {  	s1 =	rddreg [dreg:$0x1]  }
0x3: {  	s8 =	rddreg [dreg:$0x2]  }
0x4: {  	s9 =	rddreg [dreg:$0x3]  }
0x5: {  	s3 =	srdreg.scid;
	s0 =	rddreg [dreg:$0x4]  }
0x6: {  	s2 =	simm.s32 $0x0;
	s14 =	simm.s32 $0x2;
	s15 =	simm.s32 $0x1  }
0x7: {  	s16 =	simm.s32 $0x300;
	s18 =	simm.s32 $0xB80;
	s19 =	simm.s32 $0x2B80  }
0x8: {  	s21 =	simm.s32 $0x6B80;
	s22 =	simm.s32 $0x0;
	s10 =	sand.u32 $0x1, s3  }
0x9: {  	[smem:$0x7FF] =	sst s2;
	s4 =	sadd.s32 $0x800, s9;
	s3 =	stileid.u32  }
0xa: {  	s17 =	sadd.s32 $0x900, s9;
	s5 =	ssub.s32 $0x2, s10;
	_ =	strace $0x80000047  }
0xb: {  	s20 =	sshll.u32 s3, $0x9;
	s30 =	sshll.u32 s10, $0x8;
	s11 =	sshll.u32 s3, $0x4  }
0xc: {  	s13 =	sshll.u32 s3, $0x6;
	p0 =	seq.s32 s10, $0x1;
	s7 =	sshrl.u32 s5, $0x1  }
0xd: {  	s11 =	sadd.s32 s4, s11;
	s6 =	sadd.s32 s6, s13;
	s13 =	simm.s32 $0x200  }
0xe: {  	s4 =	smov.u32 @p0 s17;
	s12 =	ssub.s32 s5, s7;
	s5 =	sor.u32 s30, s20  }
0xf: {  	v0 =	vlaneseq.u32;
	s17 =	simm.s32 $0x380;
	s7 =	sadd.s32 s30, s11;
	s31 =	sshll.u32 s5, $0x4  }
0x10: {  	v0 =	vor.u32 s20, v0;
	s20 =	simm.s32 $0x4B80;
	s12 =	smax.u32 s12, $0x1;
	s8 =	sadd.s32 s8, s31  }
0x11: {  	vm0 =	vmxor vm0, vm0;
	v1 =	vimm.s32 $0x0;
	s9 =	sadd.s32 $0x400, s8;
	s10 =	sadd.s32 $0x800, s8;
	s11 =	sadd.s32 $0xC00, s8  }
.LBB2_1:
0x12: {  	[tilespmem:s2], [sflag:$0x1] =	stream.linear.gather [hbm4b:s6+s2], $0x200, $0x38;
	[tilespmem:$0x8B80] =	vst v63  }
0x13: {  	_ = 	snop  }
0x14: {  	[tilespmem:s13], [sflag:$0x2] =	stream.linear.gather [hbm4b:s1+s2], $0x100, $0x38;
	[tilespmem:$0x8B80] =	vst v63  }
0x15: {  	_ =	swait.ge [sflag:s14], $0x100  }
0x16: {  	[sflag:s14] =	ssyncset.done $0x0  }
0x17: {  	[sflag:s14] =	ssyncadd.s32 $0xFFFFFF00  }
0x18: {  	_ =	swait.ge [sflag:s15], $0x200  }
0x19: {  	[sflag:s15] =	ssyncset.done $0x0  }
0x1a: {  	s23 =	simm.s32 $0x0;
	[sflag:s15] =	ssyncadd.s32 $0xFFFFFE00  }
0x1b: {  	v2 =	vld [tilespmem:s23+$0x0];
	_ =	sdelay $0x1  }
0x1c: {  	v3 =	vld [tilespmem:s23+$0x10];
	_ =	sdelay $0x1  }
0x1d: {  	v4 =	vld [tilespmem:s23+$0x20]  }
0x1e: {  	vm1 =	veq.s32 v2, $0x66  }
0x1f: {  	v6 =	vld [tilespmem:s23+$0x30];
	v2 =	vimm.s32 $0xFFFFFFFF;
	v5 =	vnsel vm1, $0xFFFFFFFF, v0  }
0x20: {  	v7 =	vadd.s32 $0x10, v0;
	vm2 =	veq.s32 v3, $0x66;
	vm1 =	vgt.s32 v2, v5  }
0x21: {  	v3 =	vnsel vm2, $0xFFFFFFFF, v7;
	v2 =	vsel vm1, v2, v5;
	v5 =	vld [tilespmem:s23+$0x40]  }
0x22: {  	v7 =	vadd.s32 $0x20, v0;
	vm2 =	veq.s32 v4, $0x66;
	vm1 =	vgt.s32 v2, v3  }
0x23: {  	v8 =	vld [tilespmem:s23+$0x50];
	v2 =	vsel vm1, v2, v3;
	v3 =	vnsel vm2, $0xFFFFFFFF, v7  }
0x24: {  	v4 =	vadd.s32 $0x30, v0;
	vm2 =	veq.s32 v6, $0x66;
	vm1 =	vgt.s32 v2, v3  }
0x25: {  	v2 =	vsel vm1, v2, v3;
	v3 =	vnsel vm2, $0xFFFFFFFF, v4;
	v4 =	vld [tilespmem:s23+$0x60]  }
0x26: {  	v6 =	vadd.s32 $0x40, v0;
	vm1 =	vgt.s32 v2, v3;
	vm2 =	veq.s32 v5, $0x66  }
0x27: {  	v5 =	vsel vm1, v2, v3;
	v6 =	vnsel vm2, $0xFFFFFFFF, v6;
	v3 =	vld [tilespmem:s23+$0x70]  }
0x28: {  	s24 =	simm.s32 $0x400;
	v7 =	vadd.s32 $0x50, v0;
	s23 =	simm.s32 $0x80;
	vm2 =	veq.s32 v8, $0x66;
	vm1 =	vgt.s32 v5, v6;
	v2 =	vmovc v0  }
.LBB2_2:
0x29: {  	p0 =	sne.s32 s24, $0x600;
	v8 =	vld [tilespmem:s23+$0x0];
	v5 =	vsel vm1, v5, v6;
	v6 =	vnsel vm2, $0xFFFFFFFF, v7  }
0x2a: {  	v7 =	vadd.s32 $0x60, v2;
	vm1 =	vgt.s32 v5, v6;
	vm2 =	veq.s32 v4, $0x66  }
0x2b: {  	v4 =	vld [tilespmem:s23+$0x10];
	v5 =	vsel vm1, v5, v6;
	v6 =	vnsel vm2, $0xFFFFFFFF, v7  }
0x2c: {  	v7 =	vadd.s32 $0x70, v2;
	vm1 =	vgt.s32 v5, v6;
	vm2 =	veq.s32 v3, $0x66  }
0x2d: {  	v3 =	vld [tilespmem:s23+$0x20];
	v5 =	vsel vm1, v5, v6;
	v6 =	vnsel vm2, $0xFFFFFFFF, v7  }
0x2e: {  	v2 =	vadd.s32 $0x80, v2;
	vm1 =	veq.s32 v8, $0x66;
	vm2 =	vgt.s32 v5, v6  }
0x2f: {  	v7 =	vnsel vm1, $0xFFFFFFFF, v2;
	v8 =	vld [tilespmem:s23+$0x30];
	v5 =	vsel vm2, v5, v6  }
0x30: {  	v6 =	vadd.s32 $0x10, v2;
	vm1 =	vgt.s32 v5, v7;
	vm2 =	veq.s32 v4, $0x66  }
0x31: {  	v4 =	vsel vm1, v5, v7;
	v5 =	vnsel vm2, $0xFFFFFFFF, v6;
	v6 =	vld [tilespmem:s23+$0x40]  }
0x32: {  	v7 =	vadd.s32 $0x20, v2;
	vm1 =	vgt.s32 v4, v5;
	vm2 =	veq.s32 v3, $0x66  }
0x33: {  	v3 =	vsel vm1, v4, v5;
	v4 =	vnsel vm2, $0xFFFFFFFF, v7;
	v9 =	vld [tilespmem:s23+$0x50]  }
.Ltmp0:
0x34: {  	v5 =	vadd.s32 $0x30, v2;
	vm1 =	vgt.s32 v3, v4;
	vm2 =	veq.s32 v8, $0x66;
	(pc) =	sbr.rel @p0 .LBB2_2-.Ltmp0, $4  }
0x35: {  	v3 =	vsel vm1, v3, v4;
	v5 =	vnsel vm2, $0xFFFFFFFF, v5;
	v4 =	vld [tilespmem:s23+$0x60]  }
0x36: {  	v7 =	vadd.s32 $0x40, v2;
	vm1 =	vgt.s32 v3, v5;
	vm2 =	veq.s32 v6, $0x66  }
0x37: {  	v5 =	vsel vm1, v3, v5;
	v6 =	vnsel vm2, $0xFFFFFFFF, v7;
	v3 =	vld [tilespmem:s23+$0x70]  }
0x38: {  	s23 =	sshra.s32 s24, $0x2;
	s24 =	sadd.s32 $0x200, s24;
	v7 =	vadd.s32 $0x50, v2;
	vm1 =	vgt.s32 v5, v6;
	vm2 =	veq.s32 v9, $0x66  }
0x39: {  	v8 =	vld [tilespmem:s23+$0x0];
	v5 =	vsel vm1, v5, v6;
	v6 =	vnsel vm2, $0xFFFFFFFF, v7  }
0x3a: {  	v7 =	vadd.s32 $0x60, v2;
	vm1 =	vgt.s32 v5, v6;
	vm2 =	veq.s32 v4, $0x66  }
0x3b: {  	v4 =	vld [tilespmem:s23+$0x10];
	v5 =	vsel vm1, v5, v6;
	v6 =	vnsel vm2, $0xFFFFFFFF, v7  }
0x3c: {  	v7 =	vadd.s32 $0x70, v2;
	vm1 =	vgt.s32 v5, v6;
	vm2 =	veq.s32 v3, $0x66  }
0x3d: {  	v3 =	vld [tilespmem:s23+$0x20];
	v5 =	vsel vm1, v5, v6;
	v6 =	vnsel vm2, $0xFFFFFFFF, v7  }
0x3e: {  	v2 =	vadd.s32 $0x80, v2;
	vm1 =	veq.s32 v8, $0x66;
	vm2 =	vgt.s32 v5, v6  }
0x3f: {  	v8 =	vld [tilespmem:s23+$0x30];
	v7 =	vnsel vm1, $0xFFFFFFFF, v2;
	v5 =	vsel vm2, v5, v6  }
0x40: {  	v6 =	vadd.s32 $0x10, v2;
	vm2 =	veq.s32 v4, $0x66;
	vm1 =	vgt.s32 v5, v7  }
0x41: {  	v4 =	vsel vm1, v5, v7;
	v5 =	vnsel vm2, $0xFFFFFFFF, v6;
	v6 =	vld [tilespmem:s23+$0x40]  }
0x42: {  	v7 =	vadd.s32 $0x20, v2;
	vm2 =	veq.s32 v3, $0x66;
	vm1 =	vgt.s32 v4, v5  }
0x43: {  	v3 =	vsel vm1, v4, v5;
	v4 =	vnsel vm2, $0xFFFFFFFF, v7;
	v5 =	vld [tilespmem:s23+$0x50]  }
0x44: {  	v7 =	vadd.s32 $0x30, v2;
	vm2 =	veq.s32 v8, $0x66;
	vm1 =	vgt.s32 v3, v4  }
0x45: {  	v3 =	vsel vm1, v3, v4;
	v4 =	vnsel vm2, $0xFFFFFFFF, v7;
	v7 =	vld [tilespmem:s23+$0x60]  }
0x46: {  	v8 =	vadd.s32 $0x40, v2;
	vm1 =	vgt.s32 v3, v4;
	vm2 =	veq.s32 v6, $0x66  }
0x47: {  	v6 =	vld [tilespmem:s23+$0x70];
	v3 =	vsel vm1, v3, v4;
	v4 =	vnsel vm2, $0xFFFFFFFF, v8  }
0x48: {  	v8 =	vadd.s32 $0x50, v2;
	vm1 =	vgt.s32 v3, v4;
	vm2 =	veq.s32 v5, $0x66  }
0x49: {  	v3 =	vsel vm1, v3, v4;
	v4 =	vnsel vm2, $0xFFFFFFFF, v8  }
0x4a: {  	v5 =	vadd.s32 $0x60, v2;
	vm1 =	vgt.s32 v3, v4;
	vm2 =	veq.s32 v7, $0x66  }
0x4b: {  	v3 =	vsel vm1, v3, v4;
	v4 =	vnsel vm2, $0xFFFFFFFF, v5  }
0x4c: {  	v2 =	vadd.s32 $0x70, v2;
	vm2 =	veq.s32 v6, $0x66;
	vm1 =	vgt.s32 v3, v4  }
0x4d: {  	v2 =	vnsel vm2, $0xFFFFFFFF, v2;
	v3 =	vsel vm1, v3, v4  }
0x4e: {  	vm1 =	vgt.s32 v3, v2  }
0x4f: {  	v2 =	vsel vm1, v3, v2  }
0x50: {  	[tilespmem:$0x300] =	vst v2  }
0x51: {  	[hbm4b:s7+s2] =	stream.linear.scatter [tilespmem:s16], [sflag:$0x2], $0x80, $0x38;
	[tilespmem:$0x8B80] =	vst v63  }
0x52: {  	_ =	swait.ge [sflag:s14], $0x80  }
0x53: {  	[sflag:s14] =	ssyncset.done $0x0  }
0x54: {  	[sflag:s14] =	ssyncadd.s32 $0xFFFFFF80  }
0x55: {  	s31 =	simm.s32 $0x0;
	[bflag:$0x0] =	sbarrier.arrive $0xFFFF  }
0x56: {  	[tilespmem:s17], [sflag:$0x2] =	stream.linear.gather [hbm4b:s4+s31], $0x800, $0x38;
	[tilespmem:$0x8B80] =	vst v63  }
0x57: {  	_ =	swait.ge [sflag:s14], $0x800  }
0x58: {  	[sflag:s14] =	ssyncset.done $0x0  }
0x59: {  	[sflag:s14] =	ssyncadd.s32 $0xFFFFF800  }
0x5a: {  	v2 =	vld [tilespmem:$0x380]  }
0x5b: {  	v3 =	vld [tilespmem:$0x400];
	_ =	sdelay $0x1  }
0x5c: {  	v4 =	vld [tilespmem:$0x480];
	_ =	sdelay $0x1  }
0x5d: {  	v5 =	vld [tilespmem:$0x500]  }
0x5e: {  	vm1 =	vgt.s32 v2, v3  }
0x5f: {  	v2 =	vsel vm1, v2, v3;
	v3 =	vld [tilespmem:$0x580]  }
0x60: {  	vm1 =	vgt.s32 v2, v4  }
0x61: {  	v2 =	vsel vm1, v2, v4;
	v4 =	vld [tilespmem:$0x600]  }
0x62: {  	vm1 =	vgt.s32 v2, v5  }
0x63: {  	v2 =	vsel vm1, v2, v5;
	v5 =	vld [tilespmem:$0x680]  }
0x64: {  	vm1 =	vgt.s32 v2, v3  }
0x65: {  	v2 =	vsel vm1, v2, v3;
	v3 =	vld [tilespmem:$0x700]  }
0x66: {  	vm1 =	vgt.s32 v2, v4  }
0x67: {  	v2 =	vsel vm1, v2, v4;
	v4 =	vld [tilespmem:$0x780]  }
0x68: {  	vm1 =	vgt.s32 v2, v5  }
0x69: {  	v2 =	vsel vm1, v2, v5;
	v5 =	vld [tilespmem:$0x800]  }
0x6a: {  	vm1 =	vgt.s32 v2, v3  }
0x6b: {  	v2 =	vsel vm1, v2, v3;
	v3 =	vld [tilespmem:$0x880]  }
0x6c: {  	vm1 =	vgt.s32 v2, v4  }
0x6d: {  	v2 =	vsel vm1, v2, v4;
	v4 =	vld [tilespmem:$0x900]  }
0x6e: {  	vm1 =	vgt.s32 v2, v5  }
0x6f: {  	v2 =	vsel vm1, v2, v5;
	v5 =	vld [tilespmem:$0x980]  }
0x70: {  	vm1 =	vgt.s32 v2, v3  }
0x71: {  	v2 =	vsel vm1, v2, v3;
	v3 =	vld [tilespmem:$0xA00]  }
0x72: {  	vm1 =	vgt.s32 v2, v4  }
0x73: {  	v2 =	vsel vm1, v2, v4;
	v4 =	vld [tilespmem:$0xA80]  }
0x74: {  	vm1 =	vgt.s32 v2, v5  }
0x75: {  	v2 =	vsel vm1, v2, v5;
	v5 =	vld [tilespmem:$0xB00]  }
0x76: {  	vm1 =	vgt.s32 v2, v3  }
0x77: {  	v2 =	vsel vm1, v2, v3  }
0x78: {  	vm1 =	vgt.s32 v2, v4  }
0x79: {  	v2 =	vsel vm1, v2, v4  }
0x7a: {  	vm1 =	vgt.s32 v2, v5  }
0x7b: {  	v2 =	vsel vm1, v2, v5  }
0x7c: {  	(v2sf) =	vpush v2, $0x0  }
0x7d: {  	(v2sf) =	vpush v2, $0x1;
	_ =	sdelay $0x1  }
0x7e: {  	(v2sf) =	vpush v2, $0x2;
	_ =	sdelay $0x1  }
0x7f: {  	(v2sf) =	vpush v2, $0x3;
	_ =	sdelay $0x1  }
0x80: {  	(v2sf) =	vpush v2, $0x4;
	_ =	sdelay $0x1  }
0x81: {  	(v2sf) =	vpush v2, $0x5;
	_ =	sdelay $0x1  }
0x82: {  	(v2sf) =	vpush v2, $0x6;
	_ =	sdelay $0x1  }
0x83: {  	(v2sf) =	vpush v2, $0x7;
	_ =	sdelay $0x1  }
0x84: {  	s23 =	spop (v2sf);
	(v2sf) =	vpush v2, $0x8  }
0x85: {  	s24 =	spop (v2sf)  }
0x86: {  	(v2sf) =	vpush v2, $0x9;
	p0 =	sgt.s32 s23, s24  }
0x87: {  	s24 =	smov.u32 @p0 s23;
	s23 =	spop (v2sf)  }
0x88: {  	(v2sf) =	vpush v2, $0xA;
	p0 =	sgt.s32 s24, s23  }
0x89: {  	s23 =	smov.u32 @p0 s24;
	s24 =	spop (v2sf)  }
0x8a: {  	(v2sf) =	vpush v2, $0xB;
	p0 =	sgt.s32 s23, s24  }
0x8b: {  	s24 =	smov.u32 @p0 s23;
	s23 =	spop (v2sf)  }
0x8c: {  	(v2sf) =	vpush v2, $0xC;
	p0 =	sgt.s32 s24, s23  }
0x8d: {  	s23 =	smov.u32 @p0 s24;
	s24 =	spop (v2sf)  }
0x8e: {  	(v2sf) =	vpush v2, $0xD;
	p0 =	sgt.s32 s23, s24  }
0x8f: {  	s24 =	smov.u32 @p0 s23;
	s23 =	spop (v2sf)  }
0x90: {  	(v2sf) =	vpush v2, $0xE;
	p0 =	sgt.s32 s24, s23  }
0x91: {  	s23 =	smov.u32 @p0 s24;
	s24 =	spop (v2sf)  }
0x92: {  	(v2sf) =	vpush v2, $0xF;
	p0 =	sgt.s32 s23, s24  }
0x93: {  	s25 =	spop (v2sf);
	s24 =	smov.u32 @p0 s23  }
0x94: {  	p0 =	sgt.s32 s24, s25  }
0x95: {  	s23 =	spop (v2sf);
	s25 =	smov.u32 @p0 s24  }
0x96: {  	p0 =	sgt.s32 s25, s23  }
0x97: {  	s24 =	spop (v2sf);
	s23 =	smov.u32 @p0 s25  }
0x98: {  	p0 =	sgt.s32 s23, s24  }
0x99: {  	s25 =	spop (v2sf);
	s24 =	smov.u32 @p0 s23  }
0x9a: {  	p0 =	sgt.s32 s24, s25  }
0x9b: {  	s23 =	spop (v2sf);
	s25 =	smov.u32 @p0 s24  }
0x9c: {  	p0 =	sgt.s32 s25, s23  }
0x9d: {  	s24 =	spop (v2sf);
	s23 =	smov.u32 @p0 s25  }
0x9e: {  	v8 =	vld [tilespmem:$0x200];
	p0 =	sgt.s32 s23, s24  }
0x9f: {  	v9 =	vld [tilespmem:$0x210];
	s25 =	spop (v2sf);
	s24 =	smov.u32 @p0 s23  }
0xa0: {  	v6 =	vld [tilespmem:$0x220];
	p0 =	sgt.s32 s24, s25  }
0xa1: {  	v7 =	vld [tilespmem:$0x230];
	s23 =	spop (v2sf);
	s25 =	smov.u32 @p0 s24  }
0xa2: {  	v10 =	vld [tilespmem:$0x2F0];
	p0 =	sgt.s32 s25, s23  }
0xa3: {  	v11 =	vld [tilespmem:$0x280];
	s23 =	smov.u32 @p0 s25  }
0xa4: {  	v12 =	vld [tilespmem:$0x290];
	p0 =	sgt.s32 s23, $0xFFFFFFFF  }
0xa5: {  	v13 =	vld [tilespmem:$0x2A0];
	s23 =	simm.s32 @!p0 $0x2000  }
0xa6: {  	v4 =	vld [tilespmem:$0x270];
	s23 =	ssub.s32 s23, s5  }
0xa7: {  	v16 =	vld [tilespmem:$0x2B0];
	p0 =	sgt.s32 s23, $0x0  }
0xa8: {  	v17 =	vld [tilespmem:$0x2C0];
	s23 =	simm.s32 @!p0 $0x0  }
0xa9: {  	v18 =	vld [tilespmem:$0x2D0];
	s23 =	smin.u32 s23, $0x100  }
0xaa: {  	v20 =	vld [tilespmem:$0x2E0];
	vm1 =	vmmov vm0;
	p0 =	sle.s32 s23, $0x3  }
0xab: {  	vm2 =	vmmov vm0;
	v5 =	vld [tilespmem:$0x240];
	v10 =	vsub.f32 v10, v4;
	vm1 =	vmneg @p0 vm1;
	p0 =	sle.s32 s23, $0x1  }
0xac: {  	v11 =	vsub.f32 v11, v8;
	v2 =	vld [tilespmem:$0x250];
	vm2 =	vmneg @p0 vm2;
	v19 =	vsel vm1, $0x3F800000, v1  }
0xad: {  	v14 =	vsub.f32 v12, v9;
	v3 =	vld [tilespmem:$0x260];
	v21 =	vsel vm2, $0x3F800000, v1;
	v22 =	vmul.f32 v19, v10  }
0xae: {  	v15 =	vsub.f32 v13, v6;
	v23 =	vmul.f32 v21, v11  }
0xaf: {  	v12 =	vsub.f32 v16, v7;
	v24 =	vmul.f32 v21, v14;
	v22 =	vadd.f32 v22, v4  }
0xb0: {  	v13 =	vsub.f32 v17, v5;
	s24 =	simm.s32 $0xC80;
	v25 =	vmul.f32 v21, v15;
	v23 =	vadd.f32 v23, v8  }
0xb1: {  	v16 =	vsub.f32 v18, v2;
	v18 =	vmul.f32 v21, v12;
	v24 =	vadd.f32 v24, v9;
	[tilespmem:s24+$0xF0] =	vst v22  }
0xb2: {  	v17 =	vsub.f32 v20, v3;
	v20 =	vadd.f32 v25, v6;
	v22 =	vmul.f32 v21, v13;
	[tilespmem:s24+$0xFFFFFF80] =	vst v23  }
0xb3: {  	p0 =	sle.s32 s23, $0x2;
	vm1 =	vmmov vm0;
	v18 =	vadd.f32 v18, v7;
	[tilespmem:s24+$0xFFFFFF90] =	vst v24;
	v23 =	vmul.f32 v21, v16  }
0xb4: {  	vm1 =	vmneg @p0 vm1;
	[tilespmem:s24+$0xFFFFFFA0] =	vst v20;
	v20 =	vadd.f32 v22, v5;
	v22 =	vmul.f32 v21, v17  }
0xb5: {  	[tilespmem:s24+$0xFFFFFFB0] =	vst v18;
	v21 =	vmul.f32 v21, v10;
	v18 =	vadd.f32 v23, v2;
	v23 =	vsel vm1, $0x3F800000, v1  }
0xb6: {  	[tilespmem:s24+$0xFFFFFFC0] =	vst v20;
	v20 =	vadd.f32 v22, v3;
	v22 =	vmul.f32 v23, v11  }
0xb7: {  	[tilespmem:s24+$0xFFFFFFD0] =	vst v18;
	v18 =	vadd.f32 v21, v4;
	v21 =	vmul.f32 v23, v14  }
0xb8: {  	[tilespmem:s24+$0xFFFFFFE0] =	vst v20;
	v20 =	vadd.f32 v22, v8;
	v22 =	vmul.f32 v23, v15  }
0xb9: {  	[tilespmem:s24+$0xFFFFFFF0] =	vst v18;
	v18 =	vadd.f32 v21, v9;
	v21 =	vmul.f32 v23, v12  }
0xba: {  	[tilespmem:s24+$0x0] =	vst v20;
	v20 =	vadd.f32 v22, v6;
	v22 =	vmul.f32 v23, v13  }
0xbb: {  	[tilespmem:s24+$0x10] =	vst v18;
	v18 =	vadd.f32 v21, v7;
	v21 =	vmul.f32 v23, v16  }
0xbc: {  	[tilespmem:s24+$0x20] =	vst v20;
	v20 =	vadd.f32 v22, v5;
	v22 =	vmul.f32 v23, v17  }
0xbd: {  	v25 =	vmul.f32 v19, v13;
	[tilespmem:s24+$0x30] =	vst v18;
	v18 =	vadd.f32 v21, v2;
	v21 =	vmul.f32 v23, v10  }
0xbe: {  	v24 =	vmul.f32 v19, v15;
	v23 =	vmul.f32 v19, v11;
	[tilespmem:s24+$0x40] =	vst v20;
	v20 =	vadd.f32 v22, v3  }
0xbf: {  	p0 =	sle.s32 s23, $0x0;
	vm1 =	vmmov vm0;
	v22 =	vmul.f32 v19, v14;
	[tilespmem:s24+$0x50] =	vst v18;
	v18 =	vadd.f32 v21, v4  }
0xc0: {  	vm1 =	vmneg @p0 vm1;
	v21 =	vmul.f32 v19, v12;
	v23 =	vadd.f32 v23, v8;
	[tilespmem:s24+$0x60] =	vst v20  }
0xc1: {  	v20 =	vmul.f32 v19, v16;
	v22 =	vadd.f32 v22, v9;
	[tilespmem:s24+$0x70] =	vst v18;
	v18 =	vmul.f32 v19, v17  }
0xc2: {  	v19 =	vadd.f32 v24, v6;
	v24 =	vsel vm1, $0x3F800000, v1;
	[tilespmem:s24+$0x80] =	vst v23;
	v21 =	vadd.f32 v21, v7  }
0xc3: {  	v23 =	vadd.f32 v25, v5;
	vm1 =	vmmov vm0;
	v26 =	vmul.f32 v24, v11;
	[tilespmem:s24+$0x90] =	vst v22  }
0xc4: {  	p0 =	sle.s32 s23, $0x5;
	v22 =	vadd.f32 v20, v2;
	v27 =	vmul.f32 v24, v14;
	v28 =	vmul.f32 v24, v15;
	[tilespmem:s24+$0xA0] =	vst v19  }
0xc5: {  	v30 =	vmul.f32 v24, v12;
	v20 =	vmul.f32 v24, v13;
	vm1 =	vmneg @p0 vm1;
	[tilespmem:s24+$0xB0] =	vst v21  }
0xc6: {  	v25 =	vmul.f32 v24, v16;
	v29 =	vadd.f32 v18, v3;
	v19 =	vmul.f32 v24, v17;
	[tilespmem:s24+$0xC0] =	vst v23  }
0xc7: {  	v18 =	vsel vm1, $0x3F800000, v1;
	v24 =	vmul.f32 v24, v10;
	v26 =	vadd.f32 v26, v8;
	[tilespmem:s24+$0xD0] =	vst v22  }
0xc8: {  	v23 =	vmul.f32 v18, v11;
	v21 =	vmul.f32 v18, v14;
	v27 =	vadd.f32 v27, v9;
	[tilespmem:s24+$0xE0] =	vst v29  }
0xc9: {  	s28 =	simm.s32 $0x7;
	s26 =	simm.s32 $0x8;
	s25 =	simm.s32 $0x4;
	v22 =	vmul.f32 v18, v15;
	v28 =	vadd.f32 v28, v6;
	[tilespmem:s24+$0xFFFFFF00] =	vst v26;
	v26 =	vadd.f32 v30, v7  }
.LBB2_4:
0xca: {  	v29 =	vmul.f32 v18, v12  }
0xcb: {  	p0 =	sne.s32 s26, $0x3C;
	p1 =	sge.s32 s28, s23;
	[tilespmem:s24+$0xFFFFFF10] =	vst v27;
	v20 =	vadd.f32 v20, v5;
	v25 =	vadd.f32 v25, v2;
	vm1 =	vmmov vm0  }
0xcc: {  	v19 =	vadd.f32 v19, v3;
	v24 =	vadd.f32 v24, v4;
	vm1 =	vmneg @p1 vm1;
	[tilespmem:s24+$0xFFFFFF20] =	vst v28  }
0xcd: {  	v23 =	vadd.f32 v23, v8;
	v21 =	vadd.f32 v21, v9;
	v27 =	vsel vm1, $0x3F800000, v1;
	[tilespmem:s24+$0xFFFFFF30] =	vst v26  }
0xce: {  	v22 =	vadd.f32 v22, v6;
	v26 =	vmul.f32 v27, v11;
	v28 =	vmul.f32 v27, v10;
	[tilespmem:s24+$0xFFFFFF40] =	vst v20  }
0xcf: {  	v20 =	vadd.f32 v29, v7;
	v29 =	vmul.f32 v27, v14;
	v30 =	vmul.f32 v27, v15;
	[tilespmem:s24+$0xFFFFFF50] =	vst v25  }
0xd0: {  	v31 =	vmul.f32 v27, v13;
	v25 =	vmul.f32 v27, v12;
	v28 =	vadd.f32 v28, v4;
	[tilespmem:s24+$0xFFFFFF60] =	vst v19  }
0xd1: {  	v19 =	vadd.f32 v26, v8;
	v26 =	vmul.f32 v27, v16;
	v27 =	vmul.f32 v27, v17;
	[tilespmem:s24+$0xFFFFFF70] =	vst v24;
	s24 =	sadd.s32 $0x200, s24  }
0xd2: {  	vm1 =	vmmov vm0;
	v24 =	vadd.f32 v29, v9;
	v29 =	vadd.f32 v30, v6;
	[tilespmem:s24+$0xF0] =	vst v28  }
0xd3: {  	s28 =	sadd.s32 $0x2, s25;
	v25 =	vadd.f32 v25, v7;
	v28 =	vadd.f32 v31, v5;
	[tilespmem:s24+$0xFFFFFF80] =	vst v23;
	v23 =	vmul.f32 v18, v13  }
0xd4: {  	p1 =	sge.s32 s28, s23;
	v26 =	vadd.f32 v26, v2;
	v30 =	vadd.f32 v27, v3;
	[tilespmem:s24+$0xFFFFFF90] =	vst v21;
	v21 =	vmul.f32 v18, v16  }
0xd5: {  	vm1 =	vmneg @p1 vm1;
	[tilespmem:s24+$0xFFFFFFA0] =	vst v22;
	v22 =	vadd.f32 v23, v5;
	v23 =	vmul.f32 v18, v17  }
0xd6: {  	v18 =	vmul.f32 v18, v10;
	[tilespmem:s24+$0xFFFFFFB0] =	vst v20;
	v20 =	vadd.f32 v21, v2;
	v21 =	vsel vm1, $0x3F800000, v1  }
0xd7: {  	[tilespmem:s24+$0xFFFFFFC0] =	vst v22;
	v22 =	vadd.f32 v23, v3;
	v23 =	vmul.f32 v21, v11  }
0xd8: {  	v18 =	vadd.f32 v18, v4;
	[tilespmem:s24+$0xFFFFFFD0] =	vst v20;
	v20 =	vmul.f32 v21, v14  }
0xd9: {  	[tilespmem:s24+$0xFFFFFFE0] =	vst v22;
	v22 =	vadd.f32 v23, v8;
	v23 =	vmul.f32 v21, v15  }
0xda: {  	[tilespmem:s24+$0xFFFFFFF0] =	vst v18;
	v18 =	vadd.f32 v20, v9;
	v20 =	vmul.f32 v21, v12  }
0xdb: {  	[tilespmem:s24+$0x0] =	vst v22;
	v22 =	vadd.f32 v23, v6;
	v23 =	vmul.f32 v21, v13  }
0xdc: {  	[tilespmem:s24+$0x10] =	vst v18;
	v18 =	vadd.f32 v20, v7;
	v20 =	vmul.f32 v21, v16  }
0xdd: {  	[tilespmem:s24+$0x20] =	vst v22;
	v22 =	vadd.f32 v23, v5;
	v23 =	vmul.f32 v21, v17  }
0xde: {  	[tilespmem:s24+$0x30] =	vst v18;
	v18 =	vadd.f32 v20, v2;
	v20 =	vmul.f32 v21, v10  }
0xdf: {  	[tilespmem:s24+$0x40] =	vst v22;
	v21 =	vadd.f32 v23, v3  }
0xe0: {  	[tilespmem:s24+$0x50] =	vst v18;
	v18 =	vadd.f32 v20, v4  }
0xe1: {  	p1 =	sge.s32 s25, s23;
	s25 =	smov.u32 s26;
	vm1 =	vmmov vm0;
	[tilespmem:s24+$0x60] =	vst v21  }
0xe2: {  	vm1 =	vmneg @p1 vm1;
	[tilespmem:s24+$0x70] =	vst v18  }
0xe3: {  	v21 =	vsel vm1, $0x3F800000, v1;
	[tilespmem:s24+$0x80] =	vst v19  }
0xe4: {  	v22 =	vmul.f32 v21, v11;
	[tilespmem:s24+$0x90] =	vst v24  }
0xe5: {  	s28 =	sadd.s32 $0x1, s26;
	v27 =	vmul.f32 v21, v14;
	v31 =	vmul.f32 v21, v15;
	[tilespmem:s24+$0xA0] =	vst v29  }
.Ltmp1:
0xe6: {  	p1 =	sge.s32 s28, s23;
	vm1 =	vmmov vm0;
	v20 =	vmul.f32 v21, v13;
	v29 =	vmul.f32 v21, v12;
	[tilespmem:s24+$0xB0] =	vst v25;
	(pc) =	sbr.rel @p0 .LBB2_4-.Ltmp1, $4  }
0xe7: {  	vm1 =	vmneg @p1 vm1;
	v19 =	vmul.f32 v21, v17;
	v25 =	vmul.f32 v21, v16;
	[tilespmem:s24+$0xC0] =	vst v28  }
0xe8: {  	v18 =	vsel vm1, $0x3F800000, v1;
	v24 =	vmul.f32 v21, v10;
	v28 =	vadd.f32 v22, v8;
	[tilespmem:s24+$0xD0] =	vst v26  }
0xe9: {  	v23 =	vmul.f32 v18, v11;
	v27 =	vadd.f32 v27, v9;
	v21 =	vmul.f32 v18, v14;
	[tilespmem:s24+$0xE0] =	vst v30  }
0xea: {  	s26 =	sadd.s32 $0x4, s26;
	s28 =	sadd.s32 $0x3, s25;
	v22 =	vmul.f32 v18, v15;
	v26 =	vadd.f32 v29, v7;
	[tilespmem:s24+$0xFFFFFF00] =	vst v28;
	v28 =	vadd.f32 v31, v6  }
0xeb: {  	[tilespmem:s24+$0xFFFFFF10] =	vst v27  }
0xec: {  	v20 =	vadd.f32 v20, v5;
	[tilespmem:s24+$0xFFFFFF20] =	vst v28  }
0xed: {  	v25 =	vadd.f32 v25, v2;
	[tilespmem:s24+$0xFFFFFF30] =	vst v26  }
0xee: {  	v19 =	vadd.f32 v19, v3;
	[tilespmem:s24+$0xFFFFFF40] =	vst v20  }
0xef: {  	v20 =	vadd.f32 v24, v4;
	[tilespmem:s24+$0xFFFFFF50] =	vst v25  }
0xf0: {  	p0 =	sge.s32 s28, s23;
	vm1 =	vmmov vm0;
	[tilespmem:s24+$0xFFFFFF60] =	vst v19;
	v19 =	vadd.f32 v23, v8  }
0xf1: {  	s31 =	sadd.s32 $0x200, s24;
	v21 =	vadd.f32 v21, v9;
	vm1 =	vmneg @p0 vm1;
	[tilespmem:s24+$0xFFFFFF70] =	vst v20;
	v20 =	vmul.f32 v18, v12  }
0xf2: {  	s26 =	sadd.s32 $0x2, s25;
	v22 =	vadd.f32 v22, v6;
	v27 =	vsel vm1, $0x3F800000, v1;
	[tilespmem:s31+$0xFFFFFF80] =	vst v19;
	v19 =	vmul.f32 v18, v13  }
0xf3: {  	p0 =	sge.s32 s26, s23;
	vm1 =	vmmov vm0;
	[tilespmem:s31+$0xFFFFFF90] =	vst v21;
	v21 =	vmul.f32 v18, v16;
	v20 =	vadd.f32 v20, v7  }
0xf4: {  	vm1 =	vmneg @p0 vm1;
	[tilespmem:s31+$0xFFFFFFA0] =	vst v22;
	v22 =	vmul.f32 v18, v17;
	v19 =	vadd.f32 v19, v5  }
0xf5: {  	v18 =	vmul.f32 v18, v10;
	[tilespmem:s31+$0xFFFFFFB0] =	vst v20;
	v20 =	vadd.f32 v21, v2;
	v21 =	vsel vm1, $0x3F800000, v1  }
0xf6: {  	[tilespmem:s31+$0xFFFFFFC0] =	vst v19;
	v19 =	vadd.f32 v22, v3;
	v22 =	vmul.f32 v21, v11  }
0xf7: {  	v18 =	vadd.f32 v18, v4;
	[tilespmem:s31+$0xFFFFFFD0] =	vst v20;
	v20 =	vmul.f32 v21, v14  }
0xf8: {  	[tilespmem:s31+$0xFFFFFFE0] =	vst v19;
	v19 =	vadd.f32 v22, v8;
	v22 =	vmul.f32 v21, v15  }
0xf9: {  	[tilespmem:s31+$0xFFFFFFF0] =	vst v18;
	v18 =	vadd.f32 v20, v9;
	v20 =	vmul.f32 v21, v12  }
0xfa: {  	[tilespmem:s31+$0x0] =	vst v19;
	v19 =	vadd.f32 v22, v6;
	v22 =	vmul.f32 v21, v13  }
0xfb: {  	[tilespmem:s31+$0x10] =	vst v18;
	v18 =	vadd.f32 v20, v7;
	v20 =	vmul.f32 v21, v16  }
0xfc: {  	[tilespmem:s31+$0x20] =	vst v19;
	v19 =	vadd.f32 v22, v5;
	v22 =	vmul.f32 v21, v17  }
0xfd: {  	[tilespmem:s31+$0x30] =	vst v18;
	v18 =	vadd.f32 v20, v2;
	v20 =	vmul.f32 v21, v10  }
0xfe: {  	v21 =	vmul.f32 v27, v11;
	[tilespmem:s31+$0x40] =	vst v19;
	v19 =	vadd.f32 v22, v3  }
0xff: {  	v22 =	vmul.f32 v27, v14;
	[tilespmem:s31+$0x50] =	vst v18;
	v18 =	vadd.f32 v20, v4  }
0x100: {  	v20 =	vmul.f32 v27, v15;
	v21 =	vadd.f32 v21, v8;
	[tilespmem:s31+$0x60] =	vst v19  }
0x101: {  	v19 =	vmul.f32 v27, v12;
	v22 =	vadd.f32 v22, v9;
	[tilespmem:s31+$0x70] =	vst v18  }
0x102: {  	p0 =	sge.s32 s25, s23;
	vm1 =	vmmov vm0;
	v18 =	vmul.f32 v27, v13;
	v20 =	vadd.f32 v20, v6;
	[tilespmem:s31+$0x80] =	vst v21  }
0x103: {  	vm1 =	vmneg @p0 vm1;
	v21 =	vmul.f32 v27, v16;
	v19 =	vadd.f32 v19, v7;
	[tilespmem:s31+$0x90] =	vst v22  }
0x104: {  	v23 =	vsel vm1, $0x3F800000, v1;
	v22 =	vmul.f32 v27, v17;
	v18 =	vadd.f32 v18, v5;
	[tilespmem:s31+$0xA0] =	vst v20  }
0x105: {  	v20 =	vadd.f32 v21, v2;
	v21 =	vmul.f32 v23, v11;
	[tilespmem:s31+$0xB0] =	vst v19  }
0x106: {  	v19 =	vadd.f32 v22, v3;
	v22 =	vmul.f32 v23, v14;
	[tilespmem:s31+$0xC0] =	vst v18  }
0x107: {  	v18 =	vmul.f32 v23, v15;
	v21 =	vadd.f32 v21, v8;
	[tilespmem:s31+$0xD0] =	vst v20  }
0x108: {  	v20 =	vmul.f32 v23, v12;
	v22 =	vadd.f32 v22, v9;
	[tilespmem:s31+$0xE0] =	vst v19  }
0x109: {  	v19 =	vmul.f32 v23, v13;
	[tilespmem:s31+$0xFFFFFF00] =	vst v21;
	v18 =	vadd.f32 v18, v6  }
0x10a: {  	v21 =	vmul.f32 v23, v16;
	v20 =	vadd.f32 v20, v7;
	[tilespmem:s31+$0xFFFFFF10] =	vst v22  }
0x10b: {  	vm2 =	vmmov vm0;
	v22 =	vmul.f32 v23, v17;
	v19 =	vadd.f32 v19, v5;
	[tilespmem:s31+$0xFFFFFF20] =	vst v18  }
0x10c: {  	p0 =	sle.s32 s23, $0x43;
	vm1 =	vmmov vm0;
	v18 =	vmul.f32 v23, v10;
	v21 =	vadd.f32 v21, v2;
	[tilespmem:s31+$0xFFFFFF30] =	vst v20  }
0x10d: {  	v26 =	vmul.f32 v27, v10;
	vm1 =	vmneg @p0 vm1;
	p0 =	sle.s32 s23, $0x41;
	v20 =	vadd.f32 v22, v3;
	[tilespmem:s31+$0xFFFFFF40] =	vst v19  }
0x10e: {  	vm2 =	vmneg @p0 vm2;
	v19 =	vsel vm1, $0x3F800000, v1;
	v18 =	vadd.f32 v18, v4;
	[tilespmem:s31+$0xFFFFFF50] =	vst v21  }
0x10f: {  	v24 =	vadd.f32 v26, v4;
	v21 =	vmul.f32 v19, v10;
	[tilespmem:s31+$0xFFFFFF60] =	vst v20;
	v20 =	vsel vm2, $0x3F800000, v1  }
0x110: {  	[tilespmem:s31+$0xFFFFFF70] =	vst v18;
	v18 =	vmul.f32 v20, v11  }
0x111: {  	s24 =	simm.s32 $0x2D70;
	[tilespmem:s31+$0xF0] =	vst v24;
	v22 =	vmul.f32 v20, v14;
	v21 =	vadd.f32 v21, v4  }
0x112: {  	v23 =	vmul.f32 v20, v15;
	[hbm4b:s8+s2] =	stream.linear.scatter [tilespmem:s18], [sflag:$0x1], $0x2000, $0x38;
	v18 =	vadd.f32 v18, v8;
	[tilespmem:$0x8B80] =	vst v63  }
0x113: {  	v24 =	vmul.f32 v20, v12;
	v22 =	vadd.f32 v22, v9;
	[tilespmem:s24+$0x0] =	vst v21  }
0x114: {  	v21 =	vadd.f32 v23, v6;
	[tilespmem:s24+$0xFFFFFE90] =	vst v18;
	v18 =	vmul.f32 v20, v13  }
0x115: {  	p0 =	sle.s32 s23, $0x42;
	vm1 =	vmmov vm0;
	v23 =	vadd.f32 v24, v7;
	[tilespmem:s24+$0xFFFFFEA0] =	vst v22;
	v22 =	vmul.f32 v20, v16  }
0x116: {  	vm1 =	vmneg @p0 vm1;
	[tilespmem:s24+$0xFFFFFEB0] =	vst v21;
	v21 =	vmul.f32 v20, v17;
	v18 =	vadd.f32 v18, v5  }
0x117: {  	[tilespmem:s24+$0xFFFFFEC0] =	vst v23;
	v20 =	vmul.f32 v20, v10;
	v23 =	vsel vm1, $0x3F800000, v1;
	v22 =	vadd.f32 v22, v2  }
0x118: {  	[tilespmem:s24+$0xFFFFFED0] =	vst v18;
	v18 =	vadd.f32 v21, v3;
	v21 =	vmul.f32 v23, v11  }
0x119: {  	v20 =	vadd.f32 v20, v4;
	[tilespmem:s24+$0xFFFFFEE0] =	vst v22;
	v22 =	vmul.f32 v23, v14  }
0x11a: {  	[tilespmem:s24+$0xFFFFFEF0] =	vst v18;
	v18 =	vadd.f32 v21, v8;
	v21 =	vmul.f32 v23, v15  }
0x11b: {  	[tilespmem:s24+$0xFFFFFF00] =	vst v20;
	v20 =	vadd.f32 v22, v9;
	v22 =	vmul.f32 v23, v12  }
0x11c: {  	[tilespmem:s24+$0xFFFFFF10] =	vst v18;
	v18 =	vadd.f32 v21, v6;
	v21 =	vmul.f32 v23, v13  }
0x11d: {  	[tilespmem:s24+$0xFFFFFF20] =	vst v20;
	v20 =	vadd.f32 v22, v7;
	v22 =	vmul.f32 v23, v16  }
0x11e: {  	[tilespmem:s24+$0xFFFFFF30] =	vst v18;
	v18 =	vadd.f32 v21, v5;
	v21 =	vmul.f32 v23, v17  }
0x11f: {  	v25 =	vmul.f32 v19, v13;
	[tilespmem:s24+$0xFFFFFF40] =	vst v20;
	v20 =	vadd.f32 v22, v2;
	v22 =	vmul.f32 v23, v10  }
0x120: {  	v24 =	vmul.f32 v19, v15;
	v23 =	vmul.f32 v19, v11;
	[tilespmem:s24+$0xFFFFFF50] =	vst v18;
	v18 =	vadd.f32 v21, v3  }
0x121: {  	p0 =	sle.s32 s23, $0x40;
	vm1 =	vmmov vm0;
	v21 =	vmul.f32 v19, v14;
	[tilespmem:s24+$0xFFFFFF60] =	vst v20;
	v20 =	vadd.f32 v22, v4  }
0x122: {  	vm1 =	vmneg @p0 vm1;
	v22 =	vmul.f32 v19, v12;
	v23 =	vadd.f32 v23, v8;
	[tilespmem:s24+$0xFFFFFF70] =	vst v18  }
0x123: {  	v18 =	vmul.f32 v19, v16;
	v21 =	vadd.f32 v21, v9;
	[tilespmem:s24+$0xFFFFFF80] =	vst v20;
	v19 =	vmul.f32 v19, v17  }
0x124: {  	v20 =	vadd.f32 v24, v6;
	v24 =	vsel vm1, $0x3F800000, v1;
	[tilespmem:s24+$0xFFFFFF90] =	vst v23;
	v22 =	vadd.f32 v22, v7  }
0x125: {  	v23 =	vadd.f32 v25, v5;
	v26 =	vmul.f32 v24, v11;
	v27 =	vmul.f32 v24, v14;
	[tilespmem:s24+$0xFFFFFFA0] =	vst v21  }
0x126: {  	p0 =	sle.s32 s23, $0x45;
	vm1 =	vmmov vm0;
	v28 =	vmul.f32 v24, v15;
	v30 =	vmul.f32 v24, v12;
	[tilespmem:s24+$0xFFFFFFB0] =	vst v20  }
0x127: {  	vm1 =	vmneg @p0 vm1;
	v25 =	vmul.f32 v24, v16;
	v21 =	vadd.f32 v18, v2;
	[tilespmem:s24+$0xFFFFFFC0] =	vst v22  }
0x128: {  	v29 =	vadd.f32 v19, v3;
	v20 =	vmul.f32 v24, v13;
	v19 =	vmul.f32 v24, v17;
	[tilespmem:s24+$0xFFFFFFD0] =	vst v23  }
0x129: {  	v18 =	vsel vm1, $0x3F800000, v1;
	v24 =	vmul.f32 v24, v10;
	v26 =	vadd.f32 v26, v8;
	[tilespmem:s24+$0xFFFFFFE0] =	vst v21  }
0x12a: {  	v23 =	vmul.f32 v18, v11;
	v27 =	vadd.f32 v27, v9;
	v22 =	vmul.f32 v18, v15;
	[tilespmem:s24+$0xFFFFFFF0] =	vst v29  }
0x12b: {  	s28 =	simm.s32 $0x47;
	s26 =	simm.s32 $0x48;
	s25 =	simm.s32 $0x44;
	v28 =	vadd.f32 v28, v6;
	v21 =	vmul.f32 v18, v14;
	[tilespmem:s24+$0xFFFFFE10] =	vst v26;
	v26 =	vadd.f32 v30, v7  }
.LBB2_6:
0x12c: {  	v29 =	vmul.f32 v18, v12  }
0x12d: {  	p0 =	sne.s32 s26, $0x7C;
	p1 =	sge.s32 s28, s23;
	[tilespmem:s24+$0xFFFFFE20] =	vst v27;
	v20 =	vadd.f32 v20, v5;
	v25 =	vadd.f32 v25, v2;
	vm1 =	vmmov vm0  }
0x12e: {  	v19 =	vadd.f32 v19, v3;
	v24 =	vadd.f32 v24, v4;
	vm1 =	vmneg @p1 vm1;
	[tilespmem:s24+$0xFFFFFE30] =	vst v28  }
0x12f: {  	v23 =	vadd.f32 v23, v8;
	v21 =	vadd.f32 v21, v9;
	v27 =	vsel vm1, $0x3F800000, v1;
	[tilespmem:s24+$0xFFFFFE40] =	vst v26  }
0x130: {  	v22 =	vadd.f32 v22, v6;
	v26 =	vmul.f32 v27, v11;
	v28 =	vmul.f32 v27, v10;
	[tilespmem:s24+$0xFFFFFE50] =	vst v20  }
0x131: {  	v20 =	vadd.f32 v29, v7;
	v29 =	vmul.f32 v27, v14;
	v30 =	vmul.f32 v27, v15;
	[tilespmem:s24+$0xFFFFFE60] =	vst v25  }
0x132: {  	v31 =	vmul.f32 v27, v13;
	v25 =	vmul.f32 v27, v12;
	v28 =	vadd.f32 v28, v4;
	[tilespmem:s24+$0xFFFFFE70] =	vst v19  }
0x133: {  	v19 =	vadd.f32 v26, v8;
	v26 =	vmul.f32 v27, v16;
	v27 =	vmul.f32 v27, v17;
	[tilespmem:s24+$0xFFFFFE80] =	vst v24;
	s24 =	sadd.s32 $0x200, s24  }
0x134: {  	vm1 =	vmmov vm0;
	v24 =	vadd.f32 v29, v9;
	v29 =	vadd.f32 v30, v6;
	[tilespmem:s24+$0x0] =	vst v28  }
0x135: {  	s28 =	sadd.s32 $0x2, s25;
	v25 =	vadd.f32 v25, v7;
	v28 =	vadd.f32 v31, v5;
	[tilespmem:s24+$0xFFFFFE90] =	vst v23;
	v23 =	vmul.f32 v18, v13  }
0x136: {  	p1 =	sge.s32 s28, s23;
	v26 =	vadd.f32 v26, v2;
	v30 =	vadd.f32 v27, v3;
	[tilespmem:s24+$0xFFFFFEA0] =	vst v21;
	v21 =	vmul.f32 v18, v16  }
0x137: {  	vm1 =	vmneg @p1 vm1;
	[tilespmem:s24+$0xFFFFFEB0] =	vst v22;
	v22 =	vadd.f32 v23, v5;
	v23 =	vmul.f32 v18, v17  }
0x138: {  	v18 =	vmul.f32 v18, v10;
	[tilespmem:s24+$0xFFFFFEC0] =	vst v20;
	v20 =	vadd.f32 v21, v2;
	v21 =	vsel vm1, $0x3F800000, v1  }
0x139: {  	[tilespmem:s24+$0xFFFFFED0] =	vst v22;
	v22 =	vadd.f32 v23, v3;
	v23 =	vmul.f32 v21, v11  }
0x13a: {  	v18 =	vadd.f32 v18, v4;
	[tilespmem:s24+$0xFFFFFEE0] =	vst v20;
	v20 =	vmul.f32 v21, v14  }
0x13b: {  	[tilespmem:s24+$0xFFFFFEF0] =	vst v22;
	v22 =	vadd.f32 v23, v8;
	v23 =	vmul.f32 v21, v15  }
0x13c: {  	[tilespmem:s24+$0xFFFFFF00] =	vst v18;
	v18 =	vadd.f32 v20, v9;
	v20 =	vmul.f32 v21, v12  }
0x13d: {  	[tilespmem:s24+$0xFFFFFF10] =	vst v22;
	v22 =	vadd.f32 v23, v6;
	v23 =	vmul.f32 v21, v13  }
0x13e: {  	[tilespmem:s24+$0xFFFFFF20] =	vst v18;
	v18 =	vadd.f32 v20, v7;
	v20 =	vmul.f32 v21, v16  }
0x13f: {  	[tilespmem:s24+$0xFFFFFF30] =	vst v22;
	v22 =	vadd.f32 v23, v5;
	v23 =	vmul.f32 v21, v17  }
0x140: {  	[tilespmem:s24+$0xFFFFFF40] =	vst v18;
	v18 =	vadd.f32 v20, v2;
	v20 =	vmul.f32 v21, v10  }
0x141: {  	[tilespmem:s24+$0xFFFFFF50] =	vst v22;
	v21 =	vadd.f32 v23, v3  }
0x142: {  	[tilespmem:s24+$0xFFFFFF60] =	vst v18;
	v18 =	vadd.f32 v20, v4  }
0x143: {  	p1 =	sge.s32 s25, s23;
	s25 =	smov.u32 s26;
	vm1 =	vmmov vm0;
	[tilespmem:s24+$0xFFFFFF70] =	vst v21  }
0x144: {  	vm1 =	vmneg @p1 vm1;
	[tilespmem:s24+$0xFFFFFF80] =	vst v18  }
0x145: {  	v21 =	vsel vm1, $0x3F800000, v1;
	[tilespmem:s24+$0xFFFFFF90] =	vst v19  }
0x146: {  	v22 =	vmul.f32 v21, v11;
	[tilespmem:s24+$0xFFFFFFA0] =	vst v24  }
0x147: {  	s28 =	sadd.s32 $0x1, s26;
	v27 =	vmul.f32 v21, v14;
	v31 =	vmul.f32 v21, v15;
	[tilespmem:s24+$0xFFFFFFB0] =	vst v29  }
.Ltmp2:
0x148: {  	p1 =	sge.s32 s28, s23;
	vm1 =	vmmov vm0;
	v20 =	vmul.f32 v21, v13;
	v29 =	vmul.f32 v21, v12;
	[tilespmem:s24+$0xFFFFFFC0] =	vst v25;
	(pc) =	sbr.rel @p0 .LBB2_6-.Ltmp2, $4  }
0x149: {  	vm1 =	vmneg @p1 vm1;
	v19 =	vmul.f32 v21, v17;
	v25 =	vmul.f32 v21, v16;
	[tilespmem:s24+$0xFFFFFFD0] =	vst v28  }
0x14a: {  	v18 =	vsel vm1, $0x3F800000, v1;
	v24 =	vmul.f32 v21, v10;
	v28 =	vadd.f32 v22, v8;
	[tilespmem:s24+$0xFFFFFFE0] =	vst v26  }
0x14b: {  	v23 =	vmul.f32 v18, v11;
	v27 =	vadd.f32 v27, v9;
	v21 =	vmul.f32 v18, v14;
	[tilespmem:s24+$0xFFFFFFF0] =	vst v30  }
0x14c: {  	s26 =	sadd.s32 $0x4, s26;
	s28 =	sadd.s32 $0x3, s25;
	v22 =	vmul.f32 v18, v15;
	v26 =	vadd.f32 v29, v7;
	[tilespmem:s24+$0xFFFFFE10] =	vst v28;
	v28 =	vadd.f32 v31, v6  }
0x14d: {  	[tilespmem:s24+$0xFFFFFE20] =	vst v27  }
0x14e: {  	v20 =	vadd.f32 v20, v5;
	[tilespmem:s24+$0xFFFFFE30] =	vst v28  }
0x14f: {  	v25 =	vadd.f32 v25, v2;
	[tilespmem:s24+$0xFFFFFE40] =	vst v26  }
0x150: {  	p0 =	sge.s32 s28, s23;
	vm1 =	vmmov vm0;
	v19 =	vadd.f32 v19, v3;
	[tilespmem:s24+$0xFFFFFE50] =	vst v20  }
0x151: {  	vm1 =	vmneg @p0 vm1;
	v20 =	vadd.f32 v24, v4;
	[tilespmem:s24+$0xFFFFFE60] =	vst v25  }
0x152: {  	v27 =	vsel vm1, $0x3F800000, v1;
	[tilespmem:s24+$0xFFFFFE70] =	vst v19;
	v19 =	vadd.f32 v23, v8  }
0x153: {  	s31 =	sadd.s32 $0x200, s24;
	v21 =	vadd.f32 v21, v9;
	v26 =	vmul.f32 v27, v10;
	[tilespmem:s24+$0xFFFFFE80] =	vst v20  }
0x154: {  	v22 =	vadd.f32 v22, v6;
	v20 =	vmul.f32 v18, v12;
	[tilespmem:s31+$0xFFFFFE90] =	vst v19  }
0x155: {  	s26 =	sadd.s32 $0x2, s25;
	v24 =	vadd.f32 v26, v4;
	v19 =	vmul.f32 v18, v13;
	[tilespmem:s31+$0xFFFFFEA0] =	vst v21  }
0x156: {  	p0 =	sge.s32 s26, s23;
	vm1 =	vmmov vm0;
	v21 =	vmul.f32 v18, v16;
	[tilespmem:s31+$0xFFFFFEB0] =	vst v22;
	v20 =	vadd.f32 v20, v7  }
0x157: {  	vm1 =	vmneg @p0 vm1;
	v22 =	vmul.f32 v18, v17;
	[tilespmem:s31+$0x0] =	vst v24;
	v19 =	vadd.f32 v19, v5  }
0x158: {  	v18 =	vmul.f32 v18, v10;
	[tilespmem:s31+$0xFFFFFEC0] =	vst v20;
	v20 =	vadd.f32 v21, v2;
	v21 =	vsel vm1, $0x3F800000, v1  }
0x159: {  	[tilespmem:s31+$0xFFFFFED0] =	vst v19;
	v19 =	vadd.f32 v22, v3;
	v22 =	vmul.f32 v21, v11  }
0x15a: {  	v18 =	vadd.f32 v18, v4;
	[tilespmem:s31+$0xFFFFFEE0] =	vst v20;
	v20 =	vmul.f32 v21, v14  }
0x15b: {  	[tilespmem:s31+$0xFFFFFEF0] =	vst v19;
	v19 =	vadd.f32 v22, v8;
	v22 =	vmul.f32 v21, v15  }
0x15c: {  	[tilespmem:s31+$0xFFFFFF00] =	vst v18;
	v18 =	vadd.f32 v20, v9;
	v20 =	vmul.f32 v21, v12  }
0x15d: {  	[tilespmem:s31+$0xFFFFFF10] =	vst v19;
	v19 =	vadd.f32 v22, v6;
	v22 =	vmul.f32 v21, v13  }
0x15e: {  	[tilespmem:s31+$0xFFFFFF20] =	vst v18;
	v18 =	vadd.f32 v20, v7;
	v20 =	vmul.f32 v21, v16  }
0x15f: {  	[tilespmem:s31+$0xFFFFFF30] =	vst v19;
	v19 =	vadd.f32 v22, v5;
	v22 =	vmul.f32 v21, v17  }
0x160: {  	[tilespmem:s31+$0xFFFFFF40] =	vst v18;
	v18 =	vadd.f32 v20, v2;
	v20 =	vmul.f32 v21, v10  }
0x161: {  	v21 =	vmul.f32 v27, v11;
	[tilespmem:s31+$0xFFFFFF50] =	vst v19;
	v19 =	vadd.f32 v22, v3  }
0x162: {  	v22 =	vmul.f32 v27, v14;
	[tilespmem:s31+$0xFFFFFF60] =	vst v18;
	v18 =	vadd.f32 v20, v4  }
0x163: {  	v20 =	vmul.f32 v27, v15;
	v21 =	vadd.f32 v21, v8;
	[tilespmem:s31+$0xFFFFFF70] =	vst v19  }
0x164: {  	v19 =	vmul.f32 v27, v12;
	v22 =	vadd.f32 v22, v9;
	[tilespmem:s31+$0xFFFFFF80] =	vst v18  }
0x165: {  	p0 =	sge.s32 s25, s23;
	vm1 =	vmmov vm0;
	v18 =	vmul.f32 v27, v13;
	v20 =	vadd.f32 v20, v6;
	[tilespmem:s31+$0xFFFFFF90] =	vst v21  }
0x166: {  	vm1 =	vmneg @p0 vm1;
	v21 =	vmul.f32 v27, v16;
	v19 =	vadd.f32 v19, v7;
	[tilespmem:s31+$0xFFFFFFA0] =	vst v22  }
0x167: {  	v23 =	vsel vm1, $0x3F800000, v1;
	v22 =	vmul.f32 v27, v17;
	v18 =	vadd.f32 v18, v5;
	[tilespmem:s31+$0xFFFFFFB0] =	vst v20  }
0x168: {  	v20 =	vadd.f32 v21, v2;
	v21 =	vmul.f32 v23, v11;
	[tilespmem:s31+$0xFFFFFFC0] =	vst v19  }
0x169: {  	v19 =	vadd.f32 v22, v3;
	v22 =	vmul.f32 v23, v14;
	[tilespmem:s31+$0xFFFFFFD0] =	vst v18  }
0x16a: {  	v18 =	vmul.f32 v23, v15;
	v21 =	vadd.f32 v21, v8;
	[tilespmem:s31+$0xFFFFFFE0] =	vst v20  }
0x16b: {  	v20 =	vmul.f32 v23, v12;
	v22 =	vadd.f32 v22, v9;
	[tilespmem:s31+$0xFFFFFFF0] =	vst v19  }
0x16c: {  	v19 =	vmul.f32 v23, v13;
	[tilespmem:s31+$0xFFFFFE10] =	vst v21;
	v18 =	vadd.f32 v18, v6  }
0x16d: {  	v21 =	vmul.f32 v23, v16;
	v20 =	vadd.f32 v20, v7;
	[tilespmem:s31+$0xFFFFFE20] =	vst v22  }
0x16e: {  	p0 =	sle.s32 s23, $0x82;
	vm1 =	vmmov vm0;
	v22 =	vmul.f32 v23, v17;
	v19 =	vadd.f32 v19, v5;
	[tilespmem:s31+$0xFFFFFE30] =	vst v18  }
0x16f: {  	vm1 =	vmneg @p0 vm1;
	v18 =	vmul.f32 v23, v10;
	v21 =	vadd.f32 v21, v2;
	[tilespmem:s31+$0xFFFFFE40] =	vst v20  }
0x170: {  	p1 =	sle.s32 s23, $0x80;
	vm2 =	vmmov vm0;
	v20 =	vadd.f32 v22, v3;
	[tilespmem:s31+$0xFFFFFE50] =	vst v19;
	v19 =	vsel vm1, $0x3F800000, v1  }
0x171: {  	vm2 =	vmneg @p1 vm2;
	v18 =	vadd.f32 v18, v4;
	[tilespmem:s31+$0xFFFFFE60] =	vst v21;
	v21 =	vmul.f32 v19, v10  }
0x172: {  	v25 =	vmul.f32 v19, v12;
	[tilespmem:s31+$0xFFFFFE70] =	vst v20;
	v20 =	vsel vm2, $0x3F800000, v1  }
0x173: {  	s24 =	simm.s32 $0x0;
	[tilespmem:s31+$0xFFFFFE80] =	vst v18;
	s31 =	simm.s32 $0x0;
	v18 =	vmul.f32 v20, v11;
	v21 =	vadd.f32 v21, v4  }
0x174: {  	v22 =	vmul.f32 v20, v14;
	v25 =	vadd.f32 v25, v7;
	[hbm4b:s9+s31] =	stream.linear.scatter [tilespmem:s19], [sflag:$0x1], $0x2000, $0x38;
	[tilespmem:$0x8B80] =	vst v63  }
0x175: {  	v23 =	vmul.f32 v20, v15;
	v18 =	vadd.f32 v18, v8;
	[tilespmem:s24+$0x4CF0] =	vst v21  }
0x176: {  	v24 =	vmul.f32 v20, v12;
	v22 =	vadd.f32 v22, v9;
	[tilespmem:s24+$0x4CB0] =	vst v25  }
0x177: {  	v21 =	vmul.f32 v20, v13;
	[tilespmem:s24+$0x4B80] =	vst v18;
	v18 =	vadd.f32 v23, v6  }
0x178: {  	p0 =	sle.s32 s23, $0x81;
	vm1 =	vmmov vm0;
	v23 =	vmul.f32 v20, v16;
	[tilespmem:s24+$0x4B90] =	vst v22;
	v22 =	vadd.f32 v24, v7  }
0x179: {  	vm1 =	vmneg @p0 vm1;
	v24 =	vmul.f32 v20, v17;
	[tilespmem:s24+$0x4BA0] =	vst v18;
	v18 =	vadd.f32 v21, v5  }
0x17a: {  	v20 =	vmul.f32 v20, v10;
	v21 =	vsel vm1, $0x3F800000, v1;
	[tilespmem:s24+$0x4BB0] =	vst v22;
	v22 =	vadd.f32 v23, v2  }
0x17b: {  	v23 =	vmul.f32 v21, v11;
	[tilespmem:s24+$0x4BC0] =	vst v18;
	v18 =	vadd.f32 v24, v3  }
0x17c: {  	v20 =	vadd.f32 v20, v4;
	v24 =	vmul.f32 v21, v14;
	[tilespmem:s24+$0x4BD0] =	vst v22  }
0x17d: {  	v22 =	vmul.f32 v21, v15;
	[tilespmem:s24+$0x4BE0] =	vst v18;
	v18 =	vadd.f32 v23, v8  }
0x17e: {  	[tilespmem:s24+$0x4BF0] =	vst v20;
	v23 =	vmul.f32 v21, v12;
	v20 =	vadd.f32 v24, v9  }
0x17f: {  	v24 =	vmul.f32 v21, v13;
	[tilespmem:s24+$0x4C00] =	vst v18;
	v18 =	vadd.f32 v22, v6  }
0x180: {  	v26 =	vmul.f32 v19, v16;
	v22 =	vmul.f32 v21, v16;
	[tilespmem:s24+$0x4C10] =	vst v20;
	v20 =	vadd.f32 v23, v7  }
0x181: {  	v23 =	vmul.f32 v21, v17;
	v21 =	vmul.f32 v21, v10;
	[tilespmem:s24+$0x4C20] =	vst v18;
	v18 =	vadd.f32 v24, v5  }
0x182: {  	p0 =	sle.s32 s23, $0x83;
	v26 =	vadd.f32 v26, v2;
	vm1 =	vmmov vm0;
	[tilespmem:s24+$0x4C30] =	vst v20;
	v20 =	vadd.f32 v22, v2  }
0x183: {  	vm1 =	vmneg @p0 vm1;
	v22 =	vmul.f32 v19, v11;
	v21 =	vadd.f32 v21, v4;
	[tilespmem:s24+$0x4C40] =	vst v18  }
0x184: {  	v24 =	vmul.f32 v19, v14;
	v18 =	vadd.f32 v23, v3;
	v23 =	vsel vm1, $0x3F800000, v1;
	[tilespmem:s24+$0x4C50] =	vst v20  }
0x185: {  	v20 =	vmul.f32 v19, v15;
	[tilespmem:s24+$0x4C70] =	vst v21;
	v21 =	vmul.f32 v23, v11  }
0x186: {  	[tilespmem:s24+$0x4CD0] =	vst v26;
	v22 =	vadd.f32 v22, v8;
	v27 =	vmul.f32 v23, v15;
	v63 =	vmul.f32 v23, v12  }
0x187: {  	v24 =	vadd.f32 v24, v9;
	v29 =	vmul.f32 v23, v13;
	[tilespmem:s24+$0x4C60] =	vst v18;
	v18 =	vmul.f32 v19, v13  }
0x188: {  	v25 =	vmul.f32 v23, v17;
	v19 =	vmul.f32 v19, v17;
	v20 =	vadd.f32 v20, v6;
	[tilespmem:s24+$0x4C80] =	vst v22  }
0x189: {  	v22 =	vmul.f32 v23, v14;
	[tilespmem:s24+$0x4C90] =	vst v24;
	v30 =	vadd.f32 v21, v8;
	v18 =	vadd.f32 v18, v5  }
0x18a: {  	v21 =	vadd.f32 v29, v5;
	[tilespmem:s24+$0x4CA0] =	vst v20;
	v20 =	vmul.f32 v23, v16;
	v19 =	vadd.f32 v19, v3  }
0x18b: {  	v24 =	vadd.f32 v22, v9;
	v22 =	vadd.f32 v63, v7;
	[tilespmem:s24+$0x4CC0] =	vst v18;
	v18 =	vmul.f32 v23, v10  }
0x18c: {  	s29 =	simm.s32 $0x85;
	s30 =	simm.s32 $0x86;
	[tilespmem:s24+$0x4D00] =	vst v30;
	v23 =	vadd.f32 v27, v6;
	v20 =	vadd.f32 v20, v2  }
0x18d: {  	s28 =	simm.s32 $0x1000;
	s26 =	simm.s32 $0x800;
	s25 =	simm.s32 $0x87;
	[tilespmem:s24+$0x4CE0] =	vst v19;
	v19 =	vadd.f32 v25, v3;
	v18 =	vadd.f32 v18, v4  }
.LBB2_8:
0x18e: {  	p0 =	sne.s32 s28, $0x7800  }
0x18f: {  	s31 =	sadd.s32 $0xFFFFFFFD, s25;
	p1 =	sge.s32 s30, s23;
	[tilespmem:s24+$0x4D10] =	vst v24;
	p3 =	sge.s32 s29, s23;
	vm1 =	vmmov vm0;
	vm3 =	vmmov vm0  }
0x190: {  	vm2 =	vmmov vm0;
	p2 =	sge.s32 s31, s23;
	vm1 =	vmneg @p1 vm1;
	p1 =	sge.s32 s25, s23;
	[tilespmem:s24+$0x4D20] =	vst v23;
	vm3 =	vmneg @p3 vm3  }
0x191: {  	vm2 =	vmneg @p2 vm2;
	v23 =	vsel vm1, $0x3F800000, v1;
	[tilespmem:s24+$0x4D30] =	vst v22;
	vm1 =	vmmov vm0  }
0x192: {  	v22 =	vsel vm2, $0x3F800000, v1;
	v24 =	vmul.f32 v23, v10;
	vm1 =	vmneg @p1 vm1;
	[tilespmem:s24+$0x4D40] =	vst v21  }
0x193: {  	v25 =	vsel vm3, $0x3F800000, v1;
	v21 =	vmul.f32 v22, v11;
	v26 =	vsel vm1, $0x3F800000, v1;
	[tilespmem:s24+$0x4D50] =	vst v20  }
0x194: {  	v20 =	vmul.f32 v22, v14;
	v27 =	vmul.f32 v22, v15;
	v24 =	vadd.f32 v24, v4;
	[tilespmem:s24+$0x4D60] =	vst v19  }
0x195: {  	v28 =	vmul.f32 v22, v13;
	v19 =	vadd.f32 v21, v8;
	v21 =	vmul.f32 v22, v12;
	[tilespmem:s24+$0x4D70] =	vst v18;
	s24 =	sshra.s32 s26, $0x2;
	s26 =	smov.u32 s28  }
0x196: {  	v29 =	vmul.f32 v22, v17;
	v18 =	vadd.f32 v20, v9;
	v20 =	vmul.f32 v22, v16;
	[tilespmem:s24+$0x4CF0] =	vst v24  }
0x197: {  	v22 =	vmul.f32 v22, v10;
	v24 =	vmul.f32 v25, v11;
	[tilespmem:s24+$0x4B80] =	vst v19;
	v19 =	vadd.f32 v27, v6  }
0x198: {  	v27 =	vmul.f32 v25, v15;
	[tilespmem:s24+$0x4B90] =	vst v18;
	v18 =	vadd.f32 v21, v7;
	v21 =	vmul.f32 v25, v14  }
0x199: {  	v30 =	vmul.f32 v25, v13;
	[tilespmem:s24+$0x4BA0] =	vst v19;
	v19 =	vadd.f32 v28, v5;
	v28 =	vmul.f32 v25, v12  }
0x19a: {  	v31 =	vmul.f32 v25, v17;
	[tilespmem:s24+$0x4BB0] =	vst v18;
	v18 =	vadd.f32 v20, v2;
	v20 =	vmul.f32 v25, v16  }
0x19b: {  	v25 =	vmul.f32 v25, v10;
	[tilespmem:s24+$0x4BC0] =	vst v19;
	v19 =	vadd.f32 v29, v3;
	v29 =	vmul.f32 v23, v11  }
0x19c: {  	v32 =	vmul.f32 v23, v15;
	[tilespmem:s24+$0x4BD0] =	vst v18;
	v18 =	vadd.f32 v22, v4;
	v22 =	vmul.f32 v23, v14  }
0x19d: {  	v33 =	vmul.f32 v23, v13;
	[tilespmem:s24+$0x4BE0] =	vst v19;
	v19 =	vadd.f32 v24, v8;
	v24 =	vmul.f32 v23, v12  }
0x19e: {  	[tilespmem:s24+$0x4BF0] =	vst v18;
	v18 =	vadd.f32 v21, v9;
	v21 =	vmul.f32 v23, v16;
	v23 =	vmul.f32 v23, v17  }
0x19f: {  	v34 =	vmul.f32 v26, v14;
	[tilespmem:s24+$0x4C00] =	vst v19;
	v19 =	vadd.f32 v27, v6;
	v27 =	vmul.f32 v26, v11  }
0x1a0: {  	v35 =	vmul.f32 v26, v12;
	[tilespmem:s24+$0x4C10] =	vst v18;
	v18 =	vadd.f32 v28, v7;
	v28 =	vmul.f32 v26, v15  }
0x1a1: {  	v36 =	vmul.f32 v26, v16;
	[tilespmem:s24+$0x4C20] =	vst v19;
	v19 =	vadd.f32 v30, v5;
	v30 =	vmul.f32 v26, v13  }
0x1a2: {  	v37 =	vmul.f32 v26, v17;
	v26 =	vmul.f32 v26, v10;
	[tilespmem:s24+$0x4C30] =	vst v18;
	v18 =	vadd.f32 v20, v2  }
0x1a3: {  	v20 =	vadd.f32 v25, v4;
	[tilespmem:s24+$0x4C40] =	vst v19;
	v19 =	vadd.f32 v31, v3  }
0x1a4: {  	v22 =	vadd.f32 v22, v9;
	[tilespmem:s24+$0x4C50] =	vst v18;
	v18 =	vadd.f32 v29, v8  }
0x1a5: {  	v25 =	vadd.f32 v24, v7;
	[tilespmem:s24+$0x4C60] =	vst v19;
	v19 =	vadd.f32 v32, v6  }
0x1a6: {  	v31 =	vadd.f32 v21, v2;
	v29 =	vadd.f32 v33, v5;
	[tilespmem:s24+$0x4C70] =	vst v20  }
0x1a7: {  	v27 =	vadd.f32 v27, v8;
	v32 =	vadd.f32 v23, v3;
	[tilespmem:s24+$0x4C80] =	vst v18  }
0x1a8: {  	v24 =	vadd.f32 v34, v9;
	v23 =	vadd.f32 v28, v6;
	[tilespmem:s24+$0x4C90] =	vst v22  }
0x1a9: {  	v21 =	vadd.f32 v30, v5;
	v22 =	vadd.f32 v35, v7;
	[tilespmem:s24+$0x4CA0] =	vst v19  }
.Ltmp3:
0x1aa: {  	v20 =	vadd.f32 v36, v2;
	v19 =	vadd.f32 v37, v3;
	[tilespmem:s24+$0x4CB0] =	vst v25;
	(pc) =	sbr.rel @p0 .LBB2_8-.Ltmp3, $4  }
0x1ab: {  	v18 =	vadd.f32 v26, v4;
	[tilespmem:s24+$0x4CC0] =	vst v29  }
0x1ac: {  	[tilespmem:s24+$0x4CD0] =	vst v31  }
0x1ad: {  	s25 =	sadd.s32 $0x4, s25;
	[tilespmem:s24+$0x4CE0] =	vst v32  }
0x1ae: {  	s29 =	sadd.s32 $0xFFFFFFFE, s25;
	s30 =	sadd.s32 $0xFFFFFFFF, s25;
	s28 =	sadd.s32 $0x800, s28;
	[tilespmem:s24+$0x4D00] =	vst v27  }
0x1af: {  	s28 =	sadd.s32 $0xFFFFFFFD, s25;
	p0 =	sge.s32 s30, s23;
	[tilespmem:s24+$0x4D10] =	vst v24;
	vm1 =	vmmov vm0  }
0x1b0: {  	[tilespmem:s24+$0x4D20] =	vst v23;
	vm2 =	vmmov vm0;
	p1 =	sge.s32 s28, s23;
	vm1 =	vmneg @p0 vm1  }
0x1b1: {  	[tilespmem:s24+$0x4D30] =	vst v22;
	vm2 =	vmneg @p1 vm2;
	v23 =	vsel vm1, $0x3F800000, v1  }
0x1b2: {  	[tilespmem:s24+$0x4D40] =	vst v21;
	v22 =	vsel vm2, $0x3F800000, v1;
	v24 =	vmul.f32 v23, v10  }
0x1b3: {  	[tilespmem:s24+$0x4D50] =	vst v20;
	v21 =	vmul.f32 v22, v11  }
0x1b4: {  	[tilespmem:s24+$0x4D60] =	vst v19;
	v20 =	vmul.f32 v22, v14;
	v24 =	vadd.f32 v24, v4  }
0x1b5: {  	s26 =	sshra.s32 s26, $0x2;
	[tilespmem:s24+$0x4D70] =	vst v18;
	v19 =	vmul.f32 v22, v15;
	v21 =	vadd.f32 v21, v8  }
0x1b6: {  	v18 =	vmul.f32 v22, v12;
	v20 =	vadd.f32 v20, v9;
	[tilespmem:s26+$0x4CF0] =	vst v24  }
0x1b7: {  	v19 =	vadd.f32 v19, v6;
	v24 =	vmul.f32 v22, v13;
	[tilespmem:s26+$0x4B80] =	vst v21  }
0x1b8: {  	p0 =	sge.s32 s29, s23;
	vm1 =	vmmov vm0;
	v18 =	vadd.f32 v18, v7;
	v21 =	vmul.f32 v22, v16;
	[tilespmem:s26+$0x4B90] =	vst v20  }
0x1b9: {  	vm1 =	vmneg @p0 vm1;
	v20 =	vmul.f32 v22, v17;
	[tilespmem:s26+$0x4BA0] =	vst v19;
	v19 =	vadd.f32 v24, v5  }
0x1ba: {  	v22 =	vmul.f32 v22, v10;
	[tilespmem:s26+$0x4BB0] =	vst v18;
	v24 =	vsel vm1, $0x3F800000, v1;
	v18 =	vadd.f32 v21, v2  }
0x1bb: {  	v21 =	vmul.f32 v24, v11;
	[tilespmem:s26+$0x4BC0] =	vst v19;
	v19 =	vadd.f32 v20, v3  }
0x1bc: {  	v20 =	vmul.f32 v24, v14;
	[tilespmem:s26+$0x4BD0] =	vst v18;
	v18 =	vadd.f32 v22, v4  }
0x1bd: {  	v22 =	vmul.f32 v24, v15;
	[tilespmem:s26+$0x4BE0] =	vst v19;
	v19 =	vadd.f32 v21, v8  }
0x1be: {  	v21 =	vmul.f32 v24, v12;
	[tilespmem:s26+$0x4BF0] =	vst v18;
	v18 =	vadd.f32 v20, v9  }
0x1bf: {  	v20 =	vmul.f32 v24, v13;
	[tilespmem:s26+$0x4C00] =	vst v19;
	v19 =	vadd.f32 v22, v6  }
0x1c0: {  	v22 =	vmul.f32 v24, v16;
	[tilespmem:s26+$0x4C10] =	vst v18;
	v18 =	vadd.f32 v21, v7  }
0x1c1: {  	v21 =	vmul.f32 v24, v17;
	[tilespmem:s26+$0x4C20] =	vst v19;
	v19 =	vadd.f32 v20, v5  }
0x1c2: {  	v20 =	vmul.f32 v24, v10;
	[tilespmem:s26+$0x4C30] =	vst v18;
	v18 =	vadd.f32 v22, v2  }
0x1c3: {  	v22 =	vmul.f32 v23, v11;
	[tilespmem:s26+$0x4C40] =	vst v19;
	v19 =	vadd.f32 v21, v3  }
0x1c4: {  	v21 =	vmul.f32 v23, v14;
	v20 =	vadd.f32 v20, v4;
	[tilespmem:s26+$0x4C50] =	vst v18  }
0x1c5: {  	v18 =	vmul.f32 v23, v15;
	v22 =	vadd.f32 v22, v8;
	[tilespmem:s26+$0x4C60] =	vst v19  }
0x1c6: {  	v19 =	vmul.f32 v23, v12;
	v21 =	vadd.f32 v21, v9;
	[tilespmem:s26+$0x4C70] =	vst v20  }
0x1c7: {  	p0 =	sge.s32 s25, s23;
	vm1 =	vmmov vm0;
	v20 =	vmul.f32 v23, v13;
	v18 =	vadd.f32 v18, v6;
	[tilespmem:s26+$0x4C80] =	vst v22  }
0x1c8: {  	vm1 =	vmneg @p0 vm1;
	v22 =	vmul.f32 v23, v16;
	v19 =	vadd.f32 v19, v7;
	[tilespmem:s26+$0x4C90] =	vst v21  }
0x1c9: {  	v23 =	vmul.f32 v23, v17;
	v21 =	vsel vm1, $0x3F800000, v1;
	v20 =	vadd.f32 v20, v5;
	[tilespmem:s26+$0x4CA0] =	vst v18  }
0x1ca: {  	v18 =	vmul.f32 v21, v11;
	v22 =	vadd.f32 v22, v2;
	[tilespmem:s26+$0x4CB0] =	vst v19  }
0x1cb: {  	v23 =	vadd.f32 v23, v3;
	v19 =	vmul.f32 v21, v14;
	[tilespmem:s26+$0x4CC0] =	vst v20  }
0x1cc: {  	v20 =	vmul.f32 v21, v15;
	v18 =	vadd.f32 v18, v8;
	[tilespmem:s26+$0x4CD0] =	vst v22  }
0x1cd: {  	v22 =	vmul.f32 v21, v12;
	[tilespmem:s26+$0x4CE0] =	vst v23;
	v19 =	vadd.f32 v19, v9  }
0x1ce: {  	v20 =	vadd.f32 v20, v6;
	[tilespmem:s26+$0x4D00] =	vst v18;
	v18 =	vmul.f32 v21, v16  }
0x1cf: {  	v23 =	vmul.f32 v21, v13;
	v22 =	vadd.f32 v22, v7;
	[tilespmem:s26+$0x4D10] =	vst v19  }
0x1d0: {  	p0 =	sle.s32 s23, $0xC2;
	vm1 =	vmmov vm0;
	v19 =	vmul.f32 v21, v17;
	[tilespmem:s26+$0x4D20] =	vst v20;
	v18 =	vadd.f32 v18, v2  }
0x1d1: {  	vm1 =	vmneg @p0 vm1;
	v23 =	vadd.f32 v23, v5;
	v20 =	vmul.f32 v21, v10;
	[tilespmem:s26+$0x4D30] =	vst v22  }
0x1d2: {  	p1 =	sle.s32 s23, $0xC0;
	vm2 =	vmmov vm0;
	v19 =	vadd.f32 v19, v3;
	[tilespmem:s26+$0x4D50] =	vst v18;
	v18 =	vsel vm1, $0x3F800000, v1  }
0x1d3: {  	vm2 =	vmneg @p1 vm2;
	[tilespmem:s26+$0x4D40] =	vst v23;
	v20 =	vadd.f32 v20, v4;
	v21 =	vmul.f32 v18, v10  }
0x1d4: {  	[tilespmem:s26+$0x4D60] =	vst v19;
	v19 =	vsel vm2, $0x3F800000, v1;
	v25 =	vmul.f32 v18, v12  }
0x1d5: {  	s31 =	simm.s32 $0x0;
	s24 =	simm.s32 $0x0;
	[tilespmem:s26+$0x4D70] =	vst v20;
	v20 =	vmul.f32 v19, v11;
	v21 =	vadd.f32 v21, v4  }
0x1d6: {  	[hbm4b:s10+s31] =	stream.linear.scatter [tilespmem:s20], [sflag:$0x1], $0x2000, $0x38;
	v22 =	vmul.f32 v19, v14;
	v25 =	vadd.f32 v25, v7;
	[tilespmem:$0x8B80] =	vst v63  }
0x1d7: {  	v23 =	vmul.f32 v19, v15;
	v20 =	vadd.f32 v20, v8;
	[tilespmem:s24+$0x6CF0] =	vst v21  }
0x1d8: {  	v24 =	vmul.f32 v19, v12;
	v22 =	vadd.f32 v22, v9;
	[tilespmem:s24+$0x6CB0] =	vst v25  }
0x1d9: {  	v21 =	vmul.f32 v19, v13;
	[tilespmem:s24+$0x6B80] =	vst v20;
	v20 =	vadd.f32 v23, v6  }
0x1da: {  	p0 =	sle.s32 s23, $0xC1;
	vm1 =	vmmov vm0;
	v23 =	vmul.f32 v19, v16;
	[tilespmem:s24+$0x6B90] =	vst v22;
	v22 =	vadd.f32 v24, v7  }
0x1db: {  	vm1 =	vmneg @p0 vm1;
	v24 =	vmul.f32 v19, v17;
	[tilespmem:s24+$0x6BA0] =	vst v20;
	v20 =	vadd.f32 v21, v5  }
0x1dc: {  	v19 =	vmul.f32 v19, v10;
	v21 =	vsel vm1, $0x3F800000, v1;
	[tilespmem:s24+$0x6BB0] =	vst v22;
	v22 =	vadd.f32 v23, v2  }
0x1dd: {  	v23 =	vmul.f32 v21, v11;
	[tilespmem:s24+$0x6BC0] =	vst v20;
	v20 =	vadd.f32 v24, v3  }
0x1de: {  	v19 =	vadd.f32 v19, v4;
	v24 =	vmul.f32 v21, v14;
	[tilespmem:s24+$0x6BD0] =	vst v22  }
0x1df: {  	v22 =	vmul.f32 v21, v15;
	[tilespmem:s24+$0x6BE0] =	vst v20;
	v20 =	vadd.f32 v23, v8  }
0x1e0: {  	[tilespmem:s24+$0x6BF0] =	vst v19;
	v23 =	vmul.f32 v21, v12;
	v19 =	vadd.f32 v24, v9  }
0x1e1: {  	v24 =	vmul.f32 v21, v13;
	[tilespmem:s24+$0x6C00] =	vst v20;
	v20 =	vadd.f32 v22, v6  }
0x1e2: {  	v26 =	vmul.f32 v18, v16;
	v22 =	vmul.f32 v21, v16;
	[tilespmem:s24+$0x6C10] =	vst v19;
	v19 =	vadd.f32 v23, v7  }
0x1e3: {  	v23 =	vmul.f32 v21, v17;
	v21 =	vmul.f32 v21, v10;
	[tilespmem:s24+$0x6C20] =	vst v20;
	v20 =	vadd.f32 v24, v5  }
0x1e4: {  	p0 =	sle.s32 s23, $0xC3;
	v26 =	vadd.f32 v26, v2;
	vm1 =	vmmov vm0;
	[tilespmem:s24+$0x6C30] =	vst v19;
	v19 =	vadd.f32 v22, v2  }
0x1e5: {  	vm1 =	vmneg @p0 vm1;
	v22 =	vmul.f32 v18, v11;
	v21 =	vadd.f32 v21, v4;
	[tilespmem:s24+$0x6C40] =	vst v20  }
0x1e6: {  	v24 =	vmul.f32 v18, v14;
	v20 =	vadd.f32 v23, v3;
	v23 =	vsel vm1, $0x3F800000, v1;
	[tilespmem:s24+$0x6C50] =	vst v19  }
0x1e7: {  	v19 =	vmul.f32 v18, v15;
	[tilespmem:s24+$0x6C70] =	vst v21;
	v21 =	vmul.f32 v23, v11  }
0x1e8: {  	[tilespmem:s24+$0x6CD0] =	vst v26;
	v22 =	vadd.f32 v22, v8;
	v27 =	vmul.f32 v23, v15;
	v28 =	vmul.f32 v23, v12  }
0x1e9: {  	v24 =	vadd.f32 v24, v9;
	v29 =	vmul.f32 v23, v13;
	v25 =	vmul.f32 v23, v17;
	[tilespmem:s24+$0x6C60] =	vst v20  }
0x1ea: {  	v20 =	vmul.f32 v18, v13;
	v18 =	vmul.f32 v18, v17;
	v19 =	vadd.f32 v19, v6;
	[tilespmem:s24+$0x6C80] =	vst v22  }
0x1eb: {  	v22 =	vmul.f32 v23, v14;
	[tilespmem:s24+$0x6C90] =	vst v24;
	v30 =	vadd.f32 v21, v8;
	v21 =	vadd.f32 v29, v5  }
0x1ec: {  	v20 =	vadd.f32 v20, v5;
	[tilespmem:s24+$0x6CA0] =	vst v19;
	v19 =	vmul.f32 v23, v16;
	v18 =	vadd.f32 v18, v3  }
0x1ed: {  	v31 =	vmul.f32 v23, v10;
	v24 =	vadd.f32 v22, v9;
	v23 =	vadd.f32 v27, v6;
	[tilespmem:s24+$0x6D00] =	vst v30  }
0x1ee: {  	s30 =	simm.s32 $0xC6;
	s29 =	simm.s32 $0xC5;
	v22 =	vadd.f32 v28, v7;
	[tilespmem:s24+$0x6CC0] =	vst v20;
	v20 =	vadd.f32 v19, v2  }
0x1ef: {  	s28 =	simm.s32 $0x1000;
	s25 =	simm.s32 $0xC7;
	s26 =	simm.s32 $0x800;
	[tilespmem:s24+$0x6CE0] =	vst v18;
	v19 =	vadd.f32 v25, v3;
	v18 =	vadd.f32 v31, v4  }
.LBB2_10:
0x1f0: {  	p0 =	sne.s32 s28, $0x7800  }
0x1f1: {  	s31 =	sadd.s32 $0xFFFFFFFD, s25;
	p1 =	sge.s32 s30, s23;
	[tilespmem:s24+$0x6D10] =	vst v24;
	p3 =	sge.s32 s29, s23;
	vm1 =	vmmov vm0;
	vm3 =	vmmov vm0  }
0x1f2: {  	vm2 =	vmmov vm0;
	p2 =	sge.s32 s31, s23;
	vm1 =	vmneg @p1 vm1;
	p1 =	sge.s32 s25, s23;
	[tilespmem:s24+$0x6D20] =	vst v23;
	vm3 =	vmneg @p3 vm3  }
0x1f3: {  	vm2 =	vmneg @p2 vm2;
	v23 =	vsel vm1, $0x3F800000, v1;
	[tilespmem:s24+$0x6D30] =	vst v22;
	vm1 =	vmmov vm0  }
0x1f4: {  	v22 =	vsel vm2, $0x3F800000, v1;
	v24 =	vmul.f32 v23, v10;
	vm1 =	vmneg @p1 vm1;
	[tilespmem:s24+$0x6D40] =	vst v21  }
0x1f5: {  	v25 =	vsel vm3, $0x3F800000, v1;
	v21 =	vmul.f32 v22, v11;
	v26 =	vsel vm1, $0x3F800000, v1;
	[tilespmem:s24+$0x6D50] =	vst v20  }
0x1f6: {  	v20 =	vmul.f32 v22, v14;
	v27 =	vmul.f32 v22, v15;
	v24 =	vadd.f32 v24, v4;
	[tilespmem:s24+$0x6D60] =	vst v19  }
0x1f7: {  	v28 =	vmul.f32 v22, v13;
	v19 =	vadd.f32 v21, v8;
	v21 =	vmul.f32 v22, v12;
	[tilespmem:s24+$0x6D70] =	vst v18;
	s24 =	sshra.s32 s26, $0x2;
	s26 =	smov.u32 s28  }
0x1f8: {  	v29 =	vmul.f32 v22, v17;
	v18 =	vadd.f32 v20, v9;
	v20 =	vmul.f32 v22, v16;
	[tilespmem:s24+$0x6CF0] =	vst v24  }
0x1f9: {  	v22 =	vmul.f32 v22, v10;
	v24 =	vmul.f32 v25, v11;
	[tilespmem:s24+$0x6B80] =	vst v19;
	v19 =	vadd.f32 v27, v6  }
0x1fa: {  	v27 =	vmul.f32 v25, v15;
	[tilespmem:s24+$0x6B90] =	vst v18;
	v18 =	vadd.f32 v21, v7;
	v21 =	vmul.f32 v25, v14  }
0x1fb: {  	v30 =	vmul.f32 v25, v13;
	[tilespmem:s24+$0x6BA0] =	vst v19;
	v19 =	vadd.f32 v28, v5;
	v28 =	vmul.f32 v25, v12  }
0x1fc: {  	v31 =	vmul.f32 v25, v17;
	[tilespmem:s24+$0x6BB0] =	vst v18;
	v18 =	vadd.f32 v20, v2;
	v20 =	vmul.f32 v25, v16  }
0x1fd: {  	v25 =	vmul.f32 v25, v10;
	[tilespmem:s24+$0x6BC0] =	vst v19;
	v19 =	vadd.f32 v29, v3;
	v29 =	vmul.f32 v23, v11  }
0x1fe: {  	v32 =	vmul.f32 v23, v15;
	[tilespmem:s24+$0x6BD0] =	vst v18;
	v18 =	vadd.f32 v22, v4;
	v22 =	vmul.f32 v23, v14  }
0x1ff: {  	v33 =	vmul.f32 v23, v13;
	[tilespmem:s24+$0x6BE0] =	vst v19;
	v19 =	vadd.f32 v24, v8;
	v24 =	vmul.f32 v23, v12  }
0x200: {  	[tilespmem:s24+$0x6BF0] =	vst v18;
	v18 =	vadd.f32 v21, v9;
	v21 =	vmul.f32 v23, v16;
	v23 =	vmul.f32 v23, v17  }
0x201: {  	v34 =	vmul.f32 v26, v14;
	[tilespmem:s24+$0x6C00] =	vst v19;
	v19 =	vadd.f32 v27, v6;
	v27 =	vmul.f32 v26, v11  }
0x202: {  	v35 =	vmul.f32 v26, v12;
	[tilespmem:s24+$0x6C10] =	vst v18;
	v18 =	vadd.f32 v28, v7;
	v28 =	vmul.f32 v26, v15  }
0x203: {  	v36 =	vmul.f32 v26, v16;
	[tilespmem:s24+$0x6C20] =	vst v19;
	v19 =	vadd.f32 v30, v5;
	v30 =	vmul.f32 v26, v13  }
0x204: {  	v37 =	vmul.f32 v26, v17;
	v26 =	vmul.f32 v26, v10;
	[tilespmem:s24+$0x6C30] =	vst v18;
	v18 =	vadd.f32 v20, v2  }
0x205: {  	v20 =	vadd.f32 v25, v4;
	[tilespmem:s24+$0x6C40] =	vst v19;
	v19 =	vadd.f32 v31, v3  }
0x206: {  	v22 =	vadd.f32 v22, v9;
	[tilespmem:s24+$0x6C50] =	vst v18;
	v18 =	vadd.f32 v29, v8  }
0x207: {  	v25 =	vadd.f32 v24, v7;
	[tilespmem:s24+$0x6C60] =	vst v19;
	v19 =	vadd.f32 v32, v6  }
0x208: {  	v31 =	vadd.f32 v21, v2;
	v29 =	vadd.f32 v33, v5;
	[tilespmem:s24+$0x6C70] =	vst v20  }
0x209: {  	v27 =	vadd.f32 v27, v8;
	v32 =	vadd.f32 v23, v3;
	[tilespmem:s24+$0x6C80] =	vst v18  }
0x20a: {  	v24 =	vadd.f32 v34, v9;
	v23 =	vadd.f32 v28, v6;
	[tilespmem:s24+$0x6C90] =	vst v22  }
0x20b: {  	v21 =	vadd.f32 v30, v5;
	v22 =	vadd.f32 v35, v7;
	[tilespmem:s24+$0x6CA0] =	vst v19  }
.Ltmp4:
0x20c: {  	v20 =	vadd.f32 v36, v2;
	v19 =	vadd.f32 v37, v3;
	[tilespmem:s24+$0x6CB0] =	vst v25;
	(pc) =	sbr.rel @p0 .LBB2_10-.Ltmp4, $4  }
0x20d: {  	v18 =	vadd.f32 v26, v4;
	[tilespmem:s24+$0x6CC0] =	vst v29  }
0x20e: {  	[tilespmem:s24+$0x6CD0] =	vst v31  }
0x20f: {  	s25 =	sadd.s32 $0x4, s25;
	[tilespmem:s24+$0x6CE0] =	vst v32  }
0x210: {  	s29 =	sadd.s32 $0xFFFFFFFE, s25;
	s30 =	sadd.s32 $0xFFFFFFFF, s25;
	s28 =	sadd.s32 $0x800, s28;
	[tilespmem:s24+$0x6D00] =	vst v27  }
0x211: {  	p0 =	sge.s32 s30, s23;
	vm1 =	vmmov vm0  }
0x212: {  	s28 =	sadd.s32 $0xFFFFFFFD, s25;
	[tilespmem:s24+$0x6D10] =	vst v24;
	vm1 =	vmneg @p0 vm1  }
0x213: {  	[tilespmem:s24+$0x6D20] =	vst v23;
	vm2 =	vmmov vm0;
	p1 =	sge.s32 s28, s23;
	v50 =	vsel vm1, $0x3F800000, v1  }
0x214: {  	[tilespmem:s24+$0x6D30] =	vst v22;
	vm2 =	vmneg @p1 vm2;
	v52 =	vmul.f32 v50, v10  }
0x215: {  	[tilespmem:s24+$0x6D40] =	vst v21;
	v51 =	vsel vm2, $0x3F800000, v1;
	v46 =	vmul.f32 v50, v16;
	v23 =	vmul.f32 v50, v17  }
0x216: {  	[tilespmem:s24+$0x6D50] =	vst v20;
	v53 =	vmul.f32 v51, v11;
	v54 =	vmul.f32 v51, v14  }
0x217: {  	[tilespmem:s24+$0x6D60] =	vst v19;
	v55 =	vmul.f32 v51, v15;
	v56 =	vmul.f32 v51, v12;
	v24 =	vadd.f32 v52, v4  }
0x218: {  	s26 =	sshra.s32 s26, $0x2;
	[tilespmem:s24+$0x6D70] =	vst v18;
	v57 =	vmul.f32 v51, v13;
	v58 =	vmul.f32 v51, v16;
	v49 =	vadd.f32 v46, v2  }
0x219: {  	v59 =	vmul.f32 v51, v17;
	v22 =	vmul.f32 v51, v10;
	v51 =	vadd.f32 v23, v3;
	[tilespmem:s26+$0x6CF0] =	vst v24  }
0x21a: {  	v21 =	vadd.f32 v53, v8;
	[tilespmem:s26+$0x6CD0] =	vst v49  }
0x21b: {  	v20 =	vadd.f32 v54, v9;
	[tilespmem:s26+$0x6CE0] =	vst v51  }
0x21c: {  	v19 =	vadd.f32 v55, v6;
	[tilespmem:s26+$0x6B80] =	vst v21  }
0x21d: {  	v18 =	vadd.f32 v56, v7;
	[tilespmem:s26+$0x6B90] =	vst v20  }
0x21e: {  	p0 =	sge.s32 s29, s23;
	vm1 =	vmmov vm0;
	v60 =	vadd.f32 v57, v5;
	[tilespmem:s26+$0x6BA0] =	vst v19  }
0x21f: {  	vm1 =	vmneg @p0 vm1;
	v62 =	vadd.f32 v58, v2;
	[tilespmem:s26+$0x6BB0] =	vst v18  }
0x220: {  	v40 =	vmul.f32 v50, v11;
	v61 =	vsel vm1, $0x3F800000, v1;
	v25 =	vadd.f32 v59, v3;
	[tilespmem:s26+$0x6BC0] =	vst v60  }
0x221: {  	v63 =	vmul.f32 v61, v11;
	v27 =	vadd.f32 v22, v4;
	[tilespmem:s26+$0x6BD0] =	vst v62  }
0x222: {  	v26 =	vmul.f32 v61, v14;
	v22 =	vadd.f32 v40, v8;
	[tilespmem:s26+$0x6BE0] =	vst v25  }
0x223: {  	v28 =	vmul.f32 v61, v15;
	v29 =	vadd.f32 v63, v8;
	[tilespmem:s26+$0x6BF0] =	vst v27  }
0x224: {  	v30 =	vmul.f32 v61, v12;
	v31 =	vadd.f32 v26, v9;
	[tilespmem:s26+$0x6C80] =	vst v22  }
0x225: {  	v32 =	vmul.f32 v61, v13;
	v33 =	vadd.f32 v28, v6;
	[tilespmem:s26+$0x6C00] =	vst v29  }
0x226: {  	v34 =	vmul.f32 v61, v16;
	v35 =	vadd.f32 v30, v7;
	[tilespmem:s26+$0x6C10] =	vst v31  }
0x227: {  	v36 =	vmul.f32 v61, v17;
	v37 =	vadd.f32 v32, v5;
	[tilespmem:s26+$0x6C20] =	vst v33  }
0x228: {  	v38 =	vmul.f32 v61, v10;
	v39 =	vadd.f32 v34, v2;
	[tilespmem:s26+$0x6C30] =	vst v35  }
0x229: {  	v42 =	vmul.f32 v50, v14;
	p0 =	sge.s32 s25, s23;
	vm1 =	vmmov vm0;
	v41 =	vadd.f32 v36, v3;
	[tilespmem:s26+$0x6C40] =	vst v37  }
0x22a: {  	v43 =	vmul.f32 v50, v15;
	vm1 =	vmneg @p0 vm1;
	v20 =	vadd.f32 v38, v4;
	[tilespmem:s26+$0x6C50] =	vst v39  }
0x22b: {  	v44 =	vmul.f32 v50, v12;
	v47 =	vsel vm1, $0x3F800000, v1;
	v21 =	vadd.f32 v42, v9;
	[tilespmem:s26+$0x6C60] =	vst v41  }
0x22c: {  	v48 =	vmul.f32 v47, v11;
	v18 =	vadd.f32 v43, v6;
	[tilespmem:s26+$0x6C70] =	vst v20  }
0x22d: {  	v45 =	vmul.f32 v50, v13;
	v50 =	vmul.f32 v47, v14;
	v19 =	vadd.f32 v44, v7;
	[tilespmem:s26+$0x6C90] =	vst v21  }
0x22e: {  	v52 =	vmul.f32 v47, v15;
	v53 =	vadd.f32 v48, v8;
	[tilespmem:s26+$0x6CA0] =	vst v18  }
0x22f: {  	v54 =	vmul.f32 v47, v12;
	v55 =	vadd.f32 v50, v9;
	[tilespmem:s26+$0x6CB0] =	vst v19  }
0x230: {  	v56 =	vmul.f32 v47, v13;
	v57 =	vadd.f32 v52, v6;
	[tilespmem:s26+$0x6D00] =	vst v53  }
0x231: {  	v58 =	vmul.f32 v47, v16;
	v59 =	vadd.f32 v54, v7;
	[tilespmem:s26+$0x6D10] =	vst v55  }
0x232: {  	v61 =	vadd.f32 v56, v5;
	[tilespmem:s26+$0x6D20] =	vst v57  }
0x233: {  	v60 =	vmul.f32 v47, v17;
	v2 =	vadd.f32 v58, v2;
	[tilespmem:s26+$0x6D30] =	vst v59  }
0x234: {  	v62 =	vmul.f32 v47, v10;
	v20 =	vadd.f32 v45, v5;
	[tilespmem:s26+$0x6D40] =	vst v61  }
0x235: {  	v3 =	vadd.f32 v60, v3;
	[tilespmem:s26+$0x6D50] =	vst v2  }
0x236: {  	v63 =	vadd.f32 v62, v4;
	[tilespmem:s26+$0x6CC0] =	vst v20  }
0x237: {  	[tilespmem:s26+$0x6D60] =	vst v3  }
0x238: {  	[tilespmem:s26+$0x6D70] =	vst v63  }
0x239: {  	[hbm4b:s11+s2] =	stream.linear.scatter [tilespmem:s21], [sflag:$0x1], $0x2000, $0x38;
	[tilespmem:$0x8B80] =	vst v63  }
0x23a: {  	_ =	swait.ge [sflag:s15], $0x2000  }
0x23b: {  	[sflag:s15] =	ssyncset.done $0x0  }
0x23c: {  	[sflag:s15] =	ssyncadd.s32 $0xFFFFE000  }
0x23d: {  	_ =	swait.ge [sflag:s15], $0x2000  }
0x23e: {  	[sflag:s15] =	ssyncset.done $0x0  }
0x23f: {  	s22 =	sadd.s32 $0x1, s22;
	[sflag:s15] =	ssyncadd.s32 $0xFFFFE000  }
0x240: {  	p0 =	sne.s32 s22, s12;
	_ =	swait.ge [sflag:s15], $0x2000  }
.Ltmp5:
0x241: {  	[sflag:s15] =	ssyncset.done $0x0;
	(pc) =	sbr.rel @p0 .LBB2_1-.Ltmp5, $4  }
0x242: {  	[sflag:s15] =	ssyncadd.s32 $0xFFFFE000  }
0x243: {  	_ =	swait.ge [sflag:s15], $0x2000  }
0x244: {  	[sflag:s15] =	ssyncset.done $0x0  }
0x245: {  	[sflag:s15] =	ssyncadd.s32 $0xFFFFE000  }
0x246: {  	_ =	sfence.sel $0x180000  }
0x247: {  	[bflag:$0x0] =	sbarrier.arrive $0xFFFF  }
0x248: {  	p0 =	sne.s32 s3, $0x0;
	_ =	strace $0x90000047  }
0x249: {  	s0 =	sadd.s32 @!p0 $0x100000, s0;
	[bflag:$0x2] =	sbarrier.arrive $0xFFFF  }
0x24a: {  	[sflag:s0] =	ssyncadd.tile.s32 @!p0 $0x1;
	_ =	shalt  }
.Lfunc_end2:
_tile_overlayer_lowered:
.L_overlay_start_2:
0x24b: {  	(tag) =	ssettag $0x2  }
0x24c: {  	s0 =	rddreg [dreg:$0x0];
	s2 =	stileid.u32  }
0x24d: {  	s1 =	rddreg [dreg:$0x1];
	p0 =	sne.s32 s2, $0x0  }
0x24e: {  	s3 =	rddreg [dreg:$0x2];
	[bflag:$0x3] =	sbarrier.arrive $0xFFFF;
	s2 =	simm.s32 @!p0 $0x1C02  }
0x24f: {  	[timem:s3], [sflag:s2] =	dma.local @!p0 [hbm:s0], s1  }
0x250: {  	s0 =	simm.s32 @!p0 $0x2  }
0x251: {  	_ =	swait.ge @!p0 [sflag:s0], s1  }
0x252: {  	s1 =	ssub.s32 @!p0 $0x0, s1;
	[sflag:s0] =	ssyncset.done @!p0 $0x0  }
0x253: {  	[sflag:s0] =	ssyncadd.s32 @!p0 s1  }
0x254: {  	[bflag:$0x3] =	sbarrier.arrive $0xFFFF  }
0x255: {  	_ =	shalt  }

</sc_bundles>
